<compile_context>
chip_gen: v7x
topology: tpu7x:2x2x1
jax: 0.10.2.dev20260603
libtpu: 0.0.44.dev20260713+nightly
codegen_flags: <defaults>
</compile_context>

<pallas_src>
import functools

import jax
import jax.numpy as jnp
from jax import lax
from jax.experimental import pallas as pl
from jax.experimental.pallas import tpu as pltpu
from jax.experimental.pallas import tpu_sc as plsc

N_NODES = 10000
D_IN = 128
D_OUT = 128

NCORES = 2
NSUB = 16
NWORKERS = NCORES * NSUB
CHUNK = 128
N_PAD_NODES = 10112
PAD_ROWS_PER_TILE = N_PAD_NODES // NSUB
HGRID = 80
EB = 32
BLK = 1000
BLK_L = PAD_ROWS_PER_TILE


def _sc_mesh():
  return plsc.VectorSubcoreMesh(core_axis_name="c", subcore_axis_name="s")


def _hist_body(d_ref, dinv_ref, acc_ref):
  i = pl.program_id(0)
  n = pl.num_programs(0)

  @pl.when(i == 0)
  def _():
    acc_ref[...] = jnp.zeros_like(acc_ref)

  d = d_ref[...]
  hi = lax.shift_right_logical(d, 7)
  lo = lax.bitwise_and(d, 127)
  ia = lax.broadcasted_iota(jnp.int32, (HGRID, 1), 0)
  ib = lax.broadcasted_iota(jnp.int32, (128, 1), 0)
  acc = jnp.zeros((HGRID, 128), jnp.float32)
  for r in range(EB):
    oh_hi = (hi[r:r + 1, :] == ia).astype(jnp.float32)
    oh_lo = (lo[r:r + 1, :] == ib).astype(jnp.float32)
    acc = acc + lax.dot_general(oh_hi, oh_lo, (((1,), (1,)), ((), ())),
                                preferred_element_type=jnp.float32)
  acc_ref[...] += acc

  @pl.when(i == n - 1)
  def _():
    dinv_ref[...] = lax.rsqrt(acc_ref[...] + 1.0)


def _hist_call(dst2d):
  n_rows = dst2d.shape[0]
  return pl.pallas_call(
      _hist_body,
      grid=(n_rows // EB,),
      in_specs=[pl.BlockSpec((EB, 128), lambda i: (i, 0))],
      out_specs=pl.BlockSpec((HGRID, 128), lambda i: (0, 0)),
      out_shape=jax.ShapeDtypeStruct((HGRID, 128), jnp.float32),
      scratch_shapes=[pltpu.VMEM((HGRID, 128), jnp.float32)],
  )(dst2d)


@functools.lru_cache(maxsize=None)
def _msg_call(cpt):

  @functools.partial(
      pl.kernel,
      out_type=jax.ShapeDtypeStruct((NCORES, N_PAD_NODES, D_OUT), jnp.float32),
      mesh=_sc_mesh(),
      scratch_types=[
          pltpu.VMEM(((2 * cpt) // 5, CHUNK), jnp.int32),
          pltpu.VMEM(((2 * cpt) // 5, CHUNK), jnp.int32),
          pltpu.VMEM((CHUNK, D_OUT), jnp.float32),
          pltpu.VMEM((CHUNK, D_OUT), jnp.float32),
          pltpu.VMEM_SHARED((N_PAD_NODES, D_OUT), jnp.float32),
          pltpu.SemaphoreType.DMA,
          pltpu.SemaphoreType.DMA,
      ],
  )
  def msg_kernel(g_hbm, src_hbm, dst_hbm, out_hbm, src_v, dst_v, rows_v,
                 rows_b, acc_sh, sem, sem_b):
    c = lax.axis_index("c")
    s = lax.axis_index("s")
    wid = s * NCORES + c

    row0 = s * PAD_ROWS_PER_TILE

    @pl.when(c == 0)
    def _():
      for off in range(0, PAD_ROWS_PER_TILE, CHUNK):
        n = min(CHUNK, PAD_ROWS_PER_TILE - off)
        pltpu.sync_copy(g_hbm.at[pl.ds(row0 + off, n)], rows_v.at[pl.ds(0, n)])
        pltpu.sync_copy(rows_v.at[pl.ds(0, n)],
                        acc_sh.at[pl.ds(row0 + off, n)])

    @pl.when(c != 0)
    def _():
      def fillz(i, _):
        for k in range(8):
          rows_v[i, pl.ds(k * 16, 16)] = jnp.zeros((16,), jnp.float32)
        return 0

      lax.fori_loop(0, CHUNK, fillz, 0)
      for off in range(0, PAD_ROWS_PER_TILE, CHUNK):
        n = min(CHUNK, PAD_ROWS_PER_TILE - off)
        pltpu.sync_copy(rows_v.at[pl.ds(0, n)],
                        acc_sh.at[pl.ds(row0 + off, n)])

    plsc.subcore_barrier()

    ph = (2 * cpt) // 5

    def edge_phase(pbase):
      pltpu.sync_copy(src_hbm.at[pl.ds(pbase, ph)], src_v)
      pltpu.sync_copy(dst_hbm.at[pl.ds(pbase, ph)], dst_v)
      pltpu.async_copy(g_hbm.at[src_v.at[0]], rows_v, sem)

      def pair(t, _):
        c0 = 2 * t
        pltpu.make_async_copy(g_hbm.at[src_v.at[c0]], rows_v, sem).wait()
        pltpu.async_copy(g_hbm.at[src_v.at[c0 + 1]], rows_b, sem_b)
        pltpu.sync_copy(rows_v, acc_sh.at[dst_v.at[c0]], add=True)
        pltpu.make_async_copy(g_hbm.at[src_v.at[c0 + 1]], rows_b,
                              sem_b).wait()
        pltpu.async_copy(g_hbm.at[src_v.at[c0 + 2]], rows_v, sem)
        pltpu.sync_copy(rows_b, acc_sh.at[dst_v.at[c0 + 1]], add=True)
        return 0

      lax.fori_loop(0, ph // 2 - 1, pair, 0)
      pltpu.make_async_copy(g_hbm.at[src_v.at[ph - 2]], rows_v, sem).wait()
      pltpu.async_copy(g_hbm.at[src_v.at[ph - 1]], rows_b, sem_b)
      pltpu.sync_copy(rows_v, acc_sh.at[dst_v.at[ph - 2]], add=True)
      pltpu.make_async_copy(g_hbm.at[src_v.at[ph - 1]], rows_b, sem_b).wait()
      pltpu.sync_copy(rows_b, acc_sh.at[dst_v.at[ph - 1]], add=True)

    @pl.when(c == 0)
    def _():
      for phase in range(4):
        edge_phase(s * 4 * ph + phase * ph)

    @pl.when(c != 0)
    def _():
      edge_phase(NSUB * 4 * ph + s * ph)

    plsc.subcore_barrier()

    for off in range(0, PAD_ROWS_PER_TILE, CHUNK):
      n = min(CHUNK, PAD_ROWS_PER_TILE - off)
      pltpu.sync_copy(acc_sh.at[pl.ds(row0 + off, n)], rows_v.at[pl.ds(0, n)])
      pltpu.sync_copy(rows_v.at[pl.ds(0, n)],
                      out_hbm.at[c, pl.ds(row0 + off, n)])

  return msg_kernel


def _lin_body(x_ref, w_ref, dinv_ref, g_ref):
  h = jnp.dot(x_ref[...], w_ref[...], preferred_element_type=jnp.float32)
  g_ref[...] = h * dinv_ref[...]


def _linear_call(xp, W, dinv_col):
  return pl.pallas_call(
      _lin_body,
      grid=(N_PAD_NODES // BLK_L,),
      in_specs=[
          pl.BlockSpec((BLK_L, D_IN), lambda i: (i, 0)),
          pl.BlockSpec((D_IN, D_OUT), lambda i: (0, 0)),
          pl.BlockSpec((BLK_L, 1), lambda i: (i, 0)),
      ],
      out_specs=pl.BlockSpec((BLK_L, D_OUT), lambda i: (i, 0)),
      out_shape=jax.ShapeDtypeStruct((N_PAD_NODES, D_OUT), jnp.float32),
  )(xp, W, dinv_col)


def _out_body(p_ref, dinv_ref, b_ref, o_ref):
  z = (p_ref[0] + p_ref[1]) * dinv_ref[...] + b_ref[...]
  m = jnp.max(z, axis=1, keepdims=True)
  zs = z - m
  o_ref[...] = zs - jnp.log(jnp.sum(jnp.exp(zs), axis=1, keepdims=True))


def _final_call(acc_part, dinv_col, b2):
  return pl.pallas_call(
      _out_body,
      grid=(N_NODES // BLK,),
      in_specs=[
          pl.BlockSpec((NCORES, BLK, D_OUT), lambda i: (0, i, 0)),
          pl.BlockSpec((BLK, 1), lambda i: (i, 0)),
          pl.BlockSpec((1, D_OUT), lambda i: (0, 0)),
      ],
      out_specs=pl.BlockSpec((BLK, D_OUT), lambda i: (i, 0)),
      out_shape=jax.ShapeDtypeStruct((N_NODES, D_OUT), jnp.float32),
  )(acc_part, dinv_col, b2)


def kernel(x, edge_index, W, b):
  n_edges = edge_index.shape[1]
  per_round = CHUNK * NWORKERS
  cpt = -(-n_edges // per_round)
  cpt = -(-cpt // 8) * 8
  e_pad = cpt * per_round
  pad = e_pad - n_edges

  src = jnp.concatenate(
      [edge_index[0], jnp.zeros((pad,), jnp.int32)]).reshape(-1, CHUNK)
  pad_dst = N_NODES + (jnp.arange(pad, dtype=jnp.int32)
                       % (N_PAD_NODES - N_NODES))
  dst = jnp.concatenate([edge_index[1], pad_dst]).reshape(-1, CHUNK)

  dinv2d = _hist_call(dst)
  dinv_col = dinv2d.reshape(HGRID * 128, 1)[:N_PAD_NODES]
  xp = jnp.concatenate(
      [x, jnp.zeros((N_PAD_NODES - N_NODES, D_IN), jnp.float32)])
  g = _linear_call(xp, W, dinv_col)
  acc_part = _msg_call(cpt)(g, src, dst)
  return _final_call(acc_part, dinv_col[:N_NODES], b.reshape(1, D_OUT))

# --- scband reference (transcript-rebuilt; emitter-appended) ---
"""Pipeline reference for scband-single-layer-gcn-52501680226427 (READ-ONLY COPY).

The authoritative reference and input builder live on the scoring server;
editing this copy changes nothing except your own understanding.
"""

import jax, jax.numpy as jnp
import numpy as np

N_NODES = 10000
N_EDGES = 320000
D_IN = 128
D_OUT = 128


def setup_inputs(seed: int = 0) -> dict:
    key = jax.random.key(seed)
    k1, k2, k3 = jax.random.split(key, 3)
    x = jax.random.normal(k1, (N_NODES, D_IN), dtype=jnp.float32)
    edge_index = jax.random.randint(k2, (2, N_EDGES), 0, N_NODES, dtype=jnp.int32)
    # GCNConv parameters: linear weight (no bias in lin) + post-aggregation bias
    W = jax.random.normal(k3, (D_IN, D_OUT), dtype=jnp.float32) * (1.0 / np.sqrt(D_IN))
    b = jnp.zeros((D_OUT,), dtype=jnp.float32)
    return {"x": x, "edge_index": edge_index, "W": W, "b": b}


def reference(x, edge_index, W, b):
    # PyG GCNConv with default settings: add self-loops, symmetric normalization
    src = edge_index[0]
    dst = edge_index[1]
    loop = jnp.arange(N_NODES, dtype=src.dtype)
    src = jnp.concatenate([src, loop], axis=0)
    dst = jnp.concatenate([dst, loop], axis=0)
    # degree of (A + I) computed on destination nodes with unit edge weights
    deg = jnp.zeros((N_NODES,), dtype=jnp.float32).at[dst].add(1.0)
    deg_inv_sqrt = jnp.where(deg > 0, 1.0 / jnp.sqrt(deg), 0.0)
    norm = deg_inv_sqrt[src] * deg_inv_sqrt[dst]
    # linear transform then normalized message passing (scatter-add)
    h = x @ W
    msgs = h[src] * norm[:, None]
    agg = jnp.zeros((N_NODES, D_OUT), dtype=jnp.float32).at[dst].add(msgs)
    out = agg + b
    return jax.nn.log_softmax(out, axis=1)

if __name__ == "__main__":
    import jax
    _d = setup_inputs()
    print(jax.jit(kernel)(*tuple(_d.values())))

</pallas_src>

<mosaic_0001>
#map = affine_map<(d0, d1) -> (0, 0)>
#map1 = affine_map<(d0, d1) -> (0, 0, 0)>
module attributes {stable_mosaic.version = 14 : i64} {
  func.func @msg_kernel(%arg0: i32, %arg1: i32, %arg2: memref<10112x128xf32, #tpu.memory_space<hbm>>, %arg3: memref<2560x128xi32, #tpu.memory_space<hbm>>, %arg4: memref<2560x128xi32, #tpu.memory_space<hbm>>, %arg5: memref<2x10112x128xf32, #tpu.memory_space<hbm>>, %arg6: memref<32x128xi32, #tpu.memory_space<vmem>>, %arg7: memref<32x128xi32, #tpu.memory_space<vmem>>, %arg8: memref<128x128xf32, #tpu.memory_space<vmem>>, %arg9: memref<128x128xf32, #tpu.memory_space<vmem>>, %arg10: memref<10112x128xf32, #tpu.memory_space<vmem_shared>>, %arg11: memref<!tpu.dma_semaphore, #tpu.memory_space<semaphore_mem>>, %arg12: memref<!tpu.dma_semaphore, #tpu.memory_space<semaphore_mem>>) attributes {dimension_semantics = [#tpu.dimension_semantics<core_parallel>, #tpu.dimension_semantics<subcore_parallel>], iteration_bounds = array<i64: 2, 16>, scalar_prefetch = 0 : i64, scratch_operands = 7 : i64, tpu.core_type = #tpu.core_type<sc_vector_subcore>, window_params = [{transform_indices = #map}, {transform_indices = #map}, {transform_indices = #map}, {transform_indices = #map1}]} {
    %mul3A = arith.constant 2 : i32
    %mul3A_0 = arith.muli %arg1, %mul3A : i32
    %add3A = arith.addi %mul3A_0, %arg0 : i32
    %mul3A_1 = arith.constant 632 : i32
    %mul3A_2 = arith.muli %arg1, %mul3A_1 : i32
    %eq3A = arith.constant 0 : i32
    %eq3A_3 = arith.cmpi eq, %arg0, %eq3A : i32
    %convert_element_type3A = arith.extui %eq3A_3 : i1 to i32
    %cond3A = arith.constant 0 : i32
    %cond3A_4 = arith.cmpi ne, %convert_element_type3A, %cond3A : i32
    scf.if %cond3A_4 {
      %add3A_40 = arith.constant 0 : i32
      %add3A_41 = arith.addi %mul3A_2, %add3A_40 : i32
      "tpu.region"() ({
        %run_scoped3A = tpu.sem_alloc : memref<!tpu.dma_semaphore, #tpu.memory_space<semaphore_mem>>
        %dma_start3A = arith.constant 0 : i32
        %dma_start3A_60 = arith.constant 0 : i32
        %dma_start3A_61 = tpu.memref_slice %arg8[%dma_start3A, %dma_start3A_60] : memref<128x128xf32, #tpu.memory_space<vmem>> -> memref<128x128xf32, #tpu.memory_space<vmem>>
        %dma_start3A_62 = arith.constant 0 : i32
        %dma_start3A_63 = tpu.memref_slice %arg2[%add3A_41, %dma_start3A_62] : memref<10112x128xf32, #tpu.memory_space<hbm>> -> memref<128x128xf32, #tpu.memory_space<hbm>>
        %dma_start3A_64 = arith.constant 0 : i32
        %dma_start3A_65 = arith.constant 0 : i32
        %dma_start3A_66 = tpu.memref_slice %arg8[%dma_start3A_64, %dma_start3A_65] : memref<128x128xf32, #tpu.memory_space<vmem>> -> memref<128x128xf32, #tpu.memory_space<vmem>>
        %dma_start3A_67 = arith.constant 0 : i32
        %dma_start3A_68 = tpu.memref_slice %arg2[%add3A_41, %dma_start3A_67] : memref<10112x128xf32, #tpu.memory_space<hbm>> -> memref<128x128xf32, #tpu.memory_space<hbm>>
        tpu.enqueue_dma source(%dma_start3A_68 : memref<128x128xf32, #tpu.memory_space<hbm>>) target(%dma_start3A_66 : memref<128x128xf32, #tpu.memory_space<vmem>>) target_semaphore(%run_scoped3A : memref<!tpu.dma_semaphore, #tpu.memory_space<semaphore_mem>>)
        %dma_wait3A = arith.constant 0 : i32
        %dma_wait3A_69 = arith.constant 0 : i32
        %dma_wait3A_70 = tpu.memref_slice %arg8[%dma_wait3A, %dma_wait3A_69] : memref<128x128xf32, #tpu.memory_space<vmem>> -> memref<128x128xf32, #tpu.memory_space<vmem>>
        %dma_wait3A_71 = arith.constant 0 : i32
        %dma_wait3A_72 = tpu.memref_slice %arg2[%add3A_41, %dma_wait3A_71] : memref<10112x128xf32, #tpu.memory_space<hbm>> -> memref<128x128xf32, #tpu.memory_space<hbm>>
        %dma_wait3A_73 = arith.constant 0 : i32
        %dma_wait3A_74 = arith.constant 0 : i32
        %dma_wait3A_75 = tpu.memref_slice %arg8[%dma_wait3A_73, %dma_wait3A_74] : memref<128x128xf32, #tpu.memory_space<vmem>> -> memref<128x128xf32, #tpu.memory_space<vmem>>
        %dma_wait3A_76 = arith.constant 0 : i32
        %dma_wait3A_77 = tpu.memref_slice %arg2[%add3A_41, %dma_wait3A_76] : memref<10112x128xf32, #tpu.memory_space<hbm>> -> memref<128x128xf32, #tpu.memory_space<hbm>>
        tpu.wait_dma2 semaphore(%run_scoped3A : memref<!tpu.dma_semaphore, #tpu.memory_space<semaphore_mem>>) src(%dma_wait3A_77 : memref<128x128xf32, #tpu.memory_space<hbm>>) dst(%dma_wait3A_75 : memref<128x128xf32, #tpu.memory_space<vmem>>)
        tpu.yield
      }) : () -> ()
      %add3A_42 = arith.constant 0 : i32
      %add3A_43 = arith.addi %mul3A_2, %add3A_42 : i32
      "tpu.region"() ({
        %run_scoped3A = tpu.sem_alloc : memref<!tpu.dma_semaphore, #tpu.memory_space<semaphore_mem>>
        %dma_start3A = arith.constant 0 : i32
        %dma_start3A_60 = arith.constant 0 : i32
        %dma_start3A_61 = tpu.memref_slice %arg8[%dma_start3A, %dma_start3A_60] : memref<128x128xf32, #tpu.memory_space<vmem>> -> memref<128x128xf32, #tpu.memory_space<vmem>>
        %dma_start3A_62 = arith.constant 0 : i32
        %dma_start3A_63 = tpu.memref_slice %arg10[%add3A_43, %dma_start3A_62] : memref<10112x128xf32, #tpu.memory_space<vmem_shared>> -> memref<128x128xf32, #tpu.memory_space<vmem_shared>>
        %dma_start3A_64 = arith.constant 0 : i32
        %dma_start3A_65 = tpu.memref_slice %arg10[%add3A_43, %dma_start3A_64] : memref<10112x128xf32, #tpu.memory_space<vmem_shared>> -> memref<128x128xf32, #tpu.memory_space<vmem_shared>>
        %dma_start3A_66 = arith.constant 0 : i32
        %dma_start3A_67 = arith.constant 0 : i32
        %dma_start3A_68 = tpu.memref_slice %arg8[%dma_start3A_66, %dma_start3A_67] : memref<128x128xf32, #tpu.memory_space<vmem>> -> memref<128x128xf32, #tpu.memory_space<vmem>>
        tpu.enqueue_dma source(%dma_start3A_68 : memref<128x128xf32, #tpu.memory_space<vmem>>) target(%dma_start3A_65 : memref<128x128xf32, #tpu.memory_space<vmem_shared>>) target_semaphore(%run_scoped3A : memref<!tpu.dma_semaphore, #tpu.memory_space<semaphore_mem>>)
        %dma_wait3A = arith.constant 0 : i32
        %dma_wait3A_69 = arith.constant 0 : i32
        %dma_wait3A_70 = tpu.memref_slice %arg8[%dma_wait3A, %dma_wait3A_69] : memref<128x128xf32, #tpu.memory_space<vmem>> -> memref<128x128xf32, #tpu.memory_space<vmem>>
        %dma_wait3A_71 = arith.constant 0 : i32
        %dma_wait3A_72 = tpu.memref_slice %arg10[%add3A_43, %dma_wait3A_71] : memref<10112x128xf32, #tpu.memory_space<vmem_shared>> -> memref<128x128xf32, #tpu.memory_space<vmem_shared>>
        %dma_wait3A_73 = arith.constant 0 : i32
        %dma_wait3A_74 = tpu.memref_slice %arg10[%add3A_43, %dma_wait3A_73] : memref<10112x128xf32, #tpu.memory_space<vmem_shared>> -> memref<128x128xf32, #tpu.memory_space<vmem_shared>>
        %dma_wait3A_75 = arith.constant 0 : i32
        %dma_wait3A_76 = arith.constant 0 : i32
        %dma_wait3A_77 = tpu.memref_slice %arg8[%dma_wait3A_75, %dma_wait3A_76] : memref<128x128xf32, #tpu.memory_space<vmem>> -> memref<128x128xf32, #tpu.memory_space<vmem>>
        tpu.wait_dma2 semaphore(%run_scoped3A : memref<!tpu.dma_semaphore, #tpu.memory_space<semaphore_mem>>) src(%dma_wait3A_77 : memref<128x128xf32, #tpu.memory_space<vmem>>) dst(%dma_wait3A_74 : memref<128x128xf32, #tpu.memory_space<vmem_shared>>)
        tpu.yield
      }) : () -> ()
      %add3A_44 = arith.constant 128 : i32
      %add3A_45 = arith.addi %mul3A_2, %add3A_44 : i32
      "tpu.region"() ({
        %run_scoped3A = tpu.sem_alloc : memref<!tpu.dma_semaphore, #tpu.memory_space<semaphore_mem>>
        %dma_start3A = arith.constant 0 : i32
        %dma_start3A_60 = arith.constant 0 : i32
        %dma_start3A_61 = tpu.memref_slice %arg8[%dma_start3A, %dma_start3A_60] : memref<128x128xf32, #tpu.memory_space<vmem>> -> memref<128x128xf32, #tpu.memory_space<vmem>>
        %dma_start3A_62 = arith.constant 0 : i32
        %dma_start3A_63 = tpu.memref_slice %arg2[%add3A_45, %dma_start3A_62] : memref<10112x128xf32, #tpu.memory_space<hbm>> -> memref<128x128xf32, #tpu.memory_space<hbm>>
        %dma_start3A_64 = arith.constant 0 : i32
        %dma_start3A_65 = arith.constant 0 : i32
        %dma_start3A_66 = tpu.memref_slice %arg8[%dma_start3A_64, %dma_start3A_65] : memref<128x128xf32, #tpu.memory_space<vmem>> -> memref<128x128xf32, #tpu.memory_space<vmem>>
        %dma_start3A_67 = arith.constant 0 : i32
        %dma_start3A_68 = tpu.memref_slice %arg2[%add3A_45, %dma_start3A_67] : memref<10112x128xf32, #tpu.memory_space<hbm>> -> memref<128x128xf32, #tpu.memory_space<hbm>>
        tpu.enqueue_dma source(%dma_start3A_68 : memref<128x128xf32, #tpu.memory_space<hbm>>) target(%dma_start3A_66 : memref<128x128xf32, #tpu.memory_space<vmem>>) target_semaphore(%run_scoped3A : memref<!tpu.dma_semaphore, #tpu.memory_space<semaphore_mem>>)
        %dma_wait3A = arith.constant 0 : i32
        %dma_wait3A_69 = arith.constant 0 : i32
        %dma_wait3A_70 = tpu.memref_slice %arg8[%dma_wait3A, %dma_wait3A_69] : memref<128x128xf32, #tpu.memory_space<vmem>> -> memref<128x128xf32, #tpu.memory_space<vmem>>
        %dma_wait3A_71 = arith.constant 0 : i32
        %dma_wait3A_72 = tpu.memref_slice %arg2[%add3A_45, %dma_wait3A_71] : memref<10112x128xf32, #tpu.memory_space<hbm>> -> memref<128x128xf32, #tpu.memory_space<hbm>>
        %dma_wait3A_73 = arith.constant 0 : i32
        %dma_wait3A_74 = arith.constant 0 : i32
        %dma_wait3A_75 = tpu.memref_slice %arg8[%dma_wait3A_73, %dma_wait3A_74] : memref<128x128xf32, #tpu.memory_space<vmem>> -> memref<128x128xf32, #tpu.memory_space<vmem>>
        %dma_wait3A_76 = arith.constant 0 : i32
        %dma_wait3A_77 = tpu.memref_slice %arg2[%add3A_45, %dma_wait3A_76] : memref<10112x128xf32, #tpu.memory_space<hbm>> -> memref<128x128xf32, #tpu.memory_space<hbm>>
        tpu.wait_dma2 semaphore(%run_scoped3A : memref<!tpu.dma_semaphore, #tpu.memory_space<semaphore_mem>>) src(%dma_wait3A_77 : memref<128x128xf32, #tpu.memory_space<hbm>>) dst(%dma_wait3A_75 : memref<128x128xf32, #tpu.memory_space<vmem>>)
        tpu.yield
      }) : () -> ()
      %add3A_46 = arith.constant 128 : i32
      %add3A_47 = arith.addi %mul3A_2, %add3A_46 : i32
      "tpu.region"() ({
        %run_scoped3A = tpu.sem_alloc : memref<!tpu.dma_semaphore, #tpu.memory_space<semaphore_mem>>
        %dma_start3A = arith.constant 0 : i32
        %dma_start3A_60 = arith.constant 0 : i32
        %dma_start3A_61 = tpu.memref_slice %arg8[%dma_start3A, %dma_start3A_60] : memref<128x128xf32, #tpu.memory_space<vmem>> -> memref<128x128xf32, #tpu.memory_space<vmem>>
        %dma_start3A_62 = arith.constant 0 : i32
        %dma_start3A_63 = tpu.memref_slice %arg10[%add3A_47, %dma_start3A_62] : memref<10112x128xf32, #tpu.memory_space<vmem_shared>> -> memref<128x128xf32, #tpu.memory_space<vmem_shared>>
        %dma_start3A_64 = arith.constant 0 : i32
        %dma_start3A_65 = tpu.memref_slice %arg10[%add3A_47, %dma_start3A_64] : memref<10112x128xf32, #tpu.memory_space<vmem_shared>> -> memref<128x128xf32, #tpu.memory_space<vmem_shared>>
        %dma_start3A_66 = arith.constant 0 : i32
        %dma_start3A_67 = arith.constant 0 : i32
        %dma_start3A_68 = tpu.memref_slice %arg8[%dma_start3A_66, %dma_start3A_67] : memref<128x128xf32, #tpu.memory_space<vmem>> -> memref<128x128xf32, #tpu.memory_space<vmem>>
        tpu.enqueue_dma source(%dma_start3A_68 : memref<128x128xf32, #tpu.memory_space<vmem>>) target(%dma_start3A_65 : memref<128x128xf32, #tpu.memory_space<vmem_shared>>) target_semaphore(%run_scoped3A : memref<!tpu.dma_semaphore, #tpu.memory_space<semaphore_mem>>)
        %dma_wait3A = arith.constant 0 : i32
        %dma_wait3A_69 = arith.constant 0 : i32
        %dma_wait3A_70 = tpu.memref_slice %arg8[%dma_wait3A, %dma_wait3A_69] : memref<128x128xf32, #tpu.memory_space<vmem>> -> memref<128x128xf32, #tpu.memory_space<vmem>>
        %dma_wait3A_71 = arith.constant 0 : i32
        %dma_wait3A_72 = tpu.memref_slice %arg10[%add3A_47, %dma_wait3A_71] : memref<10112x128xf32, #tpu.memory_space<vmem_shared>> -> memref<128x128xf32, #tpu.memory_space<vmem_shared>>
        %dma_wait3A_73 = arith.constant 0 : i32
        %dma_wait3A_74 = tpu.memref_slice %arg10[%add3A_47, %dma_wait3A_73] : memref<10112x128xf32, #tpu.memory_space<vmem_shared>> -> memref<128x128xf32, #tpu.memory_space<vmem_shared>>
        %dma_wait3A_75 = arith.constant 0 : i32
        %dma_wait3A_76 = arith.constant 0 : i32
        %dma_wait3A_77 = tpu.memref_slice %arg8[%dma_wait3A_75, %dma_wait3A_76] : memref<128x128xf32, #tpu.memory_space<vmem>> -> memref<128x128xf32, #tpu.memory_space<vmem>>
        tpu.wait_dma2 semaphore(%run_scoped3A : memref<!tpu.dma_semaphore, #tpu.memory_space<semaphore_mem>>) src(%dma_wait3A_77 : memref<128x128xf32, #tpu.memory_space<vmem>>) dst(%dma_wait3A_74 : memref<128x128xf32, #tpu.memory_space<vmem_shared>>)
        tpu.yield
      }) : () -> ()
      %add3A_48 = arith.constant 256 : i32
      %add3A_49 = arith.addi %mul3A_2, %add3A_48 : i32
      "tpu.region"() ({
        %run_scoped3A = tpu.sem_alloc : memref<!tpu.dma_semaphore, #tpu.memory_space<semaphore_mem>>
        %dma_start3A = arith.constant 0 : i32
        %dma_start3A_60 = arith.constant 0 : i32
        %dma_start3A_61 = tpu.memref_slice %arg8[%dma_start3A, %dma_start3A_60] : memref<128x128xf32, #tpu.memory_space<vmem>> -> memref<128x128xf32, #tpu.memory_space<vmem>>
        %dma_start3A_62 = arith.constant 0 : i32
        %dma_start3A_63 = tpu.memref_slice %arg2[%add3A_49, %dma_start3A_62] : memref<10112x128xf32, #tpu.memory_space<hbm>> -> memref<128x128xf32, #tpu.memory_space<hbm>>
        %dma_start3A_64 = arith.constant 0 : i32
        %dma_start3A_65 = arith.constant 0 : i32
        %dma_start3A_66 = tpu.memref_slice %arg8[%dma_start3A_64, %dma_start3A_65] : memref<128x128xf32, #tpu.memory_space<vmem>> -> memref<128x128xf32, #tpu.memory_space<vmem>>
        %dma_start3A_67 = arith.constant 0 : i32
        %dma_start3A_68 = tpu.memref_slice %arg2[%add3A_49, %dma_start3A_67] : memref<10112x128xf32, #tpu.memory_space<hbm>> -> memref<128x128xf32, #tpu.memory_space<hbm>>
        tpu.enqueue_dma source(%dma_start3A_68 : memref<128x128xf32, #tpu.memory_space<hbm>>) target(%dma_start3A_66 : memref<128x128xf32, #tpu.memory_space<vmem>>) target_semaphore(%run_scoped3A : memref<!tpu.dma_semaphore, #tpu.memory_space<semaphore_mem>>)
        %dma_wait3A = arith.constant 0 : i32
        %dma_wait3A_69 = arith.constant 0 : i32
        %dma_wait3A_70 = tpu.memref_slice %arg8[%dma_wait3A, %dma_wait3A_69] : memref<128x128xf32, #tpu.memory_space<vmem>> -> memref<128x128xf32, #tpu.memory_space<vmem>>
        %dma_wait3A_71 = arith.constant 0 : i32
        %dma_wait3A_72 = tpu.memref_slice %arg2[%add3A_49, %dma_wait3A_71] : memref<10112x128xf32, #tpu.memory_space<hbm>> -> memref<128x128xf32, #tpu.memory_space<hbm>>
        %dma_wait3A_73 = arith.constant 0 : i32
        %dma_wait3A_74 = arith.constant 0 : i32
        %dma_wait3A_75 = tpu.memref_slice %arg8[%dma_wait3A_73, %dma_wait3A_74] : memref<128x128xf32, #tpu.memory_space<vmem>> -> memref<128x128xf32, #tpu.memory_space<vmem>>
        %dma_wait3A_76 = arith.constant 0 : i32
        %dma_wait3A_77 = tpu.memref_slice %arg2[%add3A_49, %dma_wait3A_76] : memref<10112x128xf32, #tpu.memory_space<hbm>> -> memref<128x128xf32, #tpu.memory_space<hbm>>
        tpu.wait_dma2 semaphore(%run_scoped3A : memref<!tpu.dma_semaphore, #tpu.memory_space<semaphore_mem>>) src(%dma_wait3A_77 : memref<128x128xf32, #tpu.memory_space<hbm>>) dst(%dma_wait3A_75 : memref<128x128xf32, #tpu.memory_space<vmem>>)
        tpu.yield
      }) : () -> ()
      %add3A_50 = arith.constant 256 : i32
      %add3A_51 = arith.addi %mul3A_2, %add3A_50 : i32
      "tpu.region"() ({
        %run_scoped3A = tpu.sem_alloc : memref<!tpu.dma_semaphore, #tpu.memory_space<semaphore_mem>>
        %dma_start3A = arith.constant 0 : i32
        %dma_start3A_60 = arith.constant 0 : i32
        %dma_start3A_61 = tpu.memref_slice %arg8[%dma_start3A, %dma_start3A_60] : memref<128x128xf32, #tpu.memory_space<vmem>> -> memref<128x128xf32, #tpu.memory_space<vmem>>
        %dma_start3A_62 = arith.constant 0 : i32
        %dma_start3A_63 = tpu.memref_slice %arg10[%add3A_51, %dma_start3A_62] : memref<10112x128xf32, #tpu.memory_space<vmem_shared>> -> memref<128x128xf32, #tpu.memory_space<vmem_shared>>
        %dma_start3A_64 = arith.constant 0 : i32
        %dma_start3A_65 = tpu.memref_slice %arg10[%add3A_51, %dma_start3A_64] : memref<10112x128xf32, #tpu.memory_space<vmem_shared>> -> memref<128x128xf32, #tpu.memory_space<vmem_shared>>
        %dma_start3A_66 = arith.constant 0 : i32
        %dma_start3A_67 = arith.constant 0 : i32
        %dma_start3A_68 = tpu.memref_slice %arg8[%dma_start3A_66, %dma_start3A_67] : memref<128x128xf32, #tpu.memory_space<vmem>> -> memref<128x128xf32, #tpu.memory_space<vmem>>
        tpu.enqueue_dma source(%dma_start3A_68 : memref<128x128xf32, #tpu.memory_space<vmem>>) target(%dma_start3A_65 : memref<128x128xf32, #tpu.memory_space<vmem_shared>>) target_semaphore(%run_scoped3A : memref<!tpu.dma_semaphore, #tpu.memory_space<semaphore_mem>>)
        %dma_wait3A = arith.constant 0 : i32
        %dma_wait3A_69 = arith.constant 0 : i32
        %dma_wait3A_70 = tpu.memref_slice %arg8[%dma_wait3A, %dma_wait3A_69] : memref<128x128xf32, #tpu.memory_space<vmem>> -> memref<128x128xf32, #tpu.memory_space<vmem>>
        %dma_wait3A_71 = arith.constant 0 : i32
        %dma_wait3A_72 = tpu.memref_slice %arg10[%add3A_51, %dma_wait3A_71] : memref<10112x128xf32, #tpu.memory_space<vmem_shared>> -> memref<128x128xf32, #tpu.memory_space<vmem_shared>>
        %dma_wait3A_73 = arith.constant 0 : i32
        %dma_wait3A_74 = tpu.memref_slice %arg10[%add3A_51, %dma_wait3A_73] : memref<10112x128xf32, #tpu.memory_space<vmem_shared>> -> memref<128x128xf32, #tpu.memory_space<vmem_shared>>
        %dma_wait3A_75 = arith.constant 0 : i32
        %dma_wait3A_76 = arith.constant 0 : i32
        %dma_wait3A_77 = tpu.memref_slice %arg8[%dma_wait3A_75, %dma_wait3A_76] : memref<128x128xf32, #tpu.memory_space<vmem>> -> memref<128x128xf32, #tpu.memory_space<vmem>>
        tpu.wait_dma2 semaphore(%run_scoped3A : memref<!tpu.dma_semaphore, #tpu.memory_space<semaphore_mem>>) src(%dma_wait3A_77 : memref<128x128xf32, #tpu.memory_space<vmem>>) dst(%dma_wait3A_74 : memref<128x128xf32, #tpu.memory_space<vmem_shared>>)
        tpu.yield
      }) : () -> ()
      %add3A_52 = arith.constant 384 : i32
      %add3A_53 = arith.addi %mul3A_2, %add3A_52 : i32
      "tpu.region"() ({
        %run_scoped3A = tpu.sem_alloc : memref<!tpu.dma_semaphore, #tpu.memory_space<semaphore_mem>>
        %dma_start3A = arith.constant 0 : i32
        %dma_start3A_60 = arith.constant 0 : i32
        %dma_start3A_61 = tpu.memref_slice %arg8[%dma_start3A, %dma_start3A_60] : memref<128x128xf32, #tpu.memory_space<vmem>> -> memref<128x128xf32, #tpu.memory_space<vmem>>
        %dma_start3A_62 = arith.constant 0 : i32
        %dma_start3A_63 = tpu.memref_slice %arg2[%add3A_53, %dma_start3A_62] : memref<10112x128xf32, #tpu.memory_space<hbm>> -> memref<128x128xf32, #tpu.memory_space<hbm>>
        %dma_start3A_64 = arith.constant 0 : i32
        %dma_start3A_65 = arith.constant 0 : i32
        %dma_start3A_66 = tpu.memref_slice %arg8[%dma_start3A_64, %dma_start3A_65] : memref<128x128xf32, #tpu.memory_space<vmem>> -> memref<128x128xf32, #tpu.memory_space<vmem>>
        %dma_start3A_67 = arith.constant 0 : i32
        %dma_start3A_68 = tpu.memref_slice %arg2[%add3A_53, %dma_start3A_67] : memref<10112x128xf32, #tpu.memory_space<hbm>> -> memref<128x128xf32, #tpu.memory_space<hbm>>
        tpu.enqueue_dma source(%dma_start3A_68 : memref<128x128xf32, #tpu.memory_space<hbm>>) target(%dma_start3A_66 : memref<128x128xf32, #tpu.memory_space<vmem>>) target_semaphore(%run_scoped3A : memref<!tpu.dma_semaphore, #tpu.memory_space<semaphore_mem>>)
        %dma_wait3A = arith.constant 0 : i32
        %dma_wait3A_69 = arith.constant 0 : i32
        %dma_wait3A_70 = tpu.memref_slice %arg8[%dma_wait3A, %dma_wait3A_69] : memref<128x128xf32, #tpu.memory_space<vmem>> -> memref<128x128xf32, #tpu.memory_space<vmem>>
        %dma_wait3A_71 = arith.constant 0 : i32
        %dma_wait3A_72 = tpu.memref_slice %arg2[%add3A_53, %dma_wait3A_71] : memref<10112x128xf32, #tpu.memory_space<hbm>> -> memref<128x128xf32, #tpu.memory_space<hbm>>
        %dma_wait3A_73 = arith.constant 0 : i32
        %dma_wait3A_74 = arith.constant 0 : i32
        %dma_wait3A_75 = tpu.memref_slice %arg8[%dma_wait3A_73, %dma_wait3A_74] : memref<128x128xf32, #tpu.memory_space<vmem>> -> memref<128x128xf32, #tpu.memory_space<vmem>>
        %dma_wait3A_76 = arith.constant 0 : i32
        %dma_wait3A_77 = tpu.memref_slice %arg2[%add3A_53, %dma_wait3A_76] : memref<10112x128xf32, #tpu.memory_space<hbm>> -> memref<128x128xf32, #tpu.memory_space<hbm>>
        tpu.wait_dma2 semaphore(%run_scoped3A : memref<!tpu.dma_semaphore, #tpu.memory_space<semaphore_mem>>) src(%dma_wait3A_77 : memref<128x128xf32, #tpu.memory_space<hbm>>) dst(%dma_wait3A_75 : memref<128x128xf32, #tpu.memory_space<vmem>>)
        tpu.yield
      }) : () -> ()
      %add3A_54 = arith.constant 384 : i32
      %add3A_55 = arith.addi %mul3A_2, %add3A_54 : i32
      "tpu.region"() ({
        %run_scoped3A = tpu.sem_alloc : memref<!tpu.dma_semaphore, #tpu.memory_space<semaphore_mem>>
        %dma_start3A = arith.constant 0 : i32
        %dma_start3A_60 = arith.constant 0 : i32
        %dma_start3A_61 = tpu.memref_slice %arg8[%dma_start3A, %dma_start3A_60] : memref<128x128xf32, #tpu.memory_space<vmem>> -> memref<128x128xf32, #tpu.memory_space<vmem>>
        %dma_start3A_62 = arith.constant 0 : i32
        %dma_start3A_63 = tpu.memref_slice %arg10[%add3A_55, %dma_start3A_62] : memref<10112x128xf32, #tpu.memory_space<vmem_shared>> -> memref<128x128xf32, #tpu.memory_space<vmem_shared>>
        %dma_start3A_64 = arith.constant 0 : i32
        %dma_start3A_65 = tpu.memref_slice %arg10[%add3A_55, %dma_start3A_64] : memref<10112x128xf32, #tpu.memory_space<vmem_shared>> -> memref<128x128xf32, #tpu.memory_space<vmem_shared>>
        %dma_start3A_66 = arith.constant 0 : i32
        %dma_start3A_67 = arith.constant 0 : i32
        %dma_start3A_68 = tpu.memref_slice %arg8[%dma_start3A_66, %dma_start3A_67] : memref<128x128xf32, #tpu.memory_space<vmem>> -> memref<128x128xf32, #tpu.memory_space<vmem>>
        tpu.enqueue_dma source(%dma_start3A_68 : memref<128x128xf32, #tpu.memory_space<vmem>>) target(%dma_start3A_65 : memref<128x128xf32, #tpu.memory_space<vmem_shared>>) target_semaphore(%run_scoped3A : memref<!tpu.dma_semaphore, #tpu.memory_space<semaphore_mem>>)
        %dma_wait3A = arith.constant 0 : i32
        %dma_wait3A_69 = arith.constant 0 : i32
        %dma_wait3A_70 = tpu.memref_slice %arg8[%dma_wait3A, %dma_wait3A_69] : memref<128x128xf32, #tpu.memory_space<vmem>> -> memref<128x128xf32, #tpu.memory_space<vmem>>
        %dma_wait3A_71 = arith.constant 0 : i32
        %dma_wait3A_72 = tpu.memref_slice %arg10[%add3A_55, %dma_wait3A_71] : memref<10112x128xf32, #tpu.memory_space<vmem_shared>> -> memref<128x128xf32, #tpu.memory_space<vmem_shared>>
        %dma_wait3A_73 = arith.constant 0 : i32
        %dma_wait3A_74 = tpu.memref_slice %arg10[%add3A_55, %dma_wait3A_73] : memref<10112x128xf32, #tpu.memory_space<vmem_shared>> -> memref<128x128xf32, #tpu.memory_space<vmem_shared>>
        %dma_wait3A_75 = arith.constant 0 : i32
        %dma_wait3A_76 = arith.constant 0 : i32
        %dma_wait3A_77 = tpu.memref_slice %arg8[%dma_wait3A_75, %dma_wait3A_76] : memref<128x128xf32, #tpu.memory_space<vmem>> -> memref<128x128xf32, #tpu.memory_space<vmem>>
        tpu.wait_dma2 semaphore(%run_scoped3A : memref<!tpu.dma_semaphore, #tpu.memory_space<semaphore_mem>>) src(%dma_wait3A_77 : memref<128x128xf32, #tpu.memory_space<vmem>>) dst(%dma_wait3A_74 : memref<128x128xf32, #tpu.memory_space<vmem_shared>>)
        tpu.yield
      }) : () -> ()
      %add3A_56 = arith.constant 512 : i32
      %add3A_57 = arith.addi %mul3A_2, %add3A_56 : i32
      "tpu.region"() ({
        %run_scoped3A = tpu.sem_alloc : memref<!tpu.dma_semaphore, #tpu.memory_space<semaphore_mem>>
        %dma_start3A = arith.constant 0 : i32
        %dma_start3A_60 = arith.constant 0 : i32
        %dma_start3A_61 = tpu.memref_slice %arg8[%dma_start3A, %dma_start3A_60] : memref<128x128xf32, #tpu.memory_space<vmem>> -> memref<120x128xf32, #tpu.memory_space<vmem>>
        %dma_start3A_62 = arith.constant 0 : i32
        %dma_start3A_63 = tpu.memref_slice %arg2[%add3A_57, %dma_start3A_62] : memref<10112x128xf32, #tpu.memory_space<hbm>> -> memref<120x128xf32, #tpu.memory_space<hbm>>
        %dma_start3A_64 = arith.constant 0 : i32
        %dma_start3A_65 = arith.constant 0 : i32
        %dma_start3A_66 = tpu.memref_slice %arg8[%dma_start3A_64, %dma_start3A_65] : memref<128x128xf32, #tpu.memory_space<vmem>> -> memref<120x128xf32, #tpu.memory_space<vmem>>
        %dma_start3A_67 = arith.constant 0 : i32
        %dma_start3A_68 = tpu.memref_slice %arg2[%add3A_57, %dma_start3A_67] : memref<10112x128xf32, #tpu.memory_space<hbm>> -> memref<120x128xf32, #tpu.memory_space<hbm>>
        tpu.enqueue_dma source(%dma_start3A_68 : memref<120x128xf32, #tpu.memory_space<hbm>>) target(%dma_start3A_66 : memref<120x128xf32, #tpu.memory_space<vmem>>) target_semaphore(%run_scoped3A : memref<!tpu.dma_semaphore, #tpu.memory_space<semaphore_mem>>)
        %dma_wait3A = arith.constant 0 : i32
        %dma_wait3A_69 = arith.constant 0 : i32
        %dma_wait3A_70 = tpu.memref_slice %arg8[%dma_wait3A, %dma_wait3A_69] : memref<128x128xf32, #tpu.memory_space<vmem>> -> memref<120x128xf32, #tpu.memory_space<vmem>>
        %dma_wait3A_71 = arith.constant 0 : i32
        %dma_wait3A_72 = tpu.memref_slice %arg2[%add3A_57, %dma_wait3A_71] : memref<10112x128xf32, #tpu.memory_space<hbm>> -> memref<120x128xf32, #tpu.memory_space<hbm>>
        %dma_wait3A_73 = arith.constant 0 : i32
        %dma_wait3A_74 = arith.constant 0 : i32
        %dma_wait3A_75 = tpu.memref_slice %arg8[%dma_wait3A_73, %dma_wait3A_74] : memref<128x128xf32, #tpu.memory_space<vmem>> -> memref<120x128xf32, #tpu.memory_space<vmem>>
        %dma_wait3A_76 = arith.constant 0 : i32
        %dma_wait3A_77 = tpu.memref_slice %arg2[%add3A_57, %dma_wait3A_76] : memref<10112x128xf32, #tpu.memory_space<hbm>> -> memref<120x128xf32, #tpu.memory_space<hbm>>
        tpu.wait_dma2 semaphore(%run_scoped3A : memref<!tpu.dma_semaphore, #tpu.memory_space<semaphore_mem>>) src(%dma_wait3A_77 : memref<120x128xf32, #tpu.memory_space<hbm>>) dst(%dma_wait3A_75 : memref<120x128xf32, #tpu.memory_space<vmem>>)
        tpu.yield
      }) : () -> ()
      %add3A_58 = arith.constant 512 : i32
      %add3A_59 = arith.addi %mul3A_2, %add3A_58 : i32
      "tpu.region"() ({
        %run_scoped3A = tpu.sem_alloc : memref<!tpu.dma_semaphore, #tpu.memory_space<semaphore_mem>>
        %dma_start3A = arith.constant 0 : i32
        %dma_start3A_60 = arith.constant 0 : i32
        %dma_start3A_61 = tpu.memref_slice %arg8[%dma_start3A, %dma_start3A_60] : memref<128x128xf32, #tpu.memory_space<vmem>> -> memref<120x128xf32, #tpu.memory_space<vmem>>
        %dma_start3A_62 = arith.constant 0 : i32
        %dma_start3A_63 = tpu.memref_slice %arg10[%add3A_59, %dma_start3A_62] : memref<10112x128xf32, #tpu.memory_space<vmem_shared>> -> memref<120x128xf32, #tpu.memory_space<vmem_shared>>
        %dma_start3A_64 = arith.constant 0 : i32
        %dma_start3A_65 = tpu.memref_slice %arg10[%add3A_59, %dma_start3A_64] : memref<10112x128xf32, #tpu.memory_space<vmem_shared>> -> memref<120x128xf32, #tpu.memory_space<vmem_shared>>
        %dma_start3A_66 = arith.constant 0 : i32
        %dma_start3A_67 = arith.constant 0 : i32
        %dma_start3A_68 = tpu.memref_slice %arg8[%dma_start3A_66, %dma_start3A_67] : memref<128x128xf32, #tpu.memory_space<vmem>> -> memref<120x128xf32, #tpu.memory_space<vmem>>
        tpu.enqueue_dma source(%dma_start3A_68 : memref<120x128xf32, #tpu.memory_space<vmem>>) target(%dma_start3A_65 : memref<120x128xf32, #tpu.memory_space<vmem_shared>>) target_semaphore(%run_scoped3A : memref<!tpu.dma_semaphore, #tpu.memory_space<semaphore_mem>>)
        %dma_wait3A = arith.constant 0 : i32
        %dma_wait3A_69 = arith.constant 0 : i32
        %dma_wait3A_70 = tpu.memref_slice %arg8[%dma_wait3A, %dma_wait3A_69] : memref<128x128xf32, #tpu.memory_space<vmem>> -> memref<120x128xf32, #tpu.memory_space<vmem>>
        %dma_wait3A_71 = arith.constant 0 : i32
        %dma_wait3A_72 = tpu.memref_slice %arg10[%add3A_59, %dma_wait3A_71] : memref<10112x128xf32, #tpu.memory_space<vmem_shared>> -> memref<120x128xf32, #tpu.memory_space<vmem_shared>>
        %dma_wait3A_73 = arith.constant 0 : i32
        %dma_wait3A_74 = tpu.memref_slice %arg10[%add3A_59, %dma_wait3A_73] : memref<10112x128xf32, #tpu.memory_space<vmem_shared>> -> memref<120x128xf32, #tpu.memory_space<vmem_shared>>
        %dma_wait3A_75 = arith.constant 0 : i32
        %dma_wait3A_76 = arith.constant 0 : i32
        %dma_wait3A_77 = tpu.memref_slice %arg8[%dma_wait3A_75, %dma_wait3A_76] : memref<128x128xf32, #tpu.memory_space<vmem>> -> memref<120x128xf32, #tpu.memory_space<vmem>>
        tpu.wait_dma2 semaphore(%run_scoped3A : memref<!tpu.dma_semaphore, #tpu.memory_space<semaphore_mem>>) src(%dma_wait3A_77 : memref<120x128xf32, #tpu.memory_space<vmem>>) dst(%dma_wait3A_74 : memref<120x128xf32, #tpu.memory_space<vmem_shared>>)
        tpu.yield
      }) : () -> ()
    } else {
    }
    %ne3A = arith.constant 0 : i32
    %ne3A_5 = arith.cmpi ne, %arg0, %ne3A : i32
    %convert_element_type3A_6 = arith.extui %ne3A_5 : i1 to i32
    %cond3A_7 = arith.constant 0 : i32
    %cond3A_8 = arith.cmpi ne, %convert_element_type3A_6, %cond3A_7 : i32
    scf.if %cond3A_8 {
      %scan3A = arith.constant 0 : i32
      %scan3A_40 = arith.constant 0 : i32
      %scan3A_41 = arith.constant 128 : i32
      %scan3A_42 = arith.addi %scan3A_40, %scan3A_41 : i32
      %scan3A_43 = arith.constant 1 : i32
      %scan3A_44 = scf.for %scan3A_56 = %scan3A_40 to %scan3A_42 step %scan3A_43 iter_args(%scan3A_57 = %scan3A) -> (i32)  : i32 {
        %broadcast_in_dim3A = arith.constant 0.000000e+00 : f32
        %broadcast_in_dim3A_58 = vector.broadcast %broadcast_in_dim3A : f32 to vector<16xf32>
        %swap3A = arith.index_cast %scan3A_56 : i32 to index
        %swap3A_59 = arith.constant 0 : index
        %swap3A_60 = tpu.vector_load %arg8[%swap3A, %swap3A_59] {strides = array<i32>} : memref<128x128xf32, #tpu.memory_space<vmem>>, vector<1x16xf32>,
        %swap3A_61 = vector.shape_cast %swap3A_60 : vector<1x16xf32> to vector<16xf32>
        %swap3A_62 = vector.shape_cast %broadcast_in_dim3A_58 : vector<16xf32> to vector<1x16xf32>
        tpu.vector_store %arg8[%swap3A, %swap3A_59], %swap3A_62 {strides = array<i32>} : memref<128x128xf32, #tpu.memory_space<vmem>>, vector<1x16xf32>,
        %broadcast_in_dim3A_63 = arith.constant 0.000000e+00 : f32
        %broadcast_in_dim3A_64 = vector.broadcast %broadcast_in_dim3A_63 : f32 to vector<16xf32>
        %swap3A_65 = arith.index_cast %scan3A_56 : i32 to index
        %swap3A_66 = arith.constant 16 : index
        %swap3A_67 = tpu.vector_load %arg8[%swap3A_65, %swap3A_66] {strides = array<i32>} : memref<128x128xf32, #tpu.memory_space<vmem>>, vector<1x16xf32>,
        %swap3A_68 = vector.shape_cast %swap3A_67 : vector<1x16xf32> to vector<16xf32>
        %swap3A_69 = vector.shape_cast %broadcast_in_dim3A_64 : vector<16xf32> to vector<1x16xf32>
        tpu.vector_store %arg8[%swap3A_65, %swap3A_66], %swap3A_69 {strides = array<i32>} : memref<128x128xf32, #tpu.memory_space<vmem>>, vector<1x16xf32>,
        %broadcast_in_dim3A_70 = arith.constant 0.000000e+00 : f32
        %broadcast_in_dim3A_71 = vector.broadcast %broadcast_in_dim3A_70 : f32 to vector<16xf32>
        %swap3A_72 = arith.index_cast %scan3A_56 : i32 to index
        %swap3A_73 = arith.constant 32 : index
        %swap3A_74 = tpu.vector_load %arg8[%swap3A_72, %swap3A_73] {strides = array<i32>} : memref<128x128xf32, #tpu.memory_space<vmem>>, vector<1x16xf32>,
        %swap3A_75 = vector.shape_cast %swap3A_74 : vector<1x16xf32> to vector<16xf32>
        %swap3A_76 = vector.shape_cast %broadcast_in_dim3A_71 : vector<16xf32> to vector<1x16xf32>
        tpu.vector_store %arg8[%swap3A_72, %swap3A_73], %swap3A_76 {strides = array<i32>} : memref<128x128xf32, #tpu.memory_space<vmem>>, vector<1x16xf32>,
        %broadcast_in_dim3A_77 = arith.constant 0.000000e+00 : f32
        %broadcast_in_dim3A_78 = vector.broadcast %broadcast_in_dim3A_77 : f32 to vector<16xf32>
        %swap3A_79 = arith.index_cast %scan3A_56 : i32 to index
        %swap3A_80 = arith.constant 48 : index
        %swap3A_81 = tpu.vector_load %arg8[%swap3A_79, %swap3A_80] {strides = array<i32>} : memref<128x128xf32, #tpu.memory_space<vmem>>, vector<1x16xf32>,
        %swap3A_82 = vector.shape_cast %swap3A_81 : vector<1x16xf32> to vector<16xf32>
        %swap3A_83 = vector.shape_cast %broadcast_in_dim3A_78 : vector<16xf32> to vector<1x16xf32>
        tpu.vector_store %arg8[%swap3A_79, %swap3A_80], %swap3A_83 {strides = array<i32>} : memref<128x128xf32, #tpu.memory_space<vmem>>, vector<1x16xf32>,
        %broadcast_in_dim3A_84 = arith.constant 0.000000e+00 : f32
        %broadcast_in_dim3A_85 = vector.broadcast %broadcast_in_dim3A_84 : f32 to vector<16xf32>
        %swap3A_86 = arith.index_cast %scan3A_56 : i32 to index
        %swap3A_87 = arith.constant 64 : index
        %swap3A_88 = tpu.vector_load %arg8[%swap3A_86, %swap3A_87] {strides = array<i32>} : memref<128x128xf32, #tpu.memory_space<vmem>>, vector<1x16xf32>,
        %swap3A_89 = vector.shape_cast %swap3A_88 : vector<1x16xf32> to vector<16xf32>
        %swap3A_90 = vector.shape_cast %broadcast_in_dim3A_85 : vector<16xf32> to vector<1x16xf32>
        tpu.vector_store %arg8[%swap3A_86, %swap3A_87], %swap3A_90 {strides = array<i32>} : memref<128x128xf32, #tpu.memory_space<vmem>>, vector<1x16xf32>,
        %broadcast_in_dim3A_91 = arith.constant 0.000000e+00 : f32
        %broadcast_in_dim3A_92 = vector.broadcast %broadcast_in_dim3A_91 : f32 to vector<16xf32>
        %swap3A_93 = arith.index_cast %scan3A_56 : i32 to index
        %swap3A_94 = arith.constant 80 : index
        %swap3A_95 = tpu.vector_load %arg8[%swap3A_93, %swap3A_94] {strides = array<i32>} : memref<128x128xf32, #tpu.memory_space<vmem>>, vector<1x16xf32>,
        %swap3A_96 = vector.shape_cast %swap3A_95 : vector<1x16xf32> to vector<16xf32>
        %swap3A_97 = vector.shape_cast %broadcast_in_dim3A_92 : vector<16xf32> to vector<1x16xf32>
        tpu.vector_store %arg8[%swap3A_93, %swap3A_94], %swap3A_97 {strides = array<i32>} : memref<128x128xf32, #tpu.memory_space<vmem>>, vector<1x16xf32>,
        %broadcast_in_dim3A_98 = arith.constant 0.000000e+00 : f32
        %broadcast_in_dim3A_99 = vector.broadcast %broadcast_in_dim3A_98 : f32 to vector<16xf32>
        %swap3A_100 = arith.index_cast %scan3A_56 : i32 to index
        %swap3A_101 = arith.constant 96 : index
        %swap3A_102 = tpu.vector_load %arg8[%swap3A_100, %swap3A_101] {strides = array<i32>} : memref<128x128xf32, #tpu.memory_space<vmem>>, vector<1x16xf32>,
        %swap3A_103 = vector.shape_cast %swap3A_102 : vector<1x16xf32> to vector<16xf32>
        %swap3A_104 = vector.shape_cast %broadcast_in_dim3A_99 : vector<16xf32> to vector<1x16xf32>
        tpu.vector_store %arg8[%swap3A_100, %swap3A_101], %swap3A_104 {strides = array<i32>} : memref<128x128xf32, #tpu.memory_space<vmem>>, vector<1x16xf32>,
        %broadcast_in_dim3A_105 = arith.constant 0.000000e+00 : f32
        %broadcast_in_dim3A_106 = vector.broadcast %broadcast_in_dim3A_105 : f32 to vector<16xf32>
        %swap3A_107 = arith.index_cast %scan3A_56 : i32 to index
        %swap3A_108 = arith.constant 112 : index
        %swap3A_109 = tpu.vector_load %arg8[%swap3A_107, %swap3A_108] {strides = array<i32>} : memref<128x128xf32, #tpu.memory_space<vmem>>, vector<1x16xf32>,
        %swap3A_110 = vector.shape_cast %swap3A_109 : vector<1x16xf32> to vector<16xf32>
        %swap3A_111 = vector.shape_cast %broadcast_in_dim3A_106 : vector<16xf32> to vector<1x16xf32>
        tpu.vector_store %arg8[%swap3A_107, %swap3A_108], %swap3A_111 {strides = array<i32>} : memref<128x128xf32, #tpu.memory_space<vmem>>, vector<1x16xf32>,
        %scan3A_112 = arith.constant 0 : i32
        scf.yield %scan3A_112 : i32
      }
      %scan3A_45 = arith.constant 128 : i32
      %add3A_46 = arith.constant 0 : i32
      %add3A_47 = arith.addi %mul3A_2, %add3A_46 : i32
      "tpu.region"() ({
        %run_scoped3A = tpu.sem_alloc : memref<!tpu.dma_semaphore, #tpu.memory_space<semaphore_mem>>
        %dma_start3A = arith.constant 0 : i32
        %dma_start3A_56 = arith.constant 0 : i32
        %dma_start3A_57 = tpu.memref_slice %arg8[%dma_start3A, %dma_start3A_56] : memref<128x128xf32, #tpu.memory_space<vmem>> -> memref<128x128xf32, #tpu.memory_space<vmem>>
        %dma_start3A_58 = arith.constant 0 : i32
        %dma_start3A_59 = tpu.memref_slice %arg10[%add3A_47, %dma_start3A_58] : memref<10112x128xf32, #tpu.memory_space<vmem_shared>> -> memref<128x128xf32, #tpu.memory_space<vmem_shared>>
        %dma_start3A_60 = arith.constant 0 : i32
        %dma_start3A_61 = tpu.memref_slice %arg10[%add3A_47, %dma_start3A_60] : memref<10112x128xf32, #tpu.memory_space<vmem_shared>> -> memref<128x128xf32, #tpu.memory_space<vmem_shared>>
        %dma_start3A_62 = arith.constant 0 : i32
        %dma_start3A_63 = arith.constant 0 : i32
        %dma_start3A_64 = tpu.memref_slice %arg8[%dma_start3A_62, %dma_start3A_63] : memref<128x128xf32, #tpu.memory_space<vmem>> -> memref<128x128xf32, #tpu.memory_space<vmem>>
        tpu.enqueue_dma source(%dma_start3A_64 : memref<128x128xf32, #tpu.memory_space<vmem>>) target(%dma_start3A_61 : memref<128x128xf32, #tpu.memory_space<vmem_shared>>) target_semaphore(%run_scoped3A : memref<!tpu.dma_semaphore, #tpu.memory_space<semaphore_mem>>)
        %dma_wait3A = arith.constant 0 : i32
        %dma_wait3A_65 = arith.constant 0 : i32
        %dma_wait3A_66 = tpu.memref_slice %arg8[%dma_wait3A, %dma_wait3A_65] : memref<128x128xf32, #tpu.memory_space<vmem>> -> memref<128x128xf32, #tpu.memory_space<vmem>>
        %dma_wait3A_67 = arith.constant 0 : i32
        %dma_wait3A_68 = tpu.memref_slice %arg10[%add3A_47, %dma_wait3A_67] : memref<10112x128xf32, #tpu.memory_space<vmem_shared>> -> memref<128x128xf32, #tpu.memory_space<vmem_shared>>
        %dma_wait3A_69 = arith.constant 0 : i32
        %dma_wait3A_70 = tpu.memref_slice %arg10[%add3A_47, %dma_wait3A_69] : memref<10112x128xf32, #tpu.memory_space<vmem_shared>> -> memref<128x128xf32, #tpu.memory_space<vmem_shared>>
        %dma_wait3A_71 = arith.constant 0 : i32
        %dma_wait3A_72 = arith.constant 0 : i32
        %dma_wait3A_73 = tpu.memref_slice %arg8[%dma_wait3A_71, %dma_wait3A_72] : memref<128x128xf32, #tpu.memory_space<vmem>> -> memref<128x128xf32, #tpu.memory_space<vmem>>
        tpu.wait_dma2 semaphore(%run_scoped3A : memref<!tpu.dma_semaphore, #tpu.memory_space<semaphore_mem>>) src(%dma_wait3A_73 : memref<128x128xf32, #tpu.memory_space<vmem>>) dst(%dma_wait3A_70 : memref<128x128xf32, #tpu.memory_space<vmem_shared>>)
        tpu.yield
      }) : () -> ()
      %add3A_48 = arith.constant 128 : i32
      %add3A_49 = arith.addi %mul3A_2, %add3A_48 : i32
      "tpu.region"() ({
        %run_scoped3A = tpu.sem_alloc : memref<!tpu.dma_semaphore, #tpu.memory_space<semaphore_mem>>
        %dma_start3A = arith.constant 0 : i32
        %dma_start3A_56 = arith.constant 0 : i32
        %dma_start3A_57 = tpu.memref_slice %arg8[%dma_start3A, %dma_start3A_56] : memref<128x128xf32, #tpu.memory_space<vmem>> -> memref<128x128xf32, #tpu.memory_space<vmem>>
        %dma_start3A_58 = arith.constant 0 : i32
        %dma_start3A_59 = tpu.memref_slice %arg10[%add3A_49, %dma_start3A_58] : memref<10112x128xf32, #tpu.memory_space<vmem_shared>> -> memref<128x128xf32, #tpu.memory_space<vmem_shared>>
        %dma_start3A_60 = arith.constant 0 : i32
        %dma_start3A_61 = tpu.memref_slice %arg10[%add3A_49, %dma_start3A_60] : memref<10112x128xf32, #tpu.memory_space<vmem_shared>> -> memref<128x128xf32, #tpu.memory_space<vmem_shared>>
        %dma_start3A_62 = arith.constant 0 : i32
        %dma_start3A_63 = arith.constant 0 : i32
        %dma_start3A_64 = tpu.memref_slice %arg8[%dma_start3A_62, %dma_start3A_63] : memref<128x128xf32, #tpu.memory_space<vmem>> -> memref<128x128xf32, #tpu.memory_space<vmem>>
        tpu.enqueue_dma source(%dma_start3A_64 : memref<128x128xf32, #tpu.memory_space<vmem>>) target(%dma_start3A_61 : memref<128x128xf32, #tpu.memory_space<vmem_shared>>) target_semaphore(%run_scoped3A : memref<!tpu.dma_semaphore, #tpu.memory_space<semaphore_mem>>)
        %dma_wait3A = arith.constant 0 : i32
        %dma_wait3A_65 = arith.constant 0 : i32
        %dma_wait3A_66 = tpu.memref_slice %arg8[%dma_wait3A, %dma_wait3A_65] : memref<128x128xf32, #tpu.memory_space<vmem>> -> memref<128x128xf32, #tpu.memory_space<vmem>>
        %dma_wait3A_67 = arith.constant 0 : i32
        %dma_wait3A_68 = tpu.memref_slice %arg10[%add3A_49, %dma_wait3A_67] : memref<10112x128xf32, #tpu.memory_space<vmem_shared>> -> memref<128x128xf32, #tpu.memory_space<vmem_shared>>
        %dma_wait3A_69 = arith.constant 0 : i32
        %dma_wait3A_70 = tpu.memref_slice %arg10[%add3A_49, %dma_wait3A_69] : memref<10112x128xf32, #tpu.memory_space<vmem_shared>> -> memref<128x128xf32, #tpu.memory_space<vmem_shared>>
        %dma_wait3A_71 = arith.constant 0 : i32
        %dma_wait3A_72 = arith.constant 0 : i32
        %dma_wait3A_73 = tpu.memref_slice %arg8[%dma_wait3A_71, %dma_wait3A_72] : memref<128x128xf32, #tpu.memory_space<vmem>> -> memref<128x128xf32, #tpu.memory_space<vmem>>
        tpu.wait_dma2 semaphore(%run_scoped3A : memref<!tpu.dma_semaphore, #tpu.memory_space<semaphore_mem>>) src(%dma_wait3A_73 : memref<128x128xf32, #tpu.memory_space<vmem>>) dst(%dma_wait3A_70 : memref<128x128xf32, #tpu.memory_space<vmem_shared>>)
        tpu.yield
      }) : () -> ()
      %add3A_50 = arith.constant 256 : i32
      %add3A_51 = arith.addi %mul3A_2, %add3A_50 : i32
      "tpu.region"() ({
        %run_scoped3A = tpu.sem_alloc : memref<!tpu.dma_semaphore, #tpu.memory_space<semaphore_mem>>
        %dma_start3A = arith.constant 0 : i32
        %dma_start3A_56 = arith.constant 0 : i32
        %dma_start3A_57 = tpu.memref_slice %arg8[%dma_start3A, %dma_start3A_56] : memref<128x128xf32, #tpu.memory_space<vmem>> -> memref<128x128xf32, #tpu.memory_space<vmem>>
        %dma_start3A_58 = arith.constant 0 : i32
        %dma_start3A_59 = tpu.memref_slice %arg10[%add3A_51, %dma_start3A_58] : memref<10112x128xf32, #tpu.memory_space<vmem_shared>> -> memref<128x128xf32, #tpu.memory_space<vmem_shared>>
        %dma_start3A_60 = arith.constant 0 : i32
        %dma_start3A_61 = tpu.memref_slice %arg10[%add3A_51, %dma_start3A_60] : memref<10112x128xf32, #tpu.memory_space<vmem_shared>> -> memref<128x128xf32, #tpu.memory_space<vmem_shared>>
        %dma_start3A_62 = arith.constant 0 : i32
        %dma_start3A_63 = arith.constant 0 : i32
        %dma_start3A_64 = tpu.memref_slice %arg8[%dma_start3A_62, %dma_start3A_63] : memref<128x128xf32, #tpu.memory_space<vmem>> -> memref<128x128xf32, #tpu.memory_space<vmem>>
        tpu.enqueue_dma source(%dma_start3A_64 : memref<128x128xf32, #tpu.memory_space<vmem>>) target(%dma_start3A_61 : memref<128x128xf32, #tpu.memory_space<vmem_shared>>) target_semaphore(%run_scoped3A : memref<!tpu.dma_semaphore, #tpu.memory_space<semaphore_mem>>)
        %dma_wait3A = arith.constant 0 : i32
        %dma_wait3A_65 = arith.constant 0 : i32
        %dma_wait3A_66 = tpu.memref_slice %arg8[%dma_wait3A, %dma_wait3A_65] : memref<128x128xf32, #tpu.memory_space<vmem>> -> memref<128x128xf32, #tpu.memory_space<vmem>>
        %dma_wait3A_67 = arith.constant 0 : i32
        %dma_wait3A_68 = tpu.memref_slice %arg10[%add3A_51, %dma_wait3A_67] : memref<10112x128xf32, #tpu.memory_space<vmem_shared>> -> memref<128x128xf32, #tpu.memory_space<vmem_shared>>
        %dma_wait3A_69 = arith.constant 0 : i32
        %dma_wait3A_70 = tpu.memref_slice %arg10[%add3A_51, %dma_wait3A_69] : memref<10112x128xf32, #tpu.memory_space<vmem_shared>> -> memref<128x128xf32, #tpu.memory_space<vmem_shared>>
        %dma_wait3A_71 = arith.constant 0 : i32
        %dma_wait3A_72 = arith.constant 0 : i32
        %dma_wait3A_73 = tpu.memref_slice %arg8[%dma_wait3A_71, %dma_wait3A_72] : memref<128x128xf32, #tpu.memory_space<vmem>> -> memref<128x128xf32, #tpu.memory_space<vmem>>
        tpu.wait_dma2 semaphore(%run_scoped3A : memref<!tpu.dma_semaphore, #tpu.memory_space<semaphore_mem>>) src(%dma_wait3A_73 : memref<128x128xf32, #tpu.memory_space<vmem>>) dst(%dma_wait3A_70 : memref<128x128xf32, #tpu.memory_space<vmem_shared>>)
        tpu.yield
      }) : () -> ()
      %add3A_52 = arith.constant 384 : i32
      %add3A_53 = arith.addi %mul3A_2, %add3A_52 : i32
      "tpu.region"() ({
        %run_scoped3A = tpu.sem_alloc : memref<!tpu.dma_semaphore, #tpu.memory_space<semaphore_mem>>
        %dma_start3A = arith.constant 0 : i32
        %dma_start3A_56 = arith.constant 0 : i32
        %dma_start3A_57 = tpu.memref_slice %arg8[%dma_start3A, %dma_start3A_56] : memref<128x128xf32, #tpu.memory_space<vmem>> -> memref<128x128xf32, #tpu.memory_space<vmem>>
        %dma_start3A_58 = arith.constant 0 : i32
        %dma_start3A_59 = tpu.memref_slice %arg10[%add3A_53, %dma_start3A_58] : memref<10112x128xf32, #tpu.memory_space<vmem_shared>> -> memref<128x128xf32, #tpu.memory_space<vmem_shared>>
        %dma_start3A_60 = arith.constant 0 : i32
        %dma_start3A_61 = tpu.memref_slice %arg10[%add3A_53, %dma_start3A_60] : memref<10112x128xf32, #tpu.memory_space<vmem_shared>> -> memref<128x128xf32, #tpu.memory_space<vmem_shared>>
        %dma_start3A_62 = arith.constant 0 : i32
        %dma_start3A_63 = arith.constant 0 : i32
        %dma_start3A_64 = tpu.memref_slice %arg8[%dma_start3A_62, %dma_start3A_63] : memref<128x128xf32, #tpu.memory_space<vmem>> -> memref<128x128xf32, #tpu.memory_space<vmem>>
        tpu.enqueue_dma source(%dma_start3A_64 : memref<128x128xf32, #tpu.memory_space<vmem>>) target(%dma_start3A_61 : memref<128x128xf32, #tpu.memory_space<vmem_shared>>) target_semaphore(%run_scoped3A : memref<!tpu.dma_semaphore, #tpu.memory_space<semaphore_mem>>)
        %dma_wait3A = arith.constant 0 : i32
        %dma_wait3A_65 = arith.constant 0 : i32
        %dma_wait3A_66 = tpu.memref_slice %arg8[%dma_wait3A, %dma_wait3A_65] : memref<128x128xf32, #tpu.memory_space<vmem>> -> memref<128x128xf32, #tpu.memory_space<vmem>>
        %dma_wait3A_67 = arith.constant 0 : i32
        %dma_wait3A_68 = tpu.memref_slice %arg10[%add3A_53, %dma_wait3A_67] : memref<10112x128xf32, #tpu.memory_space<vmem_shared>> -> memref<128x128xf32, #tpu.memory_space<vmem_shared>>
        %dma_wait3A_69 = arith.constant 0 : i32
        %dma_wait3A_70 = tpu.memref_slice %arg10[%add3A_53, %dma_wait3A_69] : memref<10112x128xf32, #tpu.memory_space<vmem_shared>> -> memref<128x128xf32, #tpu.memory_space<vmem_shared>>
        %dma_wait3A_71 = arith.constant 0 : i32
        %dma_wait3A_72 = arith.constant 0 : i32
        %dma_wait3A_73 = tpu.memref_slice %arg8[%dma_wait3A_71, %dma_wait3A_72] : memref<128x128xf32, #tpu.memory_space<vmem>> -> memref<128x128xf32, #tpu.memory_space<vmem>>
        tpu.wait_dma2 semaphore(%run_scoped3A : memref<!tpu.dma_semaphore, #tpu.memory_space<semaphore_mem>>) src(%dma_wait3A_73 : memref<128x128xf32, #tpu.memory_space<vmem>>) dst(%dma_wait3A_70 : memref<128x128xf32, #tpu.memory_space<vmem_shared>>)
        tpu.yield
      }) : () -> ()
      %add3A_54 = arith.constant 512 : i32
      %add3A_55 = arith.addi %mul3A_2, %add3A_54 : i32
      "tpu.region"() ({
        %run_scoped3A = tpu.sem_alloc : memref<!tpu.dma_semaphore, #tpu.memory_space<semaphore_mem>>
        %dma_start3A = arith.constant 0 : i32
        %dma_start3A_56 = arith.constant 0 : i32
        %dma_start3A_57 = tpu.memref_slice %arg8[%dma_start3A, %dma_start3A_56] : memref<128x128xf32, #tpu.memory_space<vmem>> -> memref<120x128xf32, #tpu.memory_space<vmem>>
        %dma_start3A_58 = arith.constant 0 : i32
        %dma_start3A_59 = tpu.memref_slice %arg10[%add3A_55, %dma_start3A_58] : memref<10112x128xf32, #tpu.memory_space<vmem_shared>> -> memref<120x128xf32, #tpu.memory_space<vmem_shared>>
        %dma_start3A_60 = arith.constant 0 : i32
        %dma_start3A_61 = tpu.memref_slice %arg10[%add3A_55, %dma_start3A_60] : memref<10112x128xf32, #tpu.memory_space<vmem_shared>> -> memref<120x128xf32, #tpu.memory_space<vmem_shared>>
        %dma_start3A_62 = arith.constant 0 : i32
        %dma_start3A_63 = arith.constant 0 : i32
        %dma_start3A_64 = tpu.memref_slice %arg8[%dma_start3A_62, %dma_start3A_63] : memref<128x128xf32, #tpu.memory_space<vmem>> -> memref<120x128xf32, #tpu.memory_space<vmem>>
        tpu.enqueue_dma source(%dma_start3A_64 : memref<120x128xf32, #tpu.memory_space<vmem>>) target(%dma_start3A_61 : memref<120x128xf32, #tpu.memory_space<vmem_shared>>) target_semaphore(%run_scoped3A : memref<!tpu.dma_semaphore, #tpu.memory_space<semaphore_mem>>)
        %dma_wait3A = arith.constant 0 : i32
        %dma_wait3A_65 = arith.constant 0 : i32
        %dma_wait3A_66 = tpu.memref_slice %arg8[%dma_wait3A, %dma_wait3A_65] : memref<128x128xf32, #tpu.memory_space<vmem>> -> memref<120x128xf32, #tpu.memory_space<vmem>>
        %dma_wait3A_67 = arith.constant 0 : i32
        %dma_wait3A_68 = tpu.memref_slice %arg10[%add3A_55, %dma_wait3A_67] : memref<10112x128xf32, #tpu.memory_space<vmem_shared>> -> memref<120x128xf32, #tpu.memory_space<vmem_shared>>
        %dma_wait3A_69 = arith.constant 0 : i32
        %dma_wait3A_70 = tpu.memref_slice %arg10[%add3A_55, %dma_wait3A_69] : memref<10112x128xf32, #tpu.memory_space<vmem_shared>> -> memref<120x128xf32, #tpu.memory_space<vmem_shared>>
        %dma_wait3A_71 = arith.constant 0 : i32
        %dma_wait3A_72 = arith.constant 0 : i32
        %dma_wait3A_73 = tpu.memref_slice %arg8[%dma_wait3A_71, %dma_wait3A_72] : memref<128x128xf32, #tpu.memory_space<vmem>> -> memref<120x128xf32, #tpu.memory_space<vmem>>
        tpu.wait_dma2 semaphore(%run_scoped3A : memref<!tpu.dma_semaphore, #tpu.memory_space<semaphore_mem>>) src(%dma_wait3A_73 : memref<120x128xf32, #tpu.memory_space<vmem>>) dst(%dma_wait3A_70 : memref<120x128xf32, #tpu.memory_space<vmem_shared>>)
        tpu.yield
      }) : () -> ()
    } else {
    }
    %barrier3A = arith.constant 0 : index
    tpu.barrier barrier_id(%barrier3A)
    %eq3A_9 = arith.constant 0 : i32
    %eq3A_10 = arith.cmpi eq, %arg0, %eq3A_9 : i32
    %convert_element_type3A_11 = arith.extui %eq3A_10 : i1 to i32
    %cond3A_12 = arith.constant 0 : i32
    %cond3A_13 = arith.cmpi ne, %convert_element_type3A_11, %cond3A_12 : i32
    scf.if %cond3A_13 {
      %mul3A_40 = arith.constant 4 : i32
      %mul3A_41 = arith.muli %arg1, %mul3A_40 : i32
      %mul3A_42 = arith.constant 32 : i32
      %mul3A_43 = arith.muli %mul3A_41, %mul3A_42 : i32
      %add3A_44 = arith.constant 0 : i32
      %add3A_45 = arith.addi %mul3A_43, %add3A_44 : i32
      "tpu.region"() ({
        %run_scoped3A_208 = tpu.sem_alloc : memref<!tpu.dma_semaphore, #tpu.memory_space<semaphore_mem>>
        %dma_start3A_209 = arith.constant 0 : i32
        %dma_start3A_210 = tpu.memref_slice %arg3[%add3A_45, %dma_start3A_209] : memref<2560x128xi32, #tpu.memory_space<hbm>> -> memref<32x128xi32, #tpu.memory_space<hbm>>
        %dma_start3A_211 = arith.constant 0 : i32
        %dma_start3A_212 = tpu.memref_slice %arg3[%add3A_45, %dma_start3A_211] : memref<2560x128xi32, #tpu.memory_space<hbm>> -> memref<32x128xi32, #tpu.memory_space<hbm>>
        tpu.enqueue_dma source(%dma_start3A_212 : memref<32x128xi32, #tpu.memory_space<hbm>>) target(%arg6 : memref<32x128xi32, #tpu.memory_space<vmem>>) target_semaphore(%run_scoped3A_208 : memref<!tpu.dma_semaphore, #tpu.memory_space<semaphore_mem>>)
        %dma_wait3A_213 = arith.constant 0 : i32
        %dma_wait3A_214 = tpu.memref_slice %arg3[%add3A_45, %dma_wait3A_213] : memref<2560x128xi32, #tpu.memory_space<hbm>> -> memref<32x128xi32, #tpu.memory_space<hbm>>
        %dma_wait3A_215 = arith.constant 0 : i32
        %dma_wait3A_216 = tpu.memref_slice %arg3[%add3A_45, %dma_wait3A_215] : memref<2560x128xi32, #tpu.memory_space<hbm>> -> memref<32x128xi32, #tpu.memory_space<hbm>>
        tpu.wait_dma2 semaphore(%run_scoped3A_208 : memref<!tpu.dma_semaphore, #tpu.memory_space<semaphore_mem>>) src(%dma_wait3A_216 : memref<32x128xi32, #tpu.memory_space<hbm>>) dst(%arg6 : memref<32x128xi32, #tpu.memory_space<vmem>>)
        tpu.yield
      }) : () -> ()
      "tpu.region"() ({
        %run_scoped3A_208 = tpu.sem_alloc : memref<!tpu.dma_semaphore, #tpu.memory_space<semaphore_mem>>
        %dma_start3A_209 = arith.constant 0 : i32
        %dma_start3A_210 = tpu.memref_slice %arg4[%add3A_45, %dma_start3A_209] : memref<2560x128xi32, #tpu.memory_space<hbm>> -> memref<32x128xi32, #tpu.memory_space<hbm>>
        %dma_start3A_211 = arith.constant 0 : i32
        %dma_start3A_212 = tpu.memref_slice %arg4[%add3A_45, %dma_start3A_211] : memref<2560x128xi32, #tpu.memory_space<hbm>> -> memref<32x128xi32, #tpu.memory_space<hbm>>
        tpu.enqueue_dma source(%dma_start3A_212 : memref<32x128xi32, #tpu.memory_space<hbm>>) target(%arg7 : memref<32x128xi32, #tpu.memory_space<vmem>>) target_semaphore(%run_scoped3A_208 : memref<!tpu.dma_semaphore, #tpu.memory_space<semaphore_mem>>)
        %dma_wait3A_213 = arith.constant 0 : i32
        %dma_wait3A_214 = tpu.memref_slice %arg4[%add3A_45, %dma_wait3A_213] : memref<2560x128xi32, #tpu.memory_space<hbm>> -> memref<32x128xi32, #tpu.memory_space<hbm>>
        %dma_wait3A_215 = arith.constant 0 : i32
        %dma_wait3A_216 = tpu.memref_slice %arg4[%add3A_45, %dma_wait3A_215] : memref<2560x128xi32, #tpu.memory_space<hbm>> -> memref<32x128xi32, #tpu.memory_space<hbm>>
        tpu.wait_dma2 semaphore(%run_scoped3A_208 : memref<!tpu.dma_semaphore, #tpu.memory_space<semaphore_mem>>) src(%dma_wait3A_216 : memref<32x128xi32, #tpu.memory_space<hbm>>) dst(%arg7 : memref<32x128xi32, #tpu.memory_space<vmem>>)
        tpu.yield
      }) : () -> ()
      %dma_start3A = arith.constant 0 : i32
      %dma_start3A_46 = arith.constant 0 : i32
      %dma_start3A_47 = tpu.memref_slice %arg6[%dma_start3A, %dma_start3A_46] : memref<32x128xi32, #tpu.memory_space<vmem>> -> memref<1x128xi32, #tpu.memory_space<vmem>>
      %dma_start3A_48 = tpu.memref_squeeze %dma_start3A_47 : memref<1x128xi32, #tpu.memory_space<vmem>> -> memref<128xi32, #tpu.memory_space<vmem>>
      %dma_start3A_49 = arith.constant 0 : i32
      %dma_start3A_50 = arith.constant 0 : i32
      %dma_start3A_51 = tpu.memref_slice %arg2[%dma_start3A_49, %dma_start3A_50] : memref<10112x128xf32, #tpu.memory_space<hbm>> -> memref<10112x128xf32, #tpu.memory_space<hbm>>
      tpu.enqueue_indirect_dma source(%dma_start3A_51 : memref<10112x128xf32, #tpu.memory_space<hbm>>) target(%arg8 : memref<128x128xf32, #tpu.memory_space<vmem>>) offsets(%dma_start3A_48 : memref<128xi32, #tpu.memory_space<vmem>>) semaphore(%arg11 : memref<!tpu.dma_semaphore, #tpu.memory_space<semaphore_mem>>)
      %scan3A = arith.constant 0 : i32
      %scan3A_52 = arith.constant 0 : i32
      %scan3A_53 = arith.constant 15 : i32
      %scan3A_54 = arith.addi %scan3A_52, %scan3A_53 : i32
      %scan3A_55 = arith.constant 1 : i32
      %scan3A_56 = scf.for %scan3A_208 = %scan3A_52 to %scan3A_54 step %scan3A_55 iter_args(%scan3A_209 = %scan3A) -> (i32)  : i32 {
        %mul3A_210 = arith.constant 2 : i32
        %mul3A_211 = arith.muli %mul3A_210, %scan3A_208 : i32
        %dma_wait3A_212 = arith.constant 0 : i32
        %dma_wait3A_213 = tpu.memref_slice %arg6[%mul3A_211, %dma_wait3A_212] : memref<32x128xi32, #tpu.memory_space<vmem>> -> memref<1x128xi32, #tpu.memory_space<vmem>>
        %dma_wait3A_214 = tpu.memref_squeeze %dma_wait3A_213 : memref<1x128xi32, #tpu.memory_space<vmem>> -> memref<128xi32, #tpu.memory_space<vmem>>
        %dma_wait3A_215 = arith.constant 0 : i32
        %dma_wait3A_216 = arith.constant 0 : i32
        %dma_wait3A_217 = tpu.memref_slice %arg2[%dma_wait3A_215, %dma_wait3A_216] : memref<10112x128xf32, #tpu.memory_space<hbm>> -> memref<10112x128xf32, #tpu.memory_space<hbm>>
        tpu.wait_indirect_dma semaphore(%arg11 : memref<!tpu.dma_semaphore, #tpu.memory_space<semaphore_mem>>) src(%dma_wait3A_217 : memref<10112x128xf32, #tpu.memory_space<hbm>>) dst(%arg8 : memref<128x128xf32, #tpu.memory_space<vmem>>)
        %add3A_218 = arith.constant 1 : i32
        %add3A_219 = arith.addi %mul3A_211, %add3A_218 : i32
        %dma_start3A_220 = arith.constant 0 : i32
        %dma_start3A_221 = tpu.memref_slice %arg6[%add3A_219, %dma_start3A_220] : memref<32x128xi32, #tpu.memory_space<vmem>> -> memref<1x128xi32, #tpu.memory_space<vmem>>
        %dma_start3A_222 = tpu.memref_squeeze %dma_start3A_221 : memref<1x128xi32, #tpu.memory_space<vmem>> -> memref<128xi32, #tpu.memory_space<vmem>>
        %dma_start3A_223 = arith.constant 0 : i32
        %dma_start3A_224 = arith.constant 0 : i32
        %dma_start3A_225 = tpu.memref_slice %arg2[%dma_start3A_223, %dma_start3A_224] : memref<10112x128xf32, #tpu.memory_space<hbm>> -> memref<10112x128xf32, #tpu.memory_space<hbm>>
        tpu.enqueue_indirect_dma source(%dma_start3A_225 : memref<10112x128xf32, #tpu.memory_space<hbm>>) target(%arg9 : memref<128x128xf32, #tpu.memory_space<vmem>>) offsets(%dma_start3A_222 : memref<128xi32, #tpu.memory_space<vmem>>) semaphore(%arg12 : memref<!tpu.dma_semaphore, #tpu.memory_space<semaphore_mem>>)
        "tpu.region"() ({
          %run_scoped3A_245 = tpu.sem_alloc : memref<!tpu.dma_semaphore, #tpu.memory_space<semaphore_mem>>
          %dma_start3A_246 = arith.constant 0 : i32
          %dma_start3A_247 = tpu.memref_slice %arg7[%mul3A_211, %dma_start3A_246] : memref<32x128xi32, #tpu.memory_space<vmem>> -> memref<1x128xi32, #tpu.memory_space<vmem>>
          %dma_start3A_248 = tpu.memref_squeeze %dma_start3A_247 : memref<1x128xi32, #tpu.memory_space<vmem>> -> memref<128xi32, #tpu.memory_space<vmem>>
          %dma_start3A_249 = arith.constant 0 : i32
          %dma_start3A_250 = arith.constant 0 : i32
          %dma_start3A_251 = tpu.memref_slice %arg10[%dma_start3A_249, %dma_start3A_250] : memref<10112x128xf32, #tpu.memory_space<vmem_shared>> -> memref<10112x128xf32, #tpu.memory_space<vmem_shared>>
          tpu.enqueue_indirect_dma source(%arg8 : memref<128x128xf32, #tpu.memory_space<vmem>>) target(%dma_start3A_251 : memref<10112x128xf32, #tpu.memory_space<vmem_shared>>) offsets(%dma_start3A_248 : memref<128xi32, #tpu.memory_space<vmem>>) semaphore(%run_scoped3A_245 : memref<!tpu.dma_semaphore, #tpu.memory_space<semaphore_mem>>) {add = true}
          %dma_wait3A_252 = arith.constant 0 : i32
          %dma_wait3A_253 = tpu.memref_slice %arg7[%mul3A_211, %dma_wait3A_252] : memref<32x128xi32, #tpu.memory_space<vmem>> -> memref<1x128xi32, #tpu.memory_space<vmem>>
          %dma_wait3A_254 = tpu.memref_squeeze %dma_wait3A_253 : memref<1x128xi32, #tpu.memory_space<vmem>> -> memref<128xi32, #tpu.memory_space<vmem>>
          %dma_wait3A_255 = arith.constant 0 : i32
          %dma_wait3A_256 = arith.constant 0 : i32
          %dma_wait3A_257 = tpu.memref_slice %arg10[%dma_wait3A_255, %dma_wait3A_256] : memref<10112x128xf32, #tpu.memory_space<vmem_shared>> -> memref<10112x128xf32, #tpu.memory_space<vmem_shared>>
          tpu.wait_indirect_dma semaphore(%run_scoped3A_245 : memref<!tpu.dma_semaphore, #tpu.memory_space<semaphore_mem>>) src(%arg8 : memref<128x128xf32, #tpu.memory_space<vmem>>) dst(%dma_wait3A_257 : memref<10112x128xf32, #tpu.memory_space<vmem_shared>>)
          tpu.yield
        }) : () -> ()
        %add3A_226 = arith.constant 1 : i32
        %add3A_227 = arith.addi %mul3A_211, %add3A_226 : i32
        %dma_wait3A_228 = arith.constant 0 : i32
        %dma_wait3A_229 = tpu.memref_slice %arg6[%add3A_227, %dma_wait3A_228] : memref<32x128xi32, #tpu.memory_space<vmem>> -> memref<1x128xi32, #tpu.memory_space<vmem>>
        %dma_wait3A_230 = tpu.memref_squeeze %dma_wait3A_229 : memref<1x128xi32, #tpu.memory_space<vmem>> -> memref<128xi32, #tpu.memory_space<vmem>>
        %dma_wait3A_231 = arith.constant 0 : i32
        %dma_wait3A_232 = arith.constant 0 : i32
        %dma_wait3A_233 = tpu.memref_slice %arg2[%dma_wait3A_231, %dma_wait3A_232] : memref<10112x128xf32, #tpu.memory_space<hbm>> -> memref<10112x128xf32, #tpu.memory_space<hbm>>
        tpu.wait_indirect_dma semaphore(%arg12 : memref<!tpu.dma_semaphore, #tpu.memory_space<semaphore_mem>>) src(%dma_wait3A_233 : memref<10112x128xf32, #tpu.memory_space<hbm>>) dst(%arg9 : memref<128x128xf32, #tpu.memory_space<vmem>>)
        %add3A_234 = arith.constant 2 : i32
        %add3A_235 = arith.addi %mul3A_211, %add3A_234 : i32
        %dma_start3A_236 = arith.constant 0 : i32
        %dma_start3A_237 = tpu.memref_slice %arg6[%add3A_235, %dma_start3A_236] : memref<32x128xi32, #tpu.memory_space<vmem>> -> memref<1x128xi32, #tpu.memory_space<vmem>>
        %dma_start3A_238 = tpu.memref_squeeze %dma_start3A_237 : memref<1x128xi32, #tpu.memory_space<vmem>> -> memref<128xi32, #tpu.memory_space<vmem>>
        %dma_start3A_239 = arith.constant 0 : i32
        %dma_start3A_240 = arith.constant 0 : i32
        %dma_start3A_241 = tpu.memref_slice %arg2[%dma_start3A_239, %dma_start3A_240] : memref<10112x128xf32, #tpu.memory_space<hbm>> -> memref<10112x128xf32, #tpu.memory_space<hbm>>
        tpu.enqueue_indirect_dma source(%dma_start3A_241 : memref<10112x128xf32, #tpu.memory_space<hbm>>) target(%arg8 : memref<128x128xf32, #tpu.memory_space<vmem>>) offsets(%dma_start3A_238 : memref<128xi32, #tpu.memory_space<vmem>>) semaphore(%arg11 : memref<!tpu.dma_semaphore, #tpu.memory_space<semaphore_mem>>)
        %add3A_242 = arith.constant 1 : i32
        %add3A_243 = arith.addi %mul3A_211, %add3A_242 : i32
        "tpu.region"() ({
          %run_scoped3A_245 = tpu.sem_alloc : memref<!tpu.dma_semaphore, #tpu.memory_space<semaphore_mem>>
          %dma_start3A_246 = arith.constant 0 : i32
          %dma_start3A_247 = tpu.memref_slice %arg7[%add3A_243, %dma_start3A_246] : memref<32x128xi32, #tpu.memory_space<vmem>> -> memref<1x128xi32, #tpu.memory_space<vmem>>
          %dma_start3A_248 = tpu.memref_squeeze %dma_start3A_247 : memref<1x128xi32, #tpu.memory_space<vmem>> -> memref<128xi32, #tpu.memory_space<vmem>>
          %dma_start3A_249 = arith.constant 0 : i32
          %dma_start3A_250 = arith.constant 0 : i32
          %dma_start3A_251 = tpu.memref_slice %arg10[%dma_start3A_249, %dma_start3A_250] : memref<10112x128xf32, #tpu.memory_space<vmem_shared>> -> memref<10112x128xf32, #tpu.memory_space<vmem_shared>>
          tpu.enqueue_indirect_dma source(%arg9 : memref<128x128xf32, #tpu.memory_space<vmem>>) target(%dma_start3A_251 : memref<10112x128xf32, #tpu.memory_space<vmem_shared>>) offsets(%dma_start3A_248 : memref<128xi32, #tpu.memory_space<vmem>>) semaphore(%run_scoped3A_245 : memref<!tpu.dma_semaphore, #tpu.memory_space<semaphore_mem>>) {add = true}
          %dma_wait3A_252 = arith.constant 0 : i32
          %dma_wait3A_253 = tpu.memref_slice %arg7[%add3A_243, %dma_wait3A_252] : memref<32x128xi32, #tpu.memory_space<vmem>> -> memref<1x128xi32, #tpu.memory_space<vmem>>
          %dma_wait3A_254 = tpu.memref_squeeze %dma_wait3A_253 : memref<1x128xi32, #tpu.memory_space<vmem>> -> memref<128xi32, #tpu.memory_space<vmem>>
          %dma_wait3A_255 = arith.constant 0 : i32
          %dma_wait3A_256 = arith.constant 0 : i32
          %dma_wait3A_257 = tpu.memref_slice %arg10[%dma_wait3A_255, %dma_wait3A_256] : memref<10112x128xf32, #tpu.memory_space<vmem_shared>> -> memref<10112x128xf32, #tpu.memory_space<vmem_shared>>
          tpu.wait_indirect_dma semaphore(%run_scoped3A_245 : memref<!tpu.dma_semaphore, #tpu.memory_space<semaphore_mem>>) src(%arg9 : memref<128x128xf32, #tpu.memory_space<vmem>>) dst(%dma_wait3A_257 : memref<10112x128xf32, #tpu.memory_space<vmem_shared>>)
          tpu.yield
        }) : () -> ()
        %scan3A_244 = arith.constant 0 : i32
        scf.yield %scan3A_244 : i32
      }
      %scan3A_57 = arith.constant 15 : i32
      %dma_wait3A = arith.constant 30 : i32
      %dma_wait3A_58 = arith.constant 0 : i32
      %dma_wait3A_59 = tpu.memref_slice %arg6[%dma_wait3A, %dma_wait3A_58] : memref<32x128xi32, #tpu.memory_space<vmem>> -> memref<1x128xi32, #tpu.memory_space<vmem>>
      %dma_wait3A_60 = tpu.memref_squeeze %dma_wait3A_59 : memref<1x128xi32, #tpu.memory_space<vmem>> -> memref<128xi32, #tpu.memory_space<vmem>>
      %dma_wait3A_61 = arith.constant 0 : i32
      %dma_wait3A_62 = arith.constant 0 : i32
      %dma_wait3A_63 = tpu.memref_slice %arg2[%dma_wait3A_61, %dma_wait3A_62] : memref<10112x128xf32, #tpu.memory_space<hbm>> -> memref<10112x128xf32, #tpu.memory_space<hbm>>
      tpu.wait_indirect_dma semaphore(%arg11 : memref<!tpu.dma_semaphore, #tpu.memory_space<semaphore_mem>>) src(%dma_wait3A_63 : memref<10112x128xf32, #tpu.memory_space<hbm>>) dst(%arg8 : memref<128x128xf32, #tpu.memory_space<vmem>>)
      %dma_start3A_64 = arith.constant 31 : i32
      %dma_start3A_65 = arith.constant 0 : i32
      %dma_start3A_66 = tpu.memref_slice %arg6[%dma_start3A_64, %dma_start3A_65] : memref<32x128xi32, #tpu.memory_space<vmem>> -> memref<1x128xi32, #tpu.memory_space<vmem>>
      %dma_start3A_67 = tpu.memref_squeeze %dma_start3A_66 : memref<1x128xi32, #tpu.memory_space<vmem>> -> memref<128xi32, #tpu.memory_space<vmem>>
      %dma_start3A_68 = arith.constant 0 : i32
      %dma_start3A_69 = arith.constant 0 : i32
      %dma_start3A_70 = tpu.memref_slice %arg2[%dma_start3A_68, %dma_start3A_69] : memref<10112x128xf32, #tpu.memory_space<hbm>> -> memref<10112x128xf32, #tpu.memory_space<hbm>>
      tpu.enqueue_indirect_dma source(%dma_start3A_70 : memref<10112x128xf32, #tpu.memory_space<hbm>>) target(%arg9 : memref<128x128xf32, #tpu.memory_space<vmem>>) offsets(%dma_start3A_67 : memref<128xi32, #tpu.memory_space<vmem>>) semaphore(%arg12 : memref<!tpu.dma_semaphore, #tpu.memory_space<semaphore_mem>>)
      %run_scoped3A = arith.constant 30 : i32
      "tpu.region"() ({
        %run_scoped3A_208 = tpu.sem_alloc : memref<!tpu.dma_semaphore, #tpu.memory_space<semaphore_mem>>
        %dma_start3A_209 = arith.constant 0 : i32
        %dma_start3A_210 = tpu.memref_slice %arg7[%run_scoped3A, %dma_start3A_209] : memref<32x128xi32, #tpu.memory_space<vmem>> -> memref<1x128xi32, #tpu.memory_space<vmem>>
        %dma_start3A_211 = tpu.memref_squeeze %dma_start3A_210 : memref<1x128xi32, #tpu.memory_space<vmem>> -> memref<128xi32, #tpu.memory_space<vmem>>
        %dma_start3A_212 = arith.constant 0 : i32
        %dma_start3A_213 = arith.constant 0 : i32
        %dma_start3A_214 = tpu.memref_slice %arg10[%dma_start3A_212, %dma_start3A_213] : memref<10112x128xf32, #tpu.memory_space<vmem_shared>> -> memref<10112x128xf32, #tpu.memory_space<vmem_shared>>
        tpu.enqueue_indirect_dma source(%arg8 : memref<128x128xf32, #tpu.memory_space<vmem>>) target(%dma_start3A_214 : memref<10112x128xf32, #tpu.memory_space<vmem_shared>>) offsets(%dma_start3A_211 : memref<128xi32, #tpu.memory_space<vmem>>) semaphore(%run_scoped3A_208 : memref<!tpu.dma_semaphore, #tpu.memory_space<semaphore_mem>>) {add = true}
        %dma_wait3A_215 = arith.constant 0 : i32
        %dma_wait3A_216 = tpu.memref_slice %arg7[%run_scoped3A, %dma_wait3A_215] : memref<32x128xi32, #tpu.memory_space<vmem>> -> memref<1x128xi32, #tpu.memory_space<vmem>>
        %dma_wait3A_217 = tpu.memref_squeeze %dma_wait3A_216 : memref<1x128xi32, #tpu.memory_space<vmem>> -> memref<128xi32, #tpu.memory_space<vmem>>
        %dma_wait3A_218 = arith.constant 0 : i32
        %dma_wait3A_219 = arith.constant 0 : i32
        %dma_wait3A_220 = tpu.memref_slice %arg10[%dma_wait3A_218, %dma_wait3A_219] : memref<10112x128xf32, #tpu.memory_space<vmem_shared>> -> memref<10112x128xf32, #tpu.memory_space<vmem_shared>>
        tpu.wait_indirect_dma semaphore(%run_scoped3A_208 : memref<!tpu.dma_semaphore, #tpu.memory_space<semaphore_mem>>) src(%arg8 : memref<128x128xf32, #tpu.memory_space<vmem>>) dst(%dma_wait3A_220 : memref<10112x128xf32, #tpu.memory_space<vmem_shared>>)
        tpu.yield
      }) : () -> ()
      %dma_wait3A_71 = arith.constant 31 : i32
      %dma_wait3A_72 = arith.constant 0 : i32
      %dma_wait3A_73 = tpu.memref_slice %arg6[%dma_wait3A_71, %dma_wait3A_72] : memref<32x128xi32, #tpu.memory_space<vmem>> -> memref<1x128xi32, #tpu.memory_space<vmem>>
      %dma_wait3A_74 = tpu.memref_squeeze %dma_wait3A_73 : memref<1x128xi32, #tpu.memory_space<vmem>> -> memref<128xi32, #tpu.memory_space<vmem>>
      %dma_wait3A_75 = arith.constant 0 : i32
      %dma_wait3A_76 = arith.constant 0 : i32
      %dma_wait3A_77 = tpu.memref_slice %arg2[%dma_wait3A_75, %dma_wait3A_76] : memref<10112x128xf32, #tpu.memory_space<hbm>> -> memref<10112x128xf32, #tpu.memory_space<hbm>>
      tpu.wait_indirect_dma semaphore(%arg12 : memref<!tpu.dma_semaphore, #tpu.memory_space<semaphore_mem>>) src(%dma_wait3A_77 : memref<10112x128xf32, #tpu.memory_space<hbm>>) dst(%arg9 : memref<128x128xf32, #tpu.memory_space<vmem>>)
      %run_scoped3A_78 = arith.constant 31 : i32
      "tpu.region"() ({
        %run_scoped3A_208 = tpu.sem_alloc : memref<!tpu.dma_semaphore, #tpu.memory_space<semaphore_mem>>
        %dma_start3A_209 = arith.constant 0 : i32
        %dma_start3A_210 = tpu.memref_slice %arg7[%run_scoped3A_78, %dma_start3A_209] : memref<32x128xi32, #tpu.memory_space<vmem>> -> memref<1x128xi32, #tpu.memory_space<vmem>>
        %dma_start3A_211 = tpu.memref_squeeze %dma_start3A_210 : memref<1x128xi32, #tpu.memory_space<vmem>> -> memref<128xi32, #tpu.memory_space<vmem>>
        %dma_start3A_212 = arith.constant 0 : i32
        %dma_start3A_213 = arith.constant 0 : i32
        %dma_start3A_214 = tpu.memref_slice %arg10[%dma_start3A_212, %dma_start3A_213] : memref<10112x128xf32, #tpu.memory_space<vmem_shared>> -> memref<10112x128xf32, #tpu.memory_space<vmem_shared>>
        tpu.enqueue_indirect_dma source(%arg9 : memref<128x128xf32, #tpu.memory_space<vmem>>) target(%dma_start3A_214 : memref<10112x128xf32, #tpu.memory_space<vmem_shared>>) offsets(%dma_start3A_211 : memref<128xi32, #tpu.memory_space<vmem>>) semaphore(%run_scoped3A_208 : memref<!tpu.dma_semaphore, #tpu.memory_space<semaphore_mem>>) {add = true}
        %dma_wait3A_215 = arith.constant 0 : i32
        %dma_wait3A_216 = tpu.memref_slice %arg7[%run_scoped3A_78, %dma_wait3A_215] : memref<32x128xi32, #tpu.memory_space<vmem>> -> memref<1x128xi32, #tpu.memory_space<vmem>>
        %dma_wait3A_217 = tpu.memref_squeeze %dma_wait3A_216 : memref<1x128xi32, #tpu.memory_space<vmem>> -> memref<128xi32, #tpu.memory_space<vmem>>
        %dma_wait3A_218 = arith.constant 0 : i32
        %dma_wait3A_219 = arith.constant 0 : i32
        %dma_wait3A_220 = tpu.memref_slice %arg10[%dma_wait3A_218, %dma_wait3A_219] : memref<10112x128xf32, #tpu.memory_space<vmem_shared>> -> memref<10112x128xf32, #tpu.memory_space<vmem_shared>>
        tpu.wait_indirect_dma semaphore(%run_scoped3A_208 : memref<!tpu.dma_semaphore, #tpu.memory_space<semaphore_mem>>) src(%arg9 : memref<128x128xf32, #tpu.memory_space<vmem>>) dst(%dma_wait3A_220 : memref<10112x128xf32, #tpu.memory_space<vmem_shared>>)
        tpu.yield
      }) : () -> ()
      %mul3A_79 = arith.constant 4 : i32
      %mul3A_80 = arith.muli %arg1, %mul3A_79 : i32
      %mul3A_81 = arith.constant 32 : i32
      %mul3A_82 = arith.muli %mul3A_80, %mul3A_81 : i32
      %add3A_83 = arith.constant 32 : i32
      %add3A_84 = arith.addi %mul3A_82, %add3A_83 : i32
      "tpu.region"() ({
        %run_scoped3A_208 = tpu.sem_alloc : memref<!tpu.dma_semaphore, #tpu.memory_space<semaphore_mem>>
        %dma_start3A_209 = arith.constant 0 : i32
        %dma_start3A_210 = tpu.memref_slice %arg3[%add3A_84, %dma_start3A_209] : memref<2560x128xi32, #tpu.memory_space<hbm>> -> memref<32x128xi32, #tpu.memory_space<hbm>>
        %dma_start3A_211 = arith.constant 0 : i32
        %dma_start3A_212 = tpu.memref_slice %arg3[%add3A_84, %dma_start3A_211] : memref<2560x128xi32, #tpu.memory_space<hbm>> -> memref<32x128xi32, #tpu.memory_space<hbm>>
        tpu.enqueue_dma source(%dma_start3A_212 : memref<32x128xi32, #tpu.memory_space<hbm>>) target(%arg6 : memref<32x128xi32, #tpu.memory_space<vmem>>) target_semaphore(%run_scoped3A_208 : memref<!tpu.dma_semaphore, #tpu.memory_space<semaphore_mem>>)
        %dma_wait3A_213 = arith.constant 0 : i32
        %dma_wait3A_214 = tpu.memref_slice %arg3[%add3A_84, %dma_wait3A_213] : memref<2560x128xi32, #tpu.memory_space<hbm>> -> memref<32x128xi32, #tpu.memory_space<hbm>>
        %dma_wait3A_215 = arith.constant 0 : i32
        %dma_wait3A_216 = tpu.memref_slice %arg3[%add3A_84, %dma_wait3A_215] : memref<2560x128xi32, #tpu.memory_space<hbm>> -> memref<32x128xi32, #tpu.memory_space<hbm>>
        tpu.wait_dma2 semaphore(%run_scoped3A_208 : memref<!tpu.dma_semaphore, #tpu.memory_space<semaphore_mem>>) src(%dma_wait3A_216 : memref<32x128xi32, #tpu.memory_space<hbm>>) dst(%arg6 : memref<32x128xi32, #tpu.memory_space<vmem>>)
        tpu.yield
      }) : () -> ()
      "tpu.region"() ({
        %run_scoped3A_208 = tpu.sem_alloc : memref<!tpu.dma_semaphore, #tpu.memory_space<semaphore_mem>>
        %dma_start3A_209 = arith.constant 0 : i32
        %dma_start3A_210 = tpu.memref_slice %arg4[%add3A_84, %dma_start3A_209] : memref<2560x128xi32, #tpu.memory_space<hbm>> -> memref<32x128xi32, #tpu.memory_space<hbm>>
        %dma_start3A_211 = arith.constant 0 : i32
        %dma_start3A_212 = tpu.memref_slice %arg4[%add3A_84, %dma_start3A_211] : memref<2560x128xi32, #tpu.memory_space<hbm>> -> memref<32x128xi32, #tpu.memory_space<hbm>>
        tpu.enqueue_dma source(%dma_start3A_212 : memref<32x128xi32, #tpu.memory_space<hbm>>) target(%arg7 : memref<32x128xi32, #tpu.memory_space<vmem>>) target_semaphore(%run_scoped3A_208 : memref<!tpu.dma_semaphore, #tpu.memory_space<semaphore_mem>>)
        %dma_wait3A_213 = arith.constant 0 : i32
        %dma_wait3A_214 = tpu.memref_slice %arg4[%add3A_84, %dma_wait3A_213] : memref<2560x128xi32, #tpu.memory_space<hbm>> -> memref<32x128xi32, #tpu.memory_space<hbm>>
        %dma_wait3A_215 = arith.constant 0 : i32
        %dma_wait3A_216 = tpu.memref_slice %arg4[%add3A_84, %dma_wait3A_215] : memref<2560x128xi32, #tpu.memory_space<hbm>> -> memref<32x128xi32, #tpu.memory_space<hbm>>
        tpu.wait_dma2 semaphore(%run_scoped3A_208 : memref<!tpu.dma_semaphore, #tpu.memory_space<semaphore_mem>>) src(%dma_wait3A_216 : memref<32x128xi32, #tpu.memory_space<hbm>>) dst(%arg7 : memref<32x128xi32, #tpu.memory_space<vmem>>)
        tpu.yield
      }) : () -> ()
      %dma_start3A_85 = arith.constant 0 : i32
      %dma_start3A_86 = arith.constant 0 : i32
      %dma_start3A_87 = tpu.memref_slice %arg6[%dma_start3A_85, %dma_start3A_86] : memref<32x128xi32, #tpu.memory_space<vmem>> -> memref<1x128xi32, #tpu.memory_space<vmem>>
      %dma_start3A_88 = tpu.memref_squeeze %dma_start3A_87 : memref<1x128xi32, #tpu.memory_space<vmem>> -> memref<128xi32, #tpu.memory_space<vmem>>
      %dma_start3A_89 = arith.constant 0 : i32
      %dma_start3A_90 = arith.constant 0 : i32
      %dma_start3A_91 = tpu.memref_slice %arg2[%dma_start3A_89, %dma_start3A_90] : memref<10112x128xf32, #tpu.memory_space<hbm>> -> memref<10112x128xf32, #tpu.memory_space<hbm>>
      tpu.enqueue_indirect_dma source(%dma_start3A_91 : memref<10112x128xf32, #tpu.memory_space<hbm>>) target(%arg8 : memref<128x128xf32, #tpu.memory_space<vmem>>) offsets(%dma_start3A_88 : memref<128xi32, #tpu.memory_space<vmem>>) semaphore(%arg11 : memref<!tpu.dma_semaphore, #tpu.memory_space<semaphore_mem>>)
      %scan3A_92 = arith.constant 0 : i32
      %scan3A_93 = arith.constant 0 : i32
      %scan3A_94 = arith.constant 15 : i32
      %scan3A_95 = arith.addi %scan3A_93, %scan3A_94 : i32
      %scan3A_96 = arith.constant 1 : i32
      %scan3A_97 = scf.for %scan3A_208 = %scan3A_93 to %scan3A_95 step %scan3A_96 iter_args(%scan3A_209 = %scan3A_92) -> (i32)  : i32 {
        %mul3A_210 = arith.constant 2 : i32
        %mul3A_211 = arith.muli %mul3A_210, %scan3A_208 : i32
        %dma_wait3A_212 = arith.constant 0 : i32
        %dma_wait3A_213 = tpu.memref_slice %arg6[%mul3A_211, %dma_wait3A_212] : memref<32x128xi32, #tpu.memory_space<vmem>> -> memref<1x128xi32, #tpu.memory_space<vmem>>
        %dma_wait3A_214 = tpu.memref_squeeze %dma_wait3A_213 : memref<1x128xi32, #tpu.memory_space<vmem>> -> memref<128xi32, #tpu.memory_space<vmem>>
        %dma_wait3A_215 = arith.constant 0 : i32
        %dma_wait3A_216 = arith.constant 0 : i32
        %dma_wait3A_217 = tpu.memref_slice %arg2[%dma_wait3A_215, %dma_wait3A_216] : memref<10112x128xf32, #tpu.memory_space<hbm>> -> memref<10112x128xf32, #tpu.memory_space<hbm>>
        tpu.wait_indirect_dma semaphore(%arg11 : memref<!tpu.dma_semaphore, #tpu.memory_space<semaphore_mem>>) src(%dma_wait3A_217 : memref<10112x128xf32, #tpu.memory_space<hbm>>) dst(%arg8 : memref<128x128xf32, #tpu.memory_space<vmem>>)
        %add3A_218 = arith.constant 1 : i32
        %add3A_219 = arith.addi %mul3A_211, %add3A_218 : i32
        %dma_start3A_220 = arith.constant 0 : i32
        %dma_start3A_221 = tpu.memref_slice %arg6[%add3A_219, %dma_start3A_220] : memref<32x128xi32, #tpu.memory_space<vmem>> -> memref<1x128xi32, #tpu.memory_space<vmem>>
        %dma_start3A_222 = tpu.memref_squeeze %dma_start3A_221 : memref<1x128xi32, #tpu.memory_space<vmem>> -> memref<128xi32, #tpu.memory_space<vmem>>
        %dma_start3A_223 = arith.constant 0 : i32
        %dma_start3A_224 = arith.constant 0 : i32
        %dma_start3A_225 = tpu.memref_slice %arg2[%dma_start3A_223, %dma_start3A_224] : memref<10112x128xf32, #tpu.memory_space<hbm>> -> memref<10112x128xf32, #tpu.memory_space<hbm>>
        tpu.enqueue_indirect_dma source(%dma_start3A_225 : memref<10112x128xf32, #tpu.memory_space<hbm>>) target(%arg9 : memref<128x128xf32, #tpu.memory_space<vmem>>) offsets(%dma_start3A_222 : memref<128xi32, #tpu.memory_space<vmem>>) semaphore(%arg12 : memref<!tpu.dma_semaphore, #tpu.memory_space<semaphore_mem>>)
        "tpu.region"() ({
          %run_scoped3A_245 = tpu.sem_alloc : memref<!tpu.dma_semaphore, #tpu.memory_space<semaphore_mem>>
          %dma_start3A_246 = arith.constant 0 : i32
          %dma_start3A_247 = tpu.memref_slice %arg7[%mul3A_211, %dma_start3A_246] : memref<32x128xi32, #tpu.memory_space<vmem>> -> memref<1x128xi32, #tpu.memory_space<vmem>>
          %dma_start3A_248 = tpu.memref_squeeze %dma_start3A_247 : memref<1x128xi32, #tpu.memory_space<vmem>> -> memref<128xi32, #tpu.memory_space<vmem>>
          %dma_start3A_249 = arith.constant 0 : i32
          %dma_start3A_250 = arith.constant 0 : i32
          %dma_start3A_251 = tpu.memref_slice %arg10[%dma_start3A_249, %dma_start3A_250] : memref<10112x128xf32, #tpu.memory_space<vmem_shared>> -> memref<10112x128xf32, #tpu.memory_space<vmem_shared>>
          tpu.enqueue_indirect_dma source(%arg8 : memref<128x128xf32, #tpu.memory_space<vmem>>) target(%dma_start3A_251 : memref<10112x128xf32, #tpu.memory_space<vmem_shared>>) offsets(%dma_start3A_248 : memref<128xi32, #tpu.memory_space<vmem>>) semaphore(%run_scoped3A_245 : memref<!tpu.dma_semaphore, #tpu.memory_space<semaphore_mem>>) {add = true}
          %dma_wait3A_252 = arith.constant 0 : i32
          %dma_wait3A_253 = tpu.memref_slice %arg7[%mul3A_211, %dma_wait3A_252] : memref<32x128xi32, #tpu.memory_space<vmem>> -> memref<1x128xi32, #tpu.memory_space<vmem>>
          %dma_wait3A_254 = tpu.memref_squeeze %dma_wait3A_253 : memref<1x128xi32, #tpu.memory_space<vmem>> -> memref<128xi32, #tpu.memory_space<vmem>>
          %dma_wait3A_255 = arith.constant 0 : i32
          %dma_wait3A_256 = arith.constant 0 : i32
          %dma_wait3A_257 = tpu.memref_slice %arg10[%dma_wait3A_255, %dma_wait3A_256] : memref<10112x128xf32, #tpu.memory_space<vmem_shared>> -> memref<10112x128xf32, #tpu.memory_space<vmem_shared>>
          tpu.wait_indirect_dma semaphore(%run_scoped3A_245 : memref<!tpu.dma_semaphore, #tpu.memory_space<semaphore_mem>>) src(%arg8 : memref<128x128xf32, #tpu.memory_space<vmem>>) dst(%dma_wait3A_257 : memref<10112x128xf32, #tpu.memory_space<vmem_shared>>)
          tpu.yield
        }) : () -> ()
        %add3A_226 = arith.constant 1 : i32
        %add3A_227 = arith.addi %mul3A_211, %add3A_226 : i32
        %dma_wait3A_228 = arith.constant 0 : i32
        %dma_wait3A_229 = tpu.memref_slice %arg6[%add3A_227, %dma_wait3A_228] : memref<32x128xi32, #tpu.memory_space<vmem>> -> memref<1x128xi32, #tpu.memory_space<vmem>>
        %dma_wait3A_230 = tpu.memref_squeeze %dma_wait3A_229 : memref<1x128xi32, #tpu.memory_space<vmem>> -> memref<128xi32, #tpu.memory_space<vmem>>
        %dma_wait3A_231 = arith.constant 0 : i32
        %dma_wait3A_232 = arith.constant 0 : i32
        %dma_wait3A_233 = tpu.memref_slice %arg2[%dma_wait3A_231, %dma_wait3A_232] : memref<10112x128xf32, #tpu.memory_space<hbm>> -> memref<10112x128xf32, #tpu.memory_space<hbm>>
        tpu.wait_indirect_dma semaphore(%arg12 : memref<!tpu.dma_semaphore, #tpu.memory_space<semaphore_mem>>) src(%dma_wait3A_233 : memref<10112x128xf32, #tpu.memory_space<hbm>>) dst(%arg9 : memref<128x128xf32, #tpu.memory_space<vmem>>)
        %add3A_234 = arith.constant 2 : i32
        %add3A_235 = arith.addi %mul3A_211, %add3A_234 : i32
        %dma_start3A_236 = arith.constant 0 : i32
        %dma_start3A_237 = tpu.memref_slice %arg6[%add3A_235, %dma_start3A_236] : memref<32x128xi32, #tpu.memory_space<vmem>> -> memref<1x128xi32, #tpu.memory_space<vmem>>
        %dma_start3A_238 = tpu.memref_squeeze %dma_start3A_237 : memref<1x128xi32, #tpu.memory_space<vmem>> -> memref<128xi32, #tpu.memory_space<vmem>>
        %dma_start3A_239 = arith.constant 0 : i32
        %dma_start3A_240 = arith.constant 0 : i32
        %dma_start3A_241 = tpu.memref_slice %arg2[%dma_start3A_239, %dma_start3A_240] : memref<10112x128xf32, #tpu.memory_space<hbm>> -> memref<10112x128xf32, #tpu.memory_space<hbm>>
        tpu.enqueue_indirect_dma source(%dma_start3A_241 : memref<10112x128xf32, #tpu.memory_space<hbm>>) target(%arg8 : memref<128x128xf32, #tpu.memory_space<vmem>>) offsets(%dma_start3A_238 : memref<128xi32, #tpu.memory_space<vmem>>) semaphore(%arg11 : memref<!tpu.dma_semaphore, #tpu.memory_space<semaphore_mem>>)
        %add3A_242 = arith.constant 1 : i32
        %add3A_243 = arith.addi %mul3A_211, %add3A_242 : i32
        "tpu.region"() ({
          %run_scoped3A_245 = tpu.sem_alloc : memref<!tpu.dma_semaphore, #tpu.memory_space<semaphore_mem>>
          %dma_start3A_246 = arith.constant 0 : i32
          %dma_start3A_247 = tpu.memref_slice %arg7[%add3A_243, %dma_start3A_246] : memref<32x128xi32, #tpu.memory_space<vmem>> -> memref<1x128xi32, #tpu.memory_space<vmem>>
          %dma_start3A_248 = tpu.memref_squeeze %dma_start3A_247 : memref<1x128xi32, #tpu.memory_space<vmem>> -> memref<128xi32, #tpu.memory_space<vmem>>
          %dma_start3A_249 = arith.constant 0 : i32
          %dma_start3A_250 = arith.constant 0 : i32
          %dma_start3A_251 = tpu.memref_slice %arg10[%dma_start3A_249, %dma_start3A_250] : memref<10112x128xf32, #tpu.memory_space<vmem_shared>> -> memref<10112x128xf32, #tpu.memory_space<vmem_shared>>
          tpu.enqueue_indirect_dma source(%arg9 : memref<128x128xf32, #tpu.memory_space<vmem>>) target(%dma_start3A_251 : memref<10112x128xf32, #tpu.memory_space<vmem_shared>>) offsets(%dma_start3A_248 : memref<128xi32, #tpu.memory_space<vmem>>) semaphore(%run_scoped3A_245 : memref<!tpu.dma_semaphore, #tpu.memory_space<semaphore_mem>>) {add = true}
          %dma_wait3A_252 = arith.constant 0 : i32
          %dma_wait3A_253 = tpu.memref_slice %arg7[%add3A_243, %dma_wait3A_252] : memref<32x128xi32, #tpu.memory_space<vmem>> -> memref<1x128xi32, #tpu.memory_space<vmem>>
          %dma_wait3A_254 = tpu.memref_squeeze %dma_wait3A_253 : memref<1x128xi32, #tpu.memory_space<vmem>> -> memref<128xi32, #tpu.memory_space<vmem>>
          %dma_wait3A_255 = arith.constant 0 : i32
          %dma_wait3A_256 = arith.constant 0 : i32
          %dma_wait3A_257 = tpu.memref_slice %arg10[%dma_wait3A_255, %dma_wait3A_256] : memref<10112x128xf32, #tpu.memory_space<vmem_shared>> -> memref<10112x128xf32, #tpu.memory_space<vmem_shared>>
          tpu.wait_indirect_dma semaphore(%run_scoped3A_245 : memref<!tpu.dma_semaphore, #tpu.memory_space<semaphore_mem>>) src(%arg9 : memref<128x128xf32, #tpu.memory_space<vmem>>) dst(%dma_wait3A_257 : memref<10112x128xf32, #tpu.memory_space<vmem_shared>>)
          tpu.yield
        }) : () -> ()
        %scan3A_244 = arith.constant 0 : i32
        scf.yield %scan3A_244 : i32
      }
      %scan3A_98 = arith.constant 15 : i32
      %dma_wait3A_99 = arith.constant 30 : i32
      %dma_wait3A_100 = arith.constant 0 : i32
      %dma_wait3A_101 = tpu.memref_slice %arg6[%dma_wait3A_99, %dma_wait3A_100] : memref<32x128xi32, #tpu.memory_space<vmem>> -> memref<1x128xi32, #tpu.memory_space<vmem>>
      %dma_wait3A_102 = tpu.memref_squeeze %dma_wait3A_101 : memref<1x128xi32, #tpu.memory_space<vmem>> -> memref<128xi32, #tpu.memory_space<vmem>>
      %dma_wait3A_103 = arith.constant 0 : i32
      %dma_wait3A_104 = arith.constant 0 : i32
      %dma_wait3A_105 = tpu.memref_slice %arg2[%dma_wait3A_103, %dma_wait3A_104] : memref<10112x128xf32, #tpu.memory_space<hbm>> -> memref<10112x128xf32, #tpu.memory_space<hbm>>
      tpu.wait_indirect_dma semaphore(%arg11 : memref<!tpu.dma_semaphore, #tpu.memory_space<semaphore_mem>>) src(%dma_wait3A_105 : memref<10112x128xf32, #tpu.memory_space<hbm>>) dst(%arg8 : memref<128x128xf32, #tpu.memory_space<vmem>>)
      %dma_start3A_106 = arith.constant 31 : i32
      %dma_start3A_107 = arith.constant 0 : i32
      %dma_start3A_108 = tpu.memref_slice %arg6[%dma_start3A_106, %dma_start3A_107] : memref<32x128xi32, #tpu.memory_space<vmem>> -> memref<1x128xi32, #tpu.memory_space<vmem>>
      %dma_start3A_109 = tpu.memref_squeeze %dma_start3A_108 : memref<1x128xi32, #tpu.memory_space<vmem>> -> memref<128xi32, #tpu.memory_space<vmem>>
      %dma_start3A_110 = arith.constant 0 : i32
      %dma_start3A_111 = arith.constant 0 : i32
      %dma_start3A_112 = tpu.memref_slice %arg2[%dma_start3A_110, %dma_start3A_111] : memref<10112x128xf32, #tpu.memory_space<hbm>> -> memref<10112x128xf32, #tpu.memory_space<hbm>>
      tpu.enqueue_indirect_dma source(%dma_start3A_112 : memref<10112x128xf32, #tpu.memory_space<hbm>>) target(%arg9 : memref<128x128xf32, #tpu.memory_space<vmem>>) offsets(%dma_start3A_109 : memref<128xi32, #tpu.memory_space<vmem>>) semaphore(%arg12 : memref<!tpu.dma_semaphore, #tpu.memory_space<semaphore_mem>>)
      %run_scoped3A_113 = arith.constant 30 : i32
      "tpu.region"() ({
        %run_scoped3A_208 = tpu.sem_alloc : memref<!tpu.dma_semaphore, #tpu.memory_space<semaphore_mem>>
        %dma_start3A_209 = arith.constant 0 : i32
        %dma_start3A_210 = tpu.memref_slice %arg7[%run_scoped3A_113, %dma_start3A_209] : memref<32x128xi32, #tpu.memory_space<vmem>> -> memref<1x128xi32, #tpu.memory_space<vmem>>
        %dma_start3A_211 = tpu.memref_squeeze %dma_start3A_210 : memref<1x128xi32, #tpu.memory_space<vmem>> -> memref<128xi32, #tpu.memory_space<vmem>>
        %dma_start3A_212 = arith.constant 0 : i32
        %dma_start3A_213 = arith.constant 0 : i32
        %dma_start3A_214 = tpu.memref_slice %arg10[%dma_start3A_212, %dma_start3A_213] : memref<10112x128xf32, #tpu.memory_space<vmem_shared>> -> memref<10112x128xf32, #tpu.memory_space<vmem_shared>>
        tpu.enqueue_indirect_dma source(%arg8 : memref<128x128xf32, #tpu.memory_space<vmem>>) target(%dma_start3A_214 : memref<10112x128xf32, #tpu.memory_space<vmem_shared>>) offsets(%dma_start3A_211 : memref<128xi32, #tpu.memory_space<vmem>>) semaphore(%run_scoped3A_208 : memref<!tpu.dma_semaphore, #tpu.memory_space<semaphore_mem>>) {add = true}
        %dma_wait3A_215 = arith.constant 0 : i32
        %dma_wait3A_216 = tpu.memref_slice %arg7[%run_scoped3A_113, %dma_wait3A_215] : memref<32x128xi32, #tpu.memory_space<vmem>> -> memref<1x128xi32, #tpu.memory_space<vmem>>
        %dma_wait3A_217 = tpu.memref_squeeze %dma_wait3A_216 : memref<1x128xi32, #tpu.memory_space<vmem>> -> memref<128xi32, #tpu.memory_space<vmem>>
        %dma_wait3A_218 = arith.constant 0 : i32
        %dma_wait3A_219 = arith.constant 0 : i32
        %dma_wait3A_220 = tpu.memref_slice %arg10[%dma_wait3A_218, %dma_wait3A_219] : memref<10112x128xf32, #tpu.memory_space<vmem_shared>> -> memref<10112x128xf32, #tpu.memory_space<vmem_shared>>
        tpu.wait_indirect_dma semaphore(%run_scoped3A_208 : memref<!tpu.dma_semaphore, #tpu.memory_space<semaphore_mem>>) src(%arg8 : memref<128x128xf32, #tpu.memory_space<vmem>>) dst(%dma_wait3A_220 : memref<10112x128xf32, #tpu.memory_space<vmem_shared>>)
        tpu.yield
      }) : () -> ()
      %dma_wait3A_114 = arith.constant 31 : i32
      %dma_wait3A_115 = arith.constant 0 : i32
      %dma_wait3A_116 = tpu.memref_slice %arg6[%dma_wait3A_114, %dma_wait3A_115] : memref<32x128xi32, #tpu.memory_space<vmem>> -> memref<1x128xi32, #tpu.memory_space<vmem>>
      %dma_wait3A_117 = tpu.memref_squeeze %dma_wait3A_116 : memref<1x128xi32, #tpu.memory_space<vmem>> -> memref<128xi32, #tpu.memory_space<vmem>>
      %dma_wait3A_118 = arith.constant 0 : i32
      %dma_wait3A_119 = arith.constant 0 : i32
      %dma_wait3A_120 = tpu.memref_slice %arg2[%dma_wait3A_118, %dma_wait3A_119] : memref<10112x128xf32, #tpu.memory_space<hbm>> -> memref<10112x128xf32, #tpu.memory_space<hbm>>
      tpu.wait_indirect_dma semaphore(%arg12 : memref<!tpu.dma_semaphore, #tpu.memory_space<semaphore_mem>>) src(%dma_wait3A_120 : memref<10112x128xf32, #tpu.memory_space<hbm>>) dst(%arg9 : memref<128x128xf32, #tpu.memory_space<vmem>>)
      %run_scoped3A_121 = arith.constant 31 : i32
      "tpu.region"() ({
        %run_scoped3A_208 = tpu.sem_alloc : memref<!tpu.dma_semaphore, #tpu.memory_space<semaphore_mem>>
        %dma_start3A_209 = arith.constant 0 : i32
        %dma_start3A_210 = tpu.memref_slice %arg7[%run_scoped3A_121, %dma_start3A_209] : memref<32x128xi32, #tpu.memory_space<vmem>> -> memref<1x128xi32, #tpu.memory_space<vmem>>
        %dma_start3A_211 = tpu.memref_squeeze %dma_start3A_210 : memref<1x128xi32, #tpu.memory_space<vmem>> -> memref<128xi32, #tpu.memory_space<vmem>>
        %dma_start3A_212 = arith.constant 0 : i32
        %dma_start3A_213 = arith.constant 0 : i32
        %dma_start3A_214 = tpu.memref_slice %arg10[%dma_start3A_212, %dma_start3A_213] : memref<10112x128xf32, #tpu.memory_space<vmem_shared>> -> memref<10112x128xf32, #tpu.memory_space<vmem_shared>>
        tpu.enqueue_indirect_dma source(%arg9 : memref<128x128xf32, #tpu.memory_space<vmem>>) target(%dma_start3A_214 : memref<10112x128xf32, #tpu.memory_space<vmem_shared>>) offsets(%dma_start3A_211 : memref<128xi32, #tpu.memory_space<vmem>>) semaphore(%run_scoped3A_208 : memref<!tpu.dma_semaphore, #tpu.memory_space<semaphore_mem>>) {add = true}
        %dma_wait3A_215 = arith.constant 0 : i32
        %dma_wait3A_216 = tpu.memref_slice %arg7[%run_scoped3A_121, %dma_wait3A_215] : memref<32x128xi32, #tpu.memory_space<vmem>> -> memref<1x128xi32, #tpu.memory_space<vmem>>
        %dma_wait3A_217 = tpu.memref_squeeze %dma_wait3A_216 : memref<1x128xi32, #tpu.memory_space<vmem>> -> memref<128xi32, #tpu.memory_space<vmem>>
        %dma_wait3A_218 = arith.constant 0 : i32
        %dma_wait3A_219 = arith.constant 0 : i32
        %dma_wait3A_220 = tpu.memref_slice %arg10[%dma_wait3A_218, %dma_wait3A_219] : memref<10112x128xf32, #tpu.memory_space<vmem_shared>> -> memref<10112x128xf32, #tpu.memory_space<vmem_shared>>
        tpu.wait_indirect_dma semaphore(%run_scoped3A_208 : memref<!tpu.dma_semaphore, #tpu.memory_space<semaphore_mem>>) src(%arg9 : memref<128x128xf32, #tpu.memory_space<vmem>>) dst(%dma_wait3A_220 : memref<10112x128xf32, #tpu.memory_space<vmem_shared>>)
        tpu.yield
      }) : () -> ()
      %mul3A_122 = arith.constant 4 : i32
      %mul3A_123 = arith.muli %arg1, %mul3A_122 : i32
      %mul3A_124 = arith.constant 32 : i32
      %mul3A_125 = arith.muli %mul3A_123, %mul3A_124 : i32
      %add3A_126 = arith.constant 64 : i32
      %add3A_127 = arith.addi %mul3A_125, %add3A_126 : i32
      "tpu.region"() ({
        %run_scoped3A_208 = tpu.sem_alloc : memref<!tpu.dma_semaphore, #tpu.memory_space<semaphore_mem>>
        %dma_start3A_209 = arith.constant 0 : i32
        %dma_start3A_210 = tpu.memref_slice %arg3[%add3A_127, %dma_start3A_209] : memref<2560x128xi32, #tpu.memory_space<hbm>> -> memref<32x128xi32, #tpu.memory_space<hbm>>
        %dma_start3A_211 = arith.constant 0 : i32
        %dma_start3A_212 = tpu.memref_slice %arg3[%add3A_127, %dma_start3A_211] : memref<2560x128xi32, #tpu.memory_space<hbm>> -> memref<32x128xi32, #tpu.memory_space<hbm>>
        tpu.enqueue_dma source(%dma_start3A_212 : memref<32x128xi32, #tpu.memory_space<hbm>>) target(%arg6 : memref<32x128xi32, #tpu.memory_space<vmem>>) target_semaphore(%run_scoped3A_208 : memref<!tpu.dma_semaphore, #tpu.memory_space<semaphore_mem>>)
        %dma_wait3A_213 = arith.constant 0 : i32
        %dma_wait3A_214 = tpu.memref_slice %arg3[%add3A_127, %dma_wait3A_213] : memref<2560x128xi32, #tpu.memory_space<hbm>> -> memref<32x128xi32, #tpu.memory_space<hbm>>
        %dma_wait3A_215 = arith.constant 0 : i32
        %dma_wait3A_216 = tpu.memref_slice %arg3[%add3A_127, %dma_wait3A_215] : memref<2560x128xi32, #tpu.memory_space<hbm>> -> memref<32x128xi32, #tpu.memory_space<hbm>>
        tpu.wait_dma2 semaphore(%run_scoped3A_208 : memref<!tpu.dma_semaphore, #tpu.memory_space<semaphore_mem>>) src(%dma_wait3A_216 : memref<32x128xi32, #tpu.memory_space<hbm>>) dst(%arg6 : memref<32x128xi32, #tpu.memory_space<vmem>>)
        tpu.yield
      }) : () -> ()
      "tpu.region"() ({
        %run_scoped3A_208 = tpu.sem_alloc : memref<!tpu.dma_semaphore, #tpu.memory_space<semaphore_mem>>
        %dma_start3A_209 = arith.constant 0 : i32
        %dma_start3A_210 = tpu.memref_slice %arg4[%add3A_127, %dma_start3A_209] : memref<2560x128xi32, #tpu.memory_space<hbm>> -> memref<32x128xi32, #tpu.memory_space<hbm>>
        %dma_start3A_211 = arith.constant 0 : i32
        %dma_start3A_212 = tpu.memref_slice %arg4[%add3A_127, %dma_start3A_211] : memref<2560x128xi32, #tpu.memory_space<hbm>> -> memref<32x128xi32, #tpu.memory_space<hbm>>
        tpu.enqueue_dma source(%dma_start3A_212 : memref<32x128xi32, #tpu.memory_space<hbm>>) target(%arg7 : memref<32x128xi32, #tpu.memory_space<vmem>>) target_semaphore(%run_scoped3A_208 : memref<!tpu.dma_semaphore, #tpu.memory_space<semaphore_mem>>)
        %dma_wait3A_213 = arith.constant 0 : i32
        %dma_wait3A_214 = tpu.memref_slice %arg4[%add3A_127, %dma_wait3A_213] : memref<2560x128xi32, #tpu.memory_space<hbm>> -> memref<32x128xi32, #tpu.memory_space<hbm>>
        %dma_wait3A_215 = arith.constant 0 : i32
        %dma_wait3A_216 = tpu.memref_slice %arg4[%add3A_127, %dma_wait3A_215] : memref<2560x128xi32, #tpu.memory_space<hbm>> -> memref<32x128xi32, #tpu.memory_space<hbm>>
        tpu.wait_dma2 semaphore(%run_scoped3A_208 : memref<!tpu.dma_semaphore, #tpu.memory_space<semaphore_mem>>) src(%dma_wait3A_216 : memref<32x128xi32, #tpu.memory_space<hbm>>) dst(%arg7 : memref<32x128xi32, #tpu.memory_space<vmem>>)
        tpu.yield
      }) : () -> ()
      %dma_start3A_128 = arith.constant 0 : i32
      %dma_start3A_129 = arith.constant 0 : i32
      %dma_start3A_130 = tpu.memref_slice %arg6[%dma_start3A_128, %dma_start3A_129] : memref<32x128xi32, #tpu.memory_space<vmem>> -> memref<1x128xi32, #tpu.memory_space<vmem>>
      %dma_start3A_131 = tpu.memref_squeeze %dma_start3A_130 : memref<1x128xi32, #tpu.memory_space<vmem>> -> memref<128xi32, #tpu.memory_space<vmem>>
      %dma_start3A_132 = arith.constant 0 : i32
      %dma_start3A_133 = arith.constant 0 : i32
      %dma_start3A_134 = tpu.memref_slice %arg2[%dma_start3A_132, %dma_start3A_133] : memref<10112x128xf32, #tpu.memory_space<hbm>> -> memref<10112x128xf32, #tpu.memory_space<hbm>>
      tpu.enqueue_indirect_dma source(%dma_start3A_134 : memref<10112x128xf32, #tpu.memory_space<hbm>>) target(%arg8 : memref<128x128xf32, #tpu.memory_space<vmem>>) offsets(%dma_start3A_131 : memref<128xi32, #tpu.memory_space<vmem>>) semaphore(%arg11 : memref<!tpu.dma_semaphore, #tpu.memory_space<semaphore_mem>>)
      %scan3A_135 = arith.constant 0 : i32
      %scan3A_136 = arith.constant 0 : i32
      %scan3A_137 = arith.constant 15 : i32
      %scan3A_138 = arith.addi %scan3A_136, %scan3A_137 : i32
      %scan3A_139 = arith.constant 1 : i32
      %scan3A_140 = scf.for %scan3A_208 = %scan3A_136 to %scan3A_138 step %scan3A_139 iter_args(%scan3A_209 = %scan3A_135) -> (i32)  : i32 {
        %mul3A_210 = arith.constant 2 : i32
        %mul3A_211 = arith.muli %mul3A_210, %scan3A_208 : i32
        %dma_wait3A_212 = arith.constant 0 : i32
        %dma_wait3A_213 = tpu.memref_slice %arg6[%mul3A_211, %dma_wait3A_212] : memref<32x128xi32, #tpu.memory_space<vmem>> -> memref<1x128xi32, #tpu.memory_space<vmem>>
        %dma_wait3A_214 = tpu.memref_squeeze %dma_wait3A_213 : memref<1x128xi32, #tpu.memory_space<vmem>> -> memref<128xi32, #tpu.memory_space<vmem>>
        %dma_wait3A_215 = arith.constant 0 : i32
        %dma_wait3A_216 = arith.constant 0 : i32
        %dma_wait3A_217 = tpu.memref_slice %arg2[%dma_wait3A_215, %dma_wait3A_216] : memref<10112x128xf32, #tpu.memory_space<hbm>> -> memref<10112x128xf32, #tpu.memory_space<hbm>>
        tpu.wait_indirect_dma semaphore(%arg11 : memref<!tpu.dma_semaphore, #tpu.memory_space<semaphore_mem>>) src(%dma_wait3A_217 : memref<10112x128xf32, #tpu.memory_space<hbm>>) dst(%arg8 : memref<128x128xf32, #tpu.memory_space<vmem>>)
        %add3A_218 = arith.constant 1 : i32
        %add3A_219 = arith.addi %mul3A_211, %add3A_218 : i32
        %dma_start3A_220 = arith.constant 0 : i32
        %dma_start3A_221 = tpu.memref_slice %arg6[%add3A_219, %dma_start3A_220] : memref<32x128xi32, #tpu.memory_space<vmem>> -> memref<1x128xi32, #tpu.memory_space<vmem>>
        %dma_start3A_222 = tpu.memref_squeeze %dma_start3A_221 : memref<1x128xi32, #tpu.memory_space<vmem>> -> memref<128xi32, #tpu.memory_space<vmem>>
        %dma_start3A_223 = arith.constant 0 : i32
        %dma_start3A_224 = arith.constant 0 : i32
        %dma_start3A_225 = tpu.memref_slice %arg2[%dma_start3A_223, %dma_start3A_224] : memref<10112x128xf32, #tpu.memory_space<hbm>> -> memref<10112x128xf32, #tpu.memory_space<hbm>>
        tpu.enqueue_indirect_dma source(%dma_start3A_225 : memref<10112x128xf32, #tpu.memory_space<hbm>>) target(%arg9 : memref<128x128xf32, #tpu.memory_space<vmem>>) offsets(%dma_start3A_222 : memref<128xi32, #tpu.memory_space<vmem>>) semaphore(%arg12 : memref<!tpu.dma_semaphore, #tpu.memory_space<semaphore_mem>>)
        "tpu.region"() ({
          %run_scoped3A_245 = tpu.sem_alloc : memref<!tpu.dma_semaphore, #tpu.memory_space<semaphore_mem>>
          %dma_start3A_246 = arith.constant 0 : i32
          %dma_start3A_247 = tpu.memref_slice %arg7[%mul3A_211, %dma_start3A_246] : memref<32x128xi32, #tpu.memory_space<vmem>> -> memref<1x128xi32, #tpu.memory_space<vmem>>
          %dma_start3A_248 = tpu.memref_squeeze %dma_start3A_247 : memref<1x128xi32, #tpu.memory_space<vmem>> -> memref<128xi32, #tpu.memory_space<vmem>>
          %dma_start3A_249 = arith.constant 0 : i32
          %dma_start3A_250 = arith.constant 0 : i32
          %dma_start3A_251 = tpu.memref_slice %arg10[%dma_start3A_249, %dma_start3A_250] : memref<10112x128xf32, #tpu.memory_space<vmem_shared>> -> memref<10112x128xf32, #tpu.memory_space<vmem_shared>>
          tpu.enqueue_indirect_dma source(%arg8 : memref<128x128xf32, #tpu.memory_space<vmem>>) target(%dma_start3A_251 : memref<10112x128xf32, #tpu.memory_space<vmem_shared>>) offsets(%dma_start3A_248 : memref<128xi32, #tpu.memory_space<vmem>>) semaphore(%run_scoped3A_245 : memref<!tpu.dma_semaphore, #tpu.memory_space<semaphore_mem>>) {add = true}
          %dma_wait3A_252 = arith.constant 0 : i32
          %dma_wait3A_253 = tpu.memref_slice %arg7[%mul3A_211, %dma_wait3A_252] : memref<32x128xi32, #tpu.memory_space<vmem>> -> memref<1x128xi32, #tpu.memory_space<vmem>>
          %dma_wait3A_254 = tpu.memref_squeeze %dma_wait3A_253 : memref<1x128xi32, #tpu.memory_space<vmem>> -> memref<128xi32, #tpu.memory_space<vmem>>
          %dma_wait3A_255 = arith.constant 0 : i32
          %dma_wait3A_256 = arith.constant 0 : i32
          %dma_wait3A_257 = tpu.memref_slice %arg10[%dma_wait3A_255, %dma_wait3A_256] : memref<10112x128xf32, #tpu.memory_space<vmem_shared>> -> memref<10112x128xf32, #tpu.memory_space<vmem_shared>>
          tpu.wait_indirect_dma semaphore(%run_scoped3A_245 : memref<!tpu.dma_semaphore, #tpu.memory_space<semaphore_mem>>) src(%arg8 : memref<128x128xf32, #tpu.memory_space<vmem>>) dst(%dma_wait3A_257 : memref<10112x128xf32, #tpu.memory_space<vmem_shared>>)
          tpu.yield
        }) : () -> ()
        %add3A_226 = arith.constant 1 : i32
        %add3A_227 = arith.addi %mul3A_211, %add3A_226 : i32
        %dma_wait3A_228 = arith.constant 0 : i32
        %dma_wait3A_229 = tpu.memref_slice %arg6[%add3A_227, %dma_wait3A_228] : memref<32x128xi32, #tpu.memory_space<vmem>> -> memref<1x128xi32, #tpu.memory_space<vmem>>
        %dma_wait3A_230 = tpu.memref_squeeze %dma_wait3A_229 : memref<1x128xi32, #tpu.memory_space<vmem>> -> memref<128xi32, #tpu.memory_space<vmem>>
        %dma_wait3A_231 = arith.constant 0 : i32
        %dma_wait3A_232 = arith.constant 0 : i32
        %dma_wait3A_233 = tpu.memref_slice %arg2[%dma_wait3A_231, %dma_wait3A_232] : memref<10112x128xf32, #tpu.memory_space<hbm>> -> memref<10112x128xf32, #tpu.memory_space<hbm>>
        tpu.wait_indirect_dma semaphore(%arg12 : memref<!tpu.dma_semaphore, #tpu.memory_space<semaphore_mem>>) src(%dma_wait3A_233 : memref<10112x128xf32, #tpu.memory_space<hbm>>) dst(%arg9 : memref<128x128xf32, #tpu.memory_space<vmem>>)
        %add3A_234 = arith.constant 2 : i32
        %add3A_235 = arith.addi %mul3A_211, %add3A_234 : i32
        %dma_start3A_236 = arith.constant 0 : i32
        %dma_start3A_237 = tpu.memref_slice %arg6[%add3A_235, %dma_start3A_236] : memref<32x128xi32, #tpu.memory_space<vmem>> -> memref<1x128xi32, #tpu.memory_space<vmem>>
        %dma_start3A_238 = tpu.memref_squeeze %dma_start3A_237 : memref<1x128xi32, #tpu.memory_space<vmem>> -> memref<128xi32, #tpu.memory_space<vmem>>
        %dma_start3A_239 = arith.constant 0 : i32
        %dma_start3A_240 = arith.constant 0 : i32
        %dma_start3A_241 = tpu.memref_slice %arg2[%dma_start3A_239, %dma_start3A_240] : memref<10112x128xf32, #tpu.memory_space<hbm>> -> memref<10112x128xf32, #tpu.memory_space<hbm>>
        tpu.enqueue_indirect_dma source(%dma_start3A_241 : memref<10112x128xf32, #tpu.memory_space<hbm>>) target(%arg8 : memref<128x128xf32, #tpu.memory_space<vmem>>) offsets(%dma_start3A_238 : memref<128xi32, #tpu.memory_space<vmem>>) semaphore(%arg11 : memref<!tpu.dma_semaphore, #tpu.memory_space<semaphore_mem>>)
        %add3A_242 = arith.constant 1 : i32
        %add3A_243 = arith.addi %mul3A_211, %add3A_242 : i32
        "tpu.region"() ({
          %run_scoped3A_245 = tpu.sem_alloc : memref<!tpu.dma_semaphore, #tpu.memory_space<semaphore_mem>>
          %dma_start3A_246 = arith.constant 0 : i32
          %dma_start3A_247 = tpu.memref_slice %arg7[%add3A_243, %dma_start3A_246] : memref<32x128xi32, #tpu.memory_space<vmem>> -> memref<1x128xi32, #tpu.memory_space<vmem>>
          %dma_start3A_248 = tpu.memref_squeeze %dma_start3A_247 : memref<1x128xi32, #tpu.memory_space<vmem>> -> memref<128xi32, #tpu.memory_space<vmem>>
          %dma_start3A_249 = arith.constant 0 : i32
          %dma_start3A_250 = arith.constant 0 : i32
          %dma_start3A_251 = tpu.memref_slice %arg10[%dma_start3A_249, %dma_start3A_250] : memref<10112x128xf32, #tpu.memory_space<vmem_shared>> -> memref<10112x128xf32, #tpu.memory_space<vmem_shared>>
          tpu.enqueue_indirect_dma source(%arg9 : memref<128x128xf32, #tpu.memory_space<vmem>>) target(%dma_start3A_251 : memref<10112x128xf32, #tpu.memory_space<vmem_shared>>) offsets(%dma_start3A_248 : memref<128xi32, #tpu.memory_space<vmem>>) semaphore(%run_scoped3A_245 : memref<!tpu.dma_semaphore, #tpu.memory_space<semaphore_mem>>) {add = true}
          %dma_wait3A_252 = arith.constant 0 : i32
          %dma_wait3A_253 = tpu.memref_slice %arg7[%add3A_243, %dma_wait3A_252] : memref<32x128xi32, #tpu.memory_space<vmem>> -> memref<1x128xi32, #tpu.memory_space<vmem>>
          %dma_wait3A_254 = tpu.memref_squeeze %dma_wait3A_253 : memref<1x128xi32, #tpu.memory_space<vmem>> -> memref<128xi32, #tpu.memory_space<vmem>>
          %dma_wait3A_255 = arith.constant 0 : i32
          %dma_wait3A_256 = arith.constant 0 : i32
          %dma_wait3A_257 = tpu.memref_slice %arg10[%dma_wait3A_255, %dma_wait3A_256] : memref<10112x128xf32, #tpu.memory_space<vmem_shared>> -> memref<10112x128xf32, #tpu.memory_space<vmem_shared>>
          tpu.wait_indirect_dma semaphore(%run_scoped3A_245 : memref<!tpu.dma_semaphore, #tpu.memory_space<semaphore_mem>>) src(%arg9 : memref<128x128xf32, #tpu.memory_space<vmem>>) dst(%dma_wait3A_257 : memref<10112x128xf32, #tpu.memory_space<vmem_shared>>)
          tpu.yield
        }) : () -> ()
        %scan3A_244 = arith.constant 0 : i32
        scf.yield %scan3A_244 : i32
      }
      %scan3A_141 = arith.constant 15 : i32
      %dma_wait3A_142 = arith.constant 30 : i32
      %dma_wait3A_143 = arith.constant 0 : i32
      %dma_wait3A_144 = tpu.memref_slice %arg6[%dma_wait3A_142, %dma_wait3A_143] : memref<32x128xi32, #tpu.memory_space<vmem>> -> memref<1x128xi32, #tpu.memory_space<vmem>>
      %dma_wait3A_145 = tpu.memref_squeeze %dma_wait3A_144 : memref<1x128xi32, #tpu.memory_space<vmem>> -> memref<128xi32, #tpu.memory_space<vmem>>
      %dma_wait3A_146 = arith.constant 0 : i32
      %dma_wait3A_147 = arith.constant 0 : i32
      %dma_wait3A_148 = tpu.memref_slice %arg2[%dma_wait3A_146, %dma_wait3A_147] : memref<10112x128xf32, #tpu.memory_space<hbm>> -> memref<10112x128xf32, #tpu.memory_space<hbm>>
      tpu.wait_indirect_dma semaphore(%arg11 : memref<!tpu.dma_semaphore, #tpu.memory_space<semaphore_mem>>) src(%dma_wait3A_148 : memref<10112x128xf32, #tpu.memory_space<hbm>>) dst(%arg8 : memref<128x128xf32, #tpu.memory_space<vmem>>)
      %dma_start3A_149 = arith.constant 31 : i32
      %dma_start3A_150 = arith.constant 0 : i32
      %dma_start3A_151 = tpu.memref_slice %arg6[%dma_start3A_149, %dma_start3A_150] : memref<32x128xi32, #tpu.memory_space<vmem>> -> memref<1x128xi32, #tpu.memory_space<vmem>>
      %dma_start3A_152 = tpu.memref_squeeze %dma_start3A_151 : memref<1x128xi32, #tpu.memory_space<vmem>> -> memref<128xi32, #tpu.memory_space<vmem>>
      %dma_start3A_153 = arith.constant 0 : i32
      %dma_start3A_154 = arith.constant 0 : i32
      %dma_start3A_155 = tpu.memref_slice %arg2[%dma_start3A_153, %dma_start3A_154] : memref<10112x128xf32, #tpu.memory_space<hbm>> -> memref<10112x128xf32, #tpu.memory_space<hbm>>
      tpu.enqueue_indirect_dma source(%dma_start3A_155 : memref<10112x128xf32, #tpu.memory_space<hbm>>) target(%arg9 : memref<128x128xf32, #tpu.memory_space<vmem>>) offsets(%dma_start3A_152 : memref<128xi32, #tpu.memory_space<vmem>>) semaphore(%arg12 : memref<!tpu.dma_semaphore, #tpu.memory_space<semaphore_mem>>)
      %run_scoped3A_156 = arith.constant 30 : i32
      "tpu.region"() ({
        %run_scoped3A_208 = tpu.sem_alloc : memref<!tpu.dma_semaphore, #tpu.memory_space<semaphore_mem>>
        %dma_start3A_209 = arith.constant 0 : i32
        %dma_start3A_210 = tpu.memref_slice %arg7[%run_scoped3A_156, %dma_start3A_209] : memref<32x128xi32, #tpu.memory_space<vmem>> -> memref<1x128xi32, #tpu.memory_space<vmem>>
        %dma_start3A_211 = tpu.memref_squeeze %dma_start3A_210 : memref<1x128xi32, #tpu.memory_space<vmem>> -> memref<128xi32, #tpu.memory_space<vmem>>
        %dma_start3A_212 = arith.constant 0 : i32
        %dma_start3A_213 = arith.constant 0 : i32
        %dma_start3A_214 = tpu.memref_slice %arg10[%dma_start3A_212, %dma_start3A_213] : memref<10112x128xf32, #tpu.memory_space<vmem_shared>> -> memref<10112x128xf32, #tpu.memory_space<vmem_shared>>
        tpu.enqueue_indirect_dma source(%arg8 : memref<128x128xf32, #tpu.memory_space<vmem>>) target(%dma_start3A_214 : memref<10112x128xf32, #tpu.memory_space<vmem_shared>>) offsets(%dma_start3A_211 : memref<128xi32, #tpu.memory_space<vmem>>) semaphore(%run_scoped3A_208 : memref<!tpu.dma_semaphore, #tpu.memory_space<semaphore_mem>>) {add = true}
        %dma_wait3A_215 = arith.constant 0 : i32
        %dma_wait3A_216 = tpu.memref_slice %arg7[%run_scoped3A_156, %dma_wait3A_215] : memref<32x128xi32, #tpu.memory_space<vmem>> -> memref<1x128xi32, #tpu.memory_space<vmem>>
        %dma_wait3A_217 = tpu.memref_squeeze %dma_wait3A_216 : memref<1x128xi32, #tpu.memory_space<vmem>> -> memref<128xi32, #tpu.memory_space<vmem>>
        %dma_wait3A_218 = arith.constant 0 : i32
        %dma_wait3A_219 = arith.constant 0 : i32
        %dma_wait3A_220 = tpu.memref_slice %arg10[%dma_wait3A_218, %dma_wait3A_219] : memref<10112x128xf32, #tpu.memory_space<vmem_shared>> -> memref<10112x128xf32, #tpu.memory_space<vmem_shared>>
        tpu.wait_indirect_dma semaphore(%run_scoped3A_208 : memref<!tpu.dma_semaphore, #tpu.memory_space<semaphore_mem>>) src(%arg8 : memref<128x128xf32, #tpu.memory_space<vmem>>) dst(%dma_wait3A_220 : memref<10112x128xf32, #tpu.memory_space<vmem_shared>>)
        tpu.yield
      }) : () -> ()
      %dma_wait3A_157 = arith.constant 31 : i32
      %dma_wait3A_158 = arith.constant 0 : i32
      %dma_wait3A_159 = tpu.memref_slice %arg6[%dma_wait3A_157, %dma_wait3A_158] : memref<32x128xi32, #tpu.memory_space<vmem>> -> memref<1x128xi32, #tpu.memory_space<vmem>>
      %dma_wait3A_160 = tpu.memref_squeeze %dma_wait3A_159 : memref<1x128xi32, #tpu.memory_space<vmem>> -> memref<128xi32, #tpu.memory_space<vmem>>
      %dma_wait3A_161 = arith.constant 0 : i32
      %dma_wait3A_162 = arith.constant 0 : i32
      %dma_wait3A_163 = tpu.memref_slice %arg2[%dma_wait3A_161, %dma_wait3A_162] : memref<10112x128xf32, #tpu.memory_space<hbm>> -> memref<10112x128xf32, #tpu.memory_space<hbm>>
      tpu.wait_indirect_dma semaphore(%arg12 : memref<!tpu.dma_semaphore, #tpu.memory_space<semaphore_mem>>) src(%dma_wait3A_163 : memref<10112x128xf32, #tpu.memory_space<hbm>>) dst(%arg9 : memref<128x128xf32, #tpu.memory_space<vmem>>)
      %run_scoped3A_164 = arith.constant 31 : i32
      "tpu.region"() ({
        %run_scoped3A_208 = tpu.sem_alloc : memref<!tpu.dma_semaphore, #tpu.memory_space<semaphore_mem>>
        %dma_start3A_209 = arith.constant 0 : i32
        %dma_start3A_210 = tpu.memref_slice %arg7[%run_scoped3A_164, %dma_start3A_209] : memref<32x128xi32, #tpu.memory_space<vmem>> -> memref<1x128xi32, #tpu.memory_space<vmem>>
        %dma_start3A_211 = tpu.memref_squeeze %dma_start3A_210 : memref<1x128xi32, #tpu.memory_space<vmem>> -> memref<128xi32, #tpu.memory_space<vmem>>
        %dma_start3A_212 = arith.constant 0 : i32
        %dma_start3A_213 = arith.constant 0 : i32
        %dma_start3A_214 = tpu.memref_slice %arg10[%dma_start3A_212, %dma_start3A_213] : memref<10112x128xf32, #tpu.memory_space<vmem_shared>> -> memref<10112x128xf32, #tpu.memory_space<vmem_shared>>
        tpu.enqueue_indirect_dma source(%arg9 : memref<128x128xf32, #tpu.memory_space<vmem>>) target(%dma_start3A_214 : memref<10112x128xf32, #tpu.memory_space<vmem_shared>>) offsets(%dma_start3A_211 : memref<128xi32, #tpu.memory_space<vmem>>) semaphore(%run_scoped3A_208 : memref<!tpu.dma_semaphore, #tpu.memory_space<semaphore_mem>>) {add = true}
        %dma_wait3A_215 = arith.constant 0 : i32
        %dma_wait3A_216 = tpu.memref_slice %arg7[%run_scoped3A_164, %dma_wait3A_215] : memref<32x128xi32, #tpu.memory_space<vmem>> -> memref<1x128xi32, #tpu.memory_space<vmem>>
        %dma_wait3A_217 = tpu.memref_squeeze %dma_wait3A_216 : memref<1x128xi32, #tpu.memory_space<vmem>> -> memref<128xi32, #tpu.memory_space<vmem>>
        %dma_wait3A_218 = arith.constant 0 : i32
        %dma_wait3A_219 = arith.constant 0 : i32
        %dma_wait3A_220 = tpu.memref_slice %arg10[%dma_wait3A_218, %dma_wait3A_219] : memref<10112x128xf32, #tpu.memory_space<vmem_shared>> -> memref<10112x128xf32, #tpu.memory_space<vmem_shared>>
        tpu.wait_indirect_dma semaphore(%run_scoped3A_208 : memref<!tpu.dma_semaphore, #tpu.memory_space<semaphore_mem>>) src(%arg9 : memref<128x128xf32, #tpu.memory_space<vmem>>) dst(%dma_wait3A_220 : memref<10112x128xf32, #tpu.memory_space<vmem_shared>>)
        tpu.yield
      }) : () -> ()
      %mul3A_165 = arith.constant 4 : i32
      %mul3A_166 = arith.muli %arg1, %mul3A_165 : i32
      %mul3A_167 = arith.constant 32 : i32
      %mul3A_168 = arith.muli %mul3A_166, %mul3A_167 : i32
      %add3A_169 = arith.constant 96 : i32
      %add3A_170 = arith.addi %mul3A_168, %add3A_169 : i32
      "tpu.region"() ({
        %run_scoped3A_208 = tpu.sem_alloc : memref<!tpu.dma_semaphore, #tpu.memory_space<semaphore_mem>>
        %dma_start3A_209 = arith.constant 0 : i32
        %dma_start3A_210 = tpu.memref_slice %arg3[%add3A_170, %dma_start3A_209] : memref<2560x128xi32, #tpu.memory_space<hbm>> -> memref<32x128xi32, #tpu.memory_space<hbm>>
        %dma_start3A_211 = arith.constant 0 : i32
        %dma_start3A_212 = tpu.memref_slice %arg3[%add3A_170, %dma_start3A_211] : memref<2560x128xi32, #tpu.memory_space<hbm>> -> memref<32x128xi32, #tpu.memory_space<hbm>>
        tpu.enqueue_dma source(%dma_start3A_212 : memref<32x128xi32, #tpu.memory_space<hbm>>) target(%arg6 : memref<32x128xi32, #tpu.memory_space<vmem>>) target_semaphore(%run_scoped3A_208 : memref<!tpu.dma_semaphore, #tpu.memory_space<semaphore_mem>>)
        %dma_wait3A_213 = arith.constant 0 : i32
        %dma_wait3A_214 = tpu.memref_slice %arg3[%add3A_170, %dma_wait3A_213] : memref<2560x128xi32, #tpu.memory_space<hbm>> -> memref<32x128xi32, #tpu.memory_space<hbm>>
        %dma_wait3A_215 = arith.constant 0 : i32
        %dma_wait3A_216 = tpu.memref_slice %arg3[%add3A_170, %dma_wait3A_215] : memref<2560x128xi32, #tpu.memory_space<hbm>> -> memref<32x128xi32, #tpu.memory_space<hbm>>
        tpu.wait_dma2 semaphore(%run_scoped3A_208 : memref<!tpu.dma_semaphore, #tpu.memory_space<semaphore_mem>>) src(%dma_wait3A_216 : memref<32x128xi32, #tpu.memory_space<hbm>>) dst(%arg6 : memref<32x128xi32, #tpu.memory_space<vmem>>)
        tpu.yield
      }) : () -> ()
      "tpu.region"() ({
        %run_scoped3A_208 = tpu.sem_alloc : memref<!tpu.dma_semaphore, #tpu.memory_space<semaphore_mem>>
        %dma_start3A_209 = arith.constant 0 : i32
        %dma_start3A_210 = tpu.memref_slice %arg4[%add3A_170, %dma_start3A_209] : memref<2560x128xi32, #tpu.memory_space<hbm>> -> memref<32x128xi32, #tpu.memory_space<hbm>>
        %dma_start3A_211 = arith.constant 0 : i32
        %dma_start3A_212 = tpu.memref_slice %arg4[%add3A_170, %dma_start3A_211] : memref<2560x128xi32, #tpu.memory_space<hbm>> -> memref<32x128xi32, #tpu.memory_space<hbm>>
        tpu.enqueue_dma source(%dma_start3A_212 : memref<32x128xi32, #tpu.memory_space<hbm>>) target(%arg7 : memref<32x128xi32, #tpu.memory_space<vmem>>) target_semaphore(%run_scoped3A_208 : memref<!tpu.dma_semaphore, #tpu.memory_space<semaphore_mem>>)
        %dma_wait3A_213 = arith.constant 0 : i32
        %dma_wait3A_214 = tpu.memref_slice %arg4[%add3A_170, %dma_wait3A_213] : memref<2560x128xi32, #tpu.memory_space<hbm>> -> memref<32x128xi32, #tpu.memory_space<hbm>>
        %dma_wait3A_215 = arith.constant 0 : i32
        %dma_wait3A_216 = tpu.memref_slice %arg4[%add3A_170, %dma_wait3A_215] : memref<2560x128xi32, #tpu.memory_space<hbm>> -> memref<32x128xi32, #tpu.memory_space<hbm>>
        tpu.wait_dma2 semaphore(%run_scoped3A_208 : memref<!tpu.dma_semaphore, #tpu.memory_space<semaphore_mem>>) src(%dma_wait3A_216 : memref<32x128xi32, #tpu.memory_space<hbm>>) dst(%arg7 : memref<32x128xi32, #tpu.memory_space<vmem>>)
        tpu.yield
      }) : () -> ()
      %dma_start3A_171 = arith.constant 0 : i32
      %dma_start3A_172 = arith.constant 0 : i32
      %dma_start3A_173 = tpu.memref_slice %arg6[%dma_start3A_171, %dma_start3A_172] : memref<32x128xi32, #tpu.memory_space<vmem>> -> memref<1x128xi32, #tpu.memory_space<vmem>>
      %dma_start3A_174 = tpu.memref_squeeze %dma_start3A_173 : memref<1x128xi32, #tpu.memory_space<vmem>> -> memref<128xi32, #tpu.memory_space<vmem>>
      %dma_start3A_175 = arith.constant 0 : i32
      %dma_start3A_176 = arith.constant 0 : i32
      %dma_start3A_177 = tpu.memref_slice %arg2[%dma_start3A_175, %dma_start3A_176] : memref<10112x128xf32, #tpu.memory_space<hbm>> -> memref<10112x128xf32, #tpu.memory_space<hbm>>
      tpu.enqueue_indirect_dma source(%dma_start3A_177 : memref<10112x128xf32, #tpu.memory_space<hbm>>) target(%arg8 : memref<128x128xf32, #tpu.memory_space<vmem>>) offsets(%dma_start3A_174 : memref<128xi32, #tpu.memory_space<vmem>>) semaphore(%arg11 : memref<!tpu.dma_semaphore, #tpu.memory_space<semaphore_mem>>)
      %scan3A_178 = arith.constant 0 : i32
      %scan3A_179 = arith.constant 0 : i32
      %scan3A_180 = arith.constant 15 : i32
      %scan3A_181 = arith.addi %scan3A_179, %scan3A_180 : i32
      %scan3A_182 = arith.constant 1 : i32
      %scan3A_183 = scf.for %scan3A_208 = %scan3A_179 to %scan3A_181 step %scan3A_182 iter_args(%scan3A_209 = %scan3A_178) -> (i32)  : i32 {
        %mul3A_210 = arith.constant 2 : i32
        %mul3A_211 = arith.muli %mul3A_210, %scan3A_208 : i32
        %dma_wait3A_212 = arith.constant 0 : i32
        %dma_wait3A_213 = tpu.memref_slice %arg6[%mul3A_211, %dma_wait3A_212] : memref<32x128xi32, #tpu.memory_space<vmem>> -> memref<1x128xi32, #tpu.memory_space<vmem>>
        %dma_wait3A_214 = tpu.memref_squeeze %dma_wait3A_213 : memref<1x128xi32, #tpu.memory_space<vmem>> -> memref<128xi32, #tpu.memory_space<vmem>>
        %dma_wait3A_215 = arith.constant 0 : i32
        %dma_wait3A_216 = arith.constant 0 : i32
        %dma_wait3A_217 = tpu.memref_slice %arg2[%dma_wait3A_215, %dma_wait3A_216] : memref<10112x128xf32, #tpu.memory_space<hbm>> -> memref<10112x128xf32, #tpu.memory_space<hbm>>
        tpu.wait_indirect_dma semaphore(%arg11 : memref<!tpu.dma_semaphore, #tpu.memory_space<semaphore_mem>>) src(%dma_wait3A_217 : memref<10112x128xf32, #tpu.memory_space<hbm>>) dst(%arg8 : memref<128x128xf32, #tpu.memory_space<vmem>>)
        %add3A_218 = arith.constant 1 : i32
        %add3A_219 = arith.addi %mul3A_211, %add3A_218 : i32
        %dma_start3A_220 = arith.constant 0 : i32
        %dma_start3A_221 = tpu.memref_slice %arg6[%add3A_219, %dma_start3A_220] : memref<32x128xi32, #tpu.memory_space<vmem>> -> memref<1x128xi32, #tpu.memory_space<vmem>>
        %dma_start3A_222 = tpu.memref_squeeze %dma_start3A_221 : memref<1x128xi32, #tpu.memory_space<vmem>> -> memref<128xi32, #tpu.memory_space<vmem>>
        %dma_start3A_223 = arith.constant 0 : i32
        %dma_start3A_224 = arith.constant 0 : i32
        %dma_start3A_225 = tpu.memref_slice %arg2[%dma_start3A_223, %dma_start3A_224] : memref<10112x128xf32, #tpu.memory_space<hbm>> -> memref<10112x128xf32, #tpu.memory_space<hbm>>
        tpu.enqueue_indirect_dma source(%dma_start3A_225 : memref<10112x128xf32, #tpu.memory_space<hbm>>) target(%arg9 : memref<128x128xf32, #tpu.memory_space<vmem>>) offsets(%dma_start3A_222 : memref<128xi32, #tpu.memory_space<vmem>>) semaphore(%arg12 : memref<!tpu.dma_semaphore, #tpu.memory_space<semaphore_mem>>)
        "tpu.region"() ({
          %run_scoped3A_245 = tpu.sem_alloc : memref<!tpu.dma_semaphore, #tpu.memory_space<semaphore_mem>>
          %dma_start3A_246 = arith.constant 0 : i32
          %dma_start3A_247 = tpu.memref_slice %arg7[%mul3A_211, %dma_start3A_246] : memref<32x128xi32, #tpu.memory_space<vmem>> -> memref<1x128xi32, #tpu.memory_space<vmem>>
          %dma_start3A_248 = tpu.memref_squeeze %dma_start3A_247 : memref<1x128xi32, #tpu.memory_space<vmem>> -> memref<128xi32, #tpu.memory_space<vmem>>
          %dma_start3A_249 = arith.constant 0 : i32
          %dma_start3A_250 = arith.constant 0 : i32
          %dma_start3A_251 = tpu.memref_slice %arg10[%dma_start3A_249, %dma_start3A_250] : memref<10112x128xf32, #tpu.memory_space<vmem_shared>> -> memref<10112x128xf32, #tpu.memory_space<vmem_shared>>
          tpu.enqueue_indirect_dma source(%arg8 : memref<128x128xf32, #tpu.memory_space<vmem>>) target(%dma_start3A_251 : memref<10112x128xf32, #tpu.memory_space<vmem_shared>>) offsets(%dma_start3A_248 : memref<128xi32, #tpu.memory_space<vmem>>) semaphore(%run_scoped3A_245 : memref<!tpu.dma_semaphore, #tpu.memory_space<semaphore_mem>>) {add = true}
          %dma_wait3A_252 = arith.constant 0 : i32
          %dma_wait3A_253 = tpu.memref_slice %arg7[%mul3A_211, %dma_wait3A_252] : memref<32x128xi32, #tpu.memory_space<vmem>> -> memref<1x128xi32, #tpu.memory_space<vmem>>
          %dma_wait3A_254 = tpu.memref_squeeze %dma_wait3A_253 : memref<1x128xi32, #tpu.memory_space<vmem>> -> memref<128xi32, #tpu.memory_space<vmem>>
          %dma_wait3A_255 = arith.constant 0 : i32
          %dma_wait3A_256 = arith.constant 0 : i32
          %dma_wait3A_257 = tpu.memref_slice %arg10[%dma_wait3A_255, %dma_wait3A_256] : memref<10112x128xf32, #tpu.memory_space<vmem_shared>> -> memref<10112x128xf32, #tpu.memory_space<vmem_shared>>
          tpu.wait_indirect_dma semaphore(%run_scoped3A_245 : memref<!tpu.dma_semaphore, #tpu.memory_space<semaphore_mem>>) src(%arg8 : memref<128x128xf32, #tpu.memory_space<vmem>>) dst(%dma_wait3A_257 : memref<10112x128xf32, #tpu.memory_space<vmem_shared>>)
          tpu.yield
        }) : () -> ()
        %add3A_226 = arith.constant 1 : i32
        %add3A_227 = arith.addi %mul3A_211, %add3A_226 : i32
        %dma_wait3A_228 = arith.constant 0 : i32
        %dma_wait3A_229 = tpu.memref_slice %arg6[%add3A_227, %dma_wait3A_228] : memref<32x128xi32, #tpu.memory_space<vmem>> -> memref<1x128xi32, #tpu.memory_space<vmem>>
        %dma_wait3A_230 = tpu.memref_squeeze %dma_wait3A_229 : memref<1x128xi32, #tpu.memory_space<vmem>> -> memref<128xi32, #tpu.memory_space<vmem>>
        %dma_wait3A_231 = arith.constant 0 : i32
        %dma_wait3A_232 = arith.constant 0 : i32
        %dma_wait3A_233 = tpu.memref_slice %arg2[%dma_wait3A_231, %dma_wait3A_232] : memref<10112x128xf32, #tpu.memory_space<hbm>> -> memref<10112x128xf32, #tpu.memory_space<hbm>>
        tpu.wait_indirect_dma semaphore(%arg12 : memref<!tpu.dma_semaphore, #tpu.memory_space<semaphore_mem>>) src(%dma_wait3A_233 : memref<10112x128xf32, #tpu.memory_space<hbm>>) dst(%arg9 : memref<128x128xf32, #tpu.memory_space<vmem>>)
        %add3A_234 = arith.constant 2 : i32
        %add3A_235 = arith.addi %mul3A_211, %add3A_234 : i32
        %dma_start3A_236 = arith.constant 0 : i32
        %dma_start3A_237 = tpu.memref_slice %arg6[%add3A_235, %dma_start3A_236] : memref<32x128xi32, #tpu.memory_space<vmem>> -> memref<1x128xi32, #tpu.memory_space<vmem>>
        %dma_start3A_238 = tpu.memref_squeeze %dma_start3A_237 : memref<1x128xi32, #tpu.memory_space<vmem>> -> memref<128xi32, #tpu.memory_space<vmem>>
        %dma_start3A_239 = arith.constant 0 : i32
        %dma_start3A_240 = arith.constant 0 : i32
        %dma_start3A_241 = tpu.memref_slice %arg2[%dma_start3A_239, %dma_start3A_240] : memref<10112x128xf32, #tpu.memory_space<hbm>> -> memref<10112x128xf32, #tpu.memory_space<hbm>>
        tpu.enqueue_indirect_dma source(%dma_start3A_241 : memref<10112x128xf32, #tpu.memory_space<hbm>>) target(%arg8 : memref<128x128xf32, #tpu.memory_space<vmem>>) offsets(%dma_start3A_238 : memref<128xi32, #tpu.memory_space<vmem>>) semaphore(%arg11 : memref<!tpu.dma_semaphore, #tpu.memory_space<semaphore_mem>>)
        %add3A_242 = arith.constant 1 : i32
        %add3A_243 = arith.addi %mul3A_211, %add3A_242 : i32
        "tpu.region"() ({
          %run_scoped3A_245 = tpu.sem_alloc : memref<!tpu.dma_semaphore, #tpu.memory_space<semaphore_mem>>
          %dma_start3A_246 = arith.constant 0 : i32
          %dma_start3A_247 = tpu.memref_slice %arg7[%add3A_243, %dma_start3A_246] : memref<32x128xi32, #tpu.memory_space<vmem>> -> memref<1x128xi32, #tpu.memory_space<vmem>>
          %dma_start3A_248 = tpu.memref_squeeze %dma_start3A_247 : memref<1x128xi32, #tpu.memory_space<vmem>> -> memref<128xi32, #tpu.memory_space<vmem>>
          %dma_start3A_249 = arith.constant 0 : i32
          %dma_start3A_250 = arith.constant 0 : i32
          %dma_start3A_251 = tpu.memref_slice %arg10[%dma_start3A_249, %dma_start3A_250] : memref<10112x128xf32, #tpu.memory_space<vmem_shared>> -> memref<10112x128xf32, #tpu.memory_space<vmem_shared>>
          tpu.enqueue_indirect_dma source(%arg9 : memref<128x128xf32, #tpu.memory_space<vmem>>) target(%dma_start3A_251 : memref<10112x128xf32, #tpu.memory_space<vmem_shared>>) offsets(%dma_start3A_248 : memref<128xi32, #tpu.memory_space<vmem>>) semaphore(%run_scoped3A_245 : memref<!tpu.dma_semaphore, #tpu.memory_space<semaphore_mem>>) {add = true}
          %dma_wait3A_252 = arith.constant 0 : i32
          %dma_wait3A_253 = tpu.memref_slice %arg7[%add3A_243, %dma_wait3A_252] : memref<32x128xi32, #tpu.memory_space<vmem>> -> memref<1x128xi32, #tpu.memory_space<vmem>>
          %dma_wait3A_254 = tpu.memref_squeeze %dma_wait3A_253 : memref<1x128xi32, #tpu.memory_space<vmem>> -> memref<128xi32, #tpu.memory_space<vmem>>
          %dma_wait3A_255 = arith.constant 0 : i32
          %dma_wait3A_256 = arith.constant 0 : i32
          %dma_wait3A_257 = tpu.memref_slice %arg10[%dma_wait3A_255, %dma_wait3A_256] : memref<10112x128xf32, #tpu.memory_space<vmem_shared>> -> memref<10112x128xf32, #tpu.memory_space<vmem_shared>>
          tpu.wait_indirect_dma semaphore(%run_scoped3A_245 : memref<!tpu.dma_semaphore, #tpu.memory_space<semaphore_mem>>) src(%arg9 : memref<128x128xf32, #tpu.memory_space<vmem>>) dst(%dma_wait3A_257 : memref<10112x128xf32, #tpu.memory_space<vmem_shared>>)
          tpu.yield
        }) : () -> ()
        %scan3A_244 = arith.constant 0 : i32
        scf.yield %scan3A_244 : i32
      }
      %scan3A_184 = arith.constant 15 : i32
      %dma_wait3A_185 = arith.constant 30 : i32
      %dma_wait3A_186 = arith.constant 0 : i32
      %dma_wait3A_187 = tpu.memref_slice %arg6[%dma_wait3A_185, %dma_wait3A_186] : memref<32x128xi32, #tpu.memory_space<vmem>> -> memref<1x128xi32, #tpu.memory_space<vmem>>
      %dma_wait3A_188 = tpu.memref_squeeze %dma_wait3A_187 : memref<1x128xi32, #tpu.memory_space<vmem>> -> memref<128xi32, #tpu.memory_space<vmem>>
      %dma_wait3A_189 = arith.constant 0 : i32
      %dma_wait3A_190 = arith.constant 0 : i32
      %dma_wait3A_191 = tpu.memref_slice %arg2[%dma_wait3A_189, %dma_wait3A_190] : memref<10112x128xf32, #tpu.memory_space<hbm>> -> memref<10112x128xf32, #tpu.memory_space<hbm>>
      tpu.wait_indirect_dma semaphore(%arg11 : memref<!tpu.dma_semaphore, #tpu.memory_space<semaphore_mem>>) src(%dma_wait3A_191 : memref<10112x128xf32, #tpu.memory_space<hbm>>) dst(%arg8 : memref<128x128xf32, #tpu.memory_space<vmem>>)
      %dma_start3A_192 = arith.constant 31 : i32
      %dma_start3A_193 = arith.constant 0 : i32
      %dma_start3A_194 = tpu.memref_slice %arg6[%dma_start3A_192, %dma_start3A_193] : memref<32x128xi32, #tpu.memory_space<vmem>> -> memref<1x128xi32, #tpu.memory_space<vmem>>
      %dma_start3A_195 = tpu.memref_squeeze %dma_start3A_194 : memref<1x128xi32, #tpu.memory_space<vmem>> -> memref<128xi32, #tpu.memory_space<vmem>>
      %dma_start3A_196 = arith.constant 0 : i32
      %dma_start3A_197 = arith.constant 0 : i32
      %dma_start3A_198 = tpu.memref_slice %arg2[%dma_start3A_196, %dma_start3A_197] : memref<10112x128xf32, #tpu.memory_space<hbm>> -> memref<10112x128xf32, #tpu.memory_space<hbm>>
      tpu.enqueue_indirect_dma source(%dma_start3A_198 : memref<10112x128xf32, #tpu.memory_space<hbm>>) target(%arg9 : memref<128x128xf32, #tpu.memory_space<vmem>>) offsets(%dma_start3A_195 : memref<128xi32, #tpu.memory_space<vmem>>) semaphore(%arg12 : memref<!tpu.dma_semaphore, #tpu.memory_space<semaphore_mem>>)
      %run_scoped3A_199 = arith.constant 30 : i32
      "tpu.region"() ({
        %run_scoped3A_208 = tpu.sem_alloc : memref<!tpu.dma_semaphore, #tpu.memory_space<semaphore_mem>>
        %dma_start3A_209 = arith.constant 0 : i32
        %dma_start3A_210 = tpu.memref_slice %arg7[%run_scoped3A_199, %dma_start3A_209] : memref<32x128xi32, #tpu.memory_space<vmem>> -> memref<1x128xi32, #tpu.memory_space<vmem>>
        %dma_start3A_211 = tpu.memref_squeeze %dma_start3A_210 : memref<1x128xi32, #tpu.memory_space<vmem>> -> memref<128xi32, #tpu.memory_space<vmem>>
        %dma_start3A_212 = arith.constant 0 : i32
        %dma_start3A_213 = arith.constant 0 : i32
        %dma_start3A_214 = tpu.memref_slice %arg10[%dma_start3A_212, %dma_start3A_213] : memref<10112x128xf32, #tpu.memory_space<vmem_shared>> -> memref<10112x128xf32, #tpu.memory_space<vmem_shared>>
        tpu.enqueue_indirect_dma source(%arg8 : memref<128x128xf32, #tpu.memory_space<vmem>>) target(%dma_start3A_214 : memref<10112x128xf32, #tpu.memory_space<vmem_shared>>) offsets(%dma_start3A_211 : memref<128xi32, #tpu.memory_space<vmem>>) semaphore(%run_scoped3A_208 : memref<!tpu.dma_semaphore, #tpu.memory_space<semaphore_mem>>) {add = true}
        %dma_wait3A_215 = arith.constant 0 : i32
        %dma_wait3A_216 = tpu.memref_slice %arg7[%run_scoped3A_199, %dma_wait3A_215] : memref<32x128xi32, #tpu.memory_space<vmem>> -> memref<1x128xi32, #tpu.memory_space<vmem>>
        %dma_wait3A_217 = tpu.memref_squeeze %dma_wait3A_216 : memref<1x128xi32, #tpu.memory_space<vmem>> -> memref<128xi32, #tpu.memory_space<vmem>>
        %dma_wait3A_218 = arith.constant 0 : i32
        %dma_wait3A_219 = arith.constant 0 : i32
        %dma_wait3A_220 = tpu.memref_slice %arg10[%dma_wait3A_218, %dma_wait3A_219] : memref<10112x128xf32, #tpu.memory_space<vmem_shared>> -> memref<10112x128xf32, #tpu.memory_space<vmem_shared>>
        tpu.wait_indirect_dma semaphore(%run_scoped3A_208 : memref<!tpu.dma_semaphore, #tpu.memory_space<semaphore_mem>>) src(%arg8 : memref<128x128xf32, #tpu.memory_space<vmem>>) dst(%dma_wait3A_220 : memref<10112x128xf32, #tpu.memory_space<vmem_shared>>)
        tpu.yield
      }) : () -> ()
      %dma_wait3A_200 = arith.constant 31 : i32
      %dma_wait3A_201 = arith.constant 0 : i32
      %dma_wait3A_202 = tpu.memref_slice %arg6[%dma_wait3A_200, %dma_wait3A_201] : memref<32x128xi32, #tpu.memory_space<vmem>> -> memref<1x128xi32, #tpu.memory_space<vmem>>
      %dma_wait3A_203 = tpu.memref_squeeze %dma_wait3A_202 : memref<1x128xi32, #tpu.memory_space<vmem>> -> memref<128xi32, #tpu.memory_space<vmem>>
      %dma_wait3A_204 = arith.constant 0 : i32
      %dma_wait3A_205 = arith.constant 0 : i32
      %dma_wait3A_206 = tpu.memref_slice %arg2[%dma_wait3A_204, %dma_wait3A_205] : memref<10112x128xf32, #tpu.memory_space<hbm>> -> memref<10112x128xf32, #tpu.memory_space<hbm>>
      tpu.wait_indirect_dma semaphore(%arg12 : memref<!tpu.dma_semaphore, #tpu.memory_space<semaphore_mem>>) src(%dma_wait3A_206 : memref<10112x128xf32, #tpu.memory_space<hbm>>) dst(%arg9 : memref<128x128xf32, #tpu.memory_space<vmem>>)
      %run_scoped3A_207 = arith.constant 31 : i32
      "tpu.region"() ({
        %run_scoped3A_208 = tpu.sem_alloc : memref<!tpu.dma_semaphore, #tpu.memory_space<semaphore_mem>>
        %dma_start3A_209 = arith.constant 0 : i32
        %dma_start3A_210 = tpu.memref_slice %arg7[%run_scoped3A_207, %dma_start3A_209] : memref<32x128xi32, #tpu.memory_space<vmem>> -> memref<1x128xi32, #tpu.memory_space<vmem>>
        %dma_start3A_211 = tpu.memref_squeeze %dma_start3A_210 : memref<1x128xi32, #tpu.memory_space<vmem>> -> memref<128xi32, #tpu.memory_space<vmem>>
        %dma_start3A_212 = arith.constant 0 : i32
        %dma_start3A_213 = arith.constant 0 : i32
        %dma_start3A_214 = tpu.memref_slice %arg10[%dma_start3A_212, %dma_start3A_213] : memref<10112x128xf32, #tpu.memory_space<vmem_shared>> -> memref<10112x128xf32, #tpu.memory_space<vmem_shared>>
        tpu.enqueue_indirect_dma source(%arg9 : memref<128x128xf32, #tpu.memory_space<vmem>>) target(%dma_start3A_214 : memref<10112x128xf32, #tpu.memory_space<vmem_shared>>) offsets(%dma_start3A_211 : memref<128xi32, #tpu.memory_space<vmem>>) semaphore(%run_scoped3A_208 : memref<!tpu.dma_semaphore, #tpu.memory_space<semaphore_mem>>) {add = true}
        %dma_wait3A_215 = arith.constant 0 : i32
        %dma_wait3A_216 = tpu.memref_slice %arg7[%run_scoped3A_207, %dma_wait3A_215] : memref<32x128xi32, #tpu.memory_space<vmem>> -> memref<1x128xi32, #tpu.memory_space<vmem>>
        %dma_wait3A_217 = tpu.memref_squeeze %dma_wait3A_216 : memref<1x128xi32, #tpu.memory_space<vmem>> -> memref<128xi32, #tpu.memory_space<vmem>>
        %dma_wait3A_218 = arith.constant 0 : i32
        %dma_wait3A_219 = arith.constant 0 : i32
        %dma_wait3A_220 = tpu.memref_slice %arg10[%dma_wait3A_218, %dma_wait3A_219] : memref<10112x128xf32, #tpu.memory_space<vmem_shared>> -> memref<10112x128xf32, #tpu.memory_space<vmem_shared>>
        tpu.wait_indirect_dma semaphore(%run_scoped3A_208 : memref<!tpu.dma_semaphore, #tpu.memory_space<semaphore_mem>>) src(%arg9 : memref<128x128xf32, #tpu.memory_space<vmem>>) dst(%dma_wait3A_220 : memref<10112x128xf32, #tpu.memory_space<vmem_shared>>)
        tpu.yield
      }) : () -> ()
    } else {
    }
    %ne3A_14 = arith.constant 0 : i32
    %ne3A_15 = arith.cmpi ne, %arg0, %ne3A_14 : i32
    %convert_element_type3A_16 = arith.extui %ne3A_15 : i1 to i32
    %cond3A_17 = arith.constant 0 : i32
    %cond3A_18 = arith.cmpi ne, %convert_element_type3A_16, %cond3A_17 : i32
    scf.if %cond3A_18 {
      %mul3A_40 = arith.constant 32 : i32
      %mul3A_41 = arith.muli %arg1, %mul3A_40 : i32
      %add3A_42 = arith.constant 2048 : i32
      %add3A_43 = arith.addi %add3A_42, %mul3A_41 : i32
      "tpu.region"() ({
        %run_scoped3A_77 = tpu.sem_alloc : memref<!tpu.dma_semaphore, #tpu.memory_space<semaphore_mem>>
        %dma_start3A_78 = arith.constant 0 : i32
        %dma_start3A_79 = tpu.memref_slice %arg3[%add3A_43, %dma_start3A_78] : memref<2560x128xi32, #tpu.memory_space<hbm>> -> memref<32x128xi32, #tpu.memory_space<hbm>>
        %dma_start3A_80 = arith.constant 0 : i32
        %dma_start3A_81 = tpu.memref_slice %arg3[%add3A_43, %dma_start3A_80] : memref<2560x128xi32, #tpu.memory_space<hbm>> -> memref<32x128xi32, #tpu.memory_space<hbm>>
        tpu.enqueue_dma source(%dma_start3A_81 : memref<32x128xi32, #tpu.memory_space<hbm>>) target(%arg6 : memref<32x128xi32, #tpu.memory_space<vmem>>) target_semaphore(%run_scoped3A_77 : memref<!tpu.dma_semaphore, #tpu.memory_space<semaphore_mem>>)
        %dma_wait3A_82 = arith.constant 0 : i32
        %dma_wait3A_83 = tpu.memref_slice %arg3[%add3A_43, %dma_wait3A_82] : memref<2560x128xi32, #tpu.memory_space<hbm>> -> memref<32x128xi32, #tpu.memory_space<hbm>>
        %dma_wait3A_84 = arith.constant 0 : i32
        %dma_wait3A_85 = tpu.memref_slice %arg3[%add3A_43, %dma_wait3A_84] : memref<2560x128xi32, #tpu.memory_space<hbm>> -> memref<32x128xi32, #tpu.memory_space<hbm>>
        tpu.wait_dma2 semaphore(%run_scoped3A_77 : memref<!tpu.dma_semaphore, #tpu.memory_space<semaphore_mem>>) src(%dma_wait3A_85 : memref<32x128xi32, #tpu.memory_space<hbm>>) dst(%arg6 : memref<32x128xi32, #tpu.memory_space<vmem>>)
        tpu.yield
      }) : () -> ()
      "tpu.region"() ({
        %run_scoped3A_77 = tpu.sem_alloc : memref<!tpu.dma_semaphore, #tpu.memory_space<semaphore_mem>>
        %dma_start3A_78 = arith.constant 0 : i32
        %dma_start3A_79 = tpu.memref_slice %arg4[%add3A_43, %dma_start3A_78] : memref<2560x128xi32, #tpu.memory_space<hbm>> -> memref<32x128xi32, #tpu.memory_space<hbm>>
        %dma_start3A_80 = arith.constant 0 : i32
        %dma_start3A_81 = tpu.memref_slice %arg4[%add3A_43, %dma_start3A_80] : memref<2560x128xi32, #tpu.memory_space<hbm>> -> memref<32x128xi32, #tpu.memory_space<hbm>>
        tpu.enqueue_dma source(%dma_start3A_81 : memref<32x128xi32, #tpu.memory_space<hbm>>) target(%arg7 : memref<32x128xi32, #tpu.memory_space<vmem>>) target_semaphore(%run_scoped3A_77 : memref<!tpu.dma_semaphore, #tpu.memory_space<semaphore_mem>>)
        %dma_wait3A_82 = arith.constant 0 : i32
        %dma_wait3A_83 = tpu.memref_slice %arg4[%add3A_43, %dma_wait3A_82] : memref<2560x128xi32, #tpu.memory_space<hbm>> -> memref<32x128xi32, #tpu.memory_space<hbm>>
        %dma_wait3A_84 = arith.constant 0 : i32
        %dma_wait3A_85 = tpu.memref_slice %arg4[%add3A_43, %dma_wait3A_84] : memref<2560x128xi32, #tpu.memory_space<hbm>> -> memref<32x128xi32, #tpu.memory_space<hbm>>
        tpu.wait_dma2 semaphore(%run_scoped3A_77 : memref<!tpu.dma_semaphore, #tpu.memory_space<semaphore_mem>>) src(%dma_wait3A_85 : memref<32x128xi32, #tpu.memory_space<hbm>>) dst(%arg7 : memref<32x128xi32, #tpu.memory_space<vmem>>)
        tpu.yield
      }) : () -> ()
      %dma_start3A = arith.constant 0 : i32
      %dma_start3A_44 = arith.constant 0 : i32
      %dma_start3A_45 = tpu.memref_slice %arg6[%dma_start3A, %dma_start3A_44] : memref<32x128xi32, #tpu.memory_space<vmem>> -> memref<1x128xi32, #tpu.memory_space<vmem>>
      %dma_start3A_46 = tpu.memref_squeeze %dma_start3A_45 : memref<1x128xi32, #tpu.memory_space<vmem>> -> memref<128xi32, #tpu.memory_space<vmem>>
      %dma_start3A_47 = arith.constant 0 : i32
      %dma_start3A_48 = arith.constant 0 : i32
      %dma_start3A_49 = tpu.memref_slice %arg2[%dma_start3A_47, %dma_start3A_48] : memref<10112x128xf32, #tpu.memory_space<hbm>> -> memref<10112x128xf32, #tpu.memory_space<hbm>>
      tpu.enqueue_indirect_dma source(%dma_start3A_49 : memref<10112x128xf32, #tpu.memory_space<hbm>>) target(%arg8 : memref<128x128xf32, #tpu.memory_space<vmem>>) offsets(%dma_start3A_46 : memref<128xi32, #tpu.memory_space<vmem>>) semaphore(%arg11 : memref<!tpu.dma_semaphore, #tpu.memory_space<semaphore_mem>>)
      %scan3A = arith.constant 0 : i32
      %scan3A_50 = arith.constant 0 : i32
      %scan3A_51 = arith.constant 15 : i32
      %scan3A_52 = arith.addi %scan3A_50, %scan3A_51 : i32
      %scan3A_53 = arith.constant 1 : i32
      %scan3A_54 = scf.for %scan3A_77 = %scan3A_50 to %scan3A_52 step %scan3A_53 iter_args(%scan3A_78 = %scan3A) -> (i32)  : i32 {
        %mul3A_79 = arith.constant 2 : i32
        %mul3A_80 = arith.muli %mul3A_79, %scan3A_77 : i32
        %dma_wait3A_81 = arith.constant 0 : i32
        %dma_wait3A_82 = tpu.memref_slice %arg6[%mul3A_80, %dma_wait3A_81] : memref<32x128xi32, #tpu.memory_space<vmem>> -> memref<1x128xi32, #tpu.memory_space<vmem>>
        %dma_wait3A_83 = tpu.memref_squeeze %dma_wait3A_82 : memref<1x128xi32, #tpu.memory_space<vmem>> -> memref<128xi32, #tpu.memory_space<vmem>>
        %dma_wait3A_84 = arith.constant 0 : i32
        %dma_wait3A_85 = arith.constant 0 : i32
        %dma_wait3A_86 = tpu.memref_slice %arg2[%dma_wait3A_84, %dma_wait3A_85] : memref<10112x128xf32, #tpu.memory_space<hbm>> -> memref<10112x128xf32, #tpu.memory_space<hbm>>
        tpu.wait_indirect_dma semaphore(%arg11 : memref<!tpu.dma_semaphore, #tpu.memory_space<semaphore_mem>>) src(%dma_wait3A_86 : memref<10112x128xf32, #tpu.memory_space<hbm>>) dst(%arg8 : memref<128x128xf32, #tpu.memory_space<vmem>>)
        %add3A_87 = arith.constant 1 : i32
        %add3A_88 = arith.addi %mul3A_80, %add3A_87 : i32
        %dma_start3A_89 = arith.constant 0 : i32
        %dma_start3A_90 = tpu.memref_slice %arg6[%add3A_88, %dma_start3A_89] : memref<32x128xi32, #tpu.memory_space<vmem>> -> memref<1x128xi32, #tpu.memory_space<vmem>>
        %dma_start3A_91 = tpu.memref_squeeze %dma_start3A_90 : memref<1x128xi32, #tpu.memory_space<vmem>> -> memref<128xi32, #tpu.memory_space<vmem>>
        %dma_start3A_92 = arith.constant 0 : i32
        %dma_start3A_93 = arith.constant 0 : i32
        %dma_start3A_94 = tpu.memref_slice %arg2[%dma_start3A_92, %dma_start3A_93] : memref<10112x128xf32, #tpu.memory_space<hbm>> -> memref<10112x128xf32, #tpu.memory_space<hbm>>
        tpu.enqueue_indirect_dma source(%dma_start3A_94 : memref<10112x128xf32, #tpu.memory_space<hbm>>) target(%arg9 : memref<128x128xf32, #tpu.memory_space<vmem>>) offsets(%dma_start3A_91 : memref<128xi32, #tpu.memory_space<vmem>>) semaphore(%arg12 : memref<!tpu.dma_semaphore, #tpu.memory_space<semaphore_mem>>)
        "tpu.region"() ({
          %run_scoped3A_114 = tpu.sem_alloc : memref<!tpu.dma_semaphore, #tpu.memory_space<semaphore_mem>>
          %dma_start3A_115 = arith.constant 0 : i32
          %dma_start3A_116 = tpu.memref_slice %arg7[%mul3A_80, %dma_start3A_115] : memref<32x128xi32, #tpu.memory_space<vmem>> -> memref<1x128xi32, #tpu.memory_space<vmem>>
          %dma_start3A_117 = tpu.memref_squeeze %dma_start3A_116 : memref<1x128xi32, #tpu.memory_space<vmem>> -> memref<128xi32, #tpu.memory_space<vmem>>
          %dma_start3A_118 = arith.constant 0 : i32
          %dma_start3A_119 = arith.constant 0 : i32
          %dma_start3A_120 = tpu.memref_slice %arg10[%dma_start3A_118, %dma_start3A_119] : memref<10112x128xf32, #tpu.memory_space<vmem_shared>> -> memref<10112x128xf32, #tpu.memory_space<vmem_shared>>
          tpu.enqueue_indirect_dma source(%arg8 : memref<128x128xf32, #tpu.memory_space<vmem>>) target(%dma_start3A_120 : memref<10112x128xf32, #tpu.memory_space<vmem_shared>>) offsets(%dma_start3A_117 : memref<128xi32, #tpu.memory_space<vmem>>) semaphore(%run_scoped3A_114 : memref<!tpu.dma_semaphore, #tpu.memory_space<semaphore_mem>>) {add = true}
          %dma_wait3A_121 = arith.constant 0 : i32
          %dma_wait3A_122 = tpu.memref_slice %arg7[%mul3A_80, %dma_wait3A_121] : memref<32x128xi32, #tpu.memory_space<vmem>> -> memref<1x128xi32, #tpu.memory_space<vmem>>
          %dma_wait3A_123 = tpu.memref_squeeze %dma_wait3A_122 : memref<1x128xi32, #tpu.memory_space<vmem>> -> memref<128xi32, #tpu.memory_space<vmem>>
          %dma_wait3A_124 = arith.constant 0 : i32
          %dma_wait3A_125 = arith.constant 0 : i32
          %dma_wait3A_126 = tpu.memref_slice %arg10[%dma_wait3A_124, %dma_wait3A_125] : memref<10112x128xf32, #tpu.memory_space<vmem_shared>> -> memref<10112x128xf32, #tpu.memory_space<vmem_shared>>
          tpu.wait_indirect_dma semaphore(%run_scoped3A_114 : memref<!tpu.dma_semaphore, #tpu.memory_space<semaphore_mem>>) src(%arg8 : memref<128x128xf32, #tpu.memory_space<vmem>>) dst(%dma_wait3A_126 : memref<10112x128xf32, #tpu.memory_space<vmem_shared>>)
          tpu.yield
        }) : () -> ()
        %add3A_95 = arith.constant 1 : i32
        %add3A_96 = arith.addi %mul3A_80, %add3A_95 : i32
        %dma_wait3A_97 = arith.constant 0 : i32
        %dma_wait3A_98 = tpu.memref_slice %arg6[%add3A_96, %dma_wait3A_97] : memref<32x128xi32, #tpu.memory_space<vmem>> -> memref<1x128xi32, #tpu.memory_space<vmem>>
        %dma_wait3A_99 = tpu.memref_squeeze %dma_wait3A_98 : memref<1x128xi32, #tpu.memory_space<vmem>> -> memref<128xi32, #tpu.memory_space<vmem>>
        %dma_wait3A_100 = arith.constant 0 : i32
        %dma_wait3A_101 = arith.constant 0 : i32
        %dma_wait3A_102 = tpu.memref_slice %arg2[%dma_wait3A_100, %dma_wait3A_101] : memref<10112x128xf32, #tpu.memory_space<hbm>> -> memref<10112x128xf32, #tpu.memory_space<hbm>>
        tpu.wait_indirect_dma semaphore(%arg12 : memref<!tpu.dma_semaphore, #tpu.memory_space<semaphore_mem>>) src(%dma_wait3A_102 : memref<10112x128xf32, #tpu.memory_space<hbm>>) dst(%arg9 : memref<128x128xf32, #tpu.memory_space<vmem>>)
        %add3A_103 = arith.constant 2 : i32
        %add3A_104 = arith.addi %mul3A_80, %add3A_103 : i32
        %dma_start3A_105 = arith.constant 0 : i32
        %dma_start3A_106 = tpu.memref_slice %arg6[%add3A_104, %dma_start3A_105] : memref<32x128xi32, #tpu.memory_space<vmem>> -> memref<1x128xi32, #tpu.memory_space<vmem>>
        %dma_start3A_107 = tpu.memref_squeeze %dma_start3A_106 : memref<1x128xi32, #tpu.memory_space<vmem>> -> memref<128xi32, #tpu.memory_space<vmem>>
        %dma_start3A_108 = arith.constant 0 : i32
        %dma_start3A_109 = arith.constant 0 : i32
        %dma_start3A_110 = tpu.memref_slice %arg2[%dma_start3A_108, %dma_start3A_109] : memref<10112x128xf32, #tpu.memory_space<hbm>> -> memref<10112x128xf32, #tpu.memory_space<hbm>>
        tpu.enqueue_indirect_dma source(%dma_start3A_110 : memref<10112x128xf32, #tpu.memory_space<hbm>>) target(%arg8 : memref<128x128xf32, #tpu.memory_space<vmem>>) offsets(%dma_start3A_107 : memref<128xi32, #tpu.memory_space<vmem>>) semaphore(%arg11 : memref<!tpu.dma_semaphore, #tpu.memory_space<semaphore_mem>>)
        %add3A_111 = arith.constant 1 : i32
        %add3A_112 = arith.addi %mul3A_80, %add3A_111 : i32
        "tpu.region"() ({
          %run_scoped3A_114 = tpu.sem_alloc : memref<!tpu.dma_semaphore, #tpu.memory_space<semaphore_mem>>
          %dma_start3A_115 = arith.constant 0 : i32
          %dma_start3A_116 = tpu.memref_slice %arg7[%add3A_112, %dma_start3A_115] : memref<32x128xi32, #tpu.memory_space<vmem>> -> memref<1x128xi32, #tpu.memory_space<vmem>>
          %dma_start3A_117 = tpu.memref_squeeze %dma_start3A_116 : memref<1x128xi32, #tpu.memory_space<vmem>> -> memref<128xi32, #tpu.memory_space<vmem>>
          %dma_start3A_118 = arith.constant 0 : i32
          %dma_start3A_119 = arith.constant 0 : i32
          %dma_start3A_120 = tpu.memref_slice %arg10[%dma_start3A_118, %dma_start3A_119] : memref<10112x128xf32, #tpu.memory_space<vmem_shared>> -> memref<10112x128xf32, #tpu.memory_space<vmem_shared>>
          tpu.enqueue_indirect_dma source(%arg9 : memref<128x128xf32, #tpu.memory_space<vmem>>) target(%dma_start3A_120 : memref<10112x128xf32, #tpu.memory_space<vmem_shared>>) offsets(%dma_start3A_117 : memref<128xi32, #tpu.memory_space<vmem>>) semaphore(%run_scoped3A_114 : memref<!tpu.dma_semaphore, #tpu.memory_space<semaphore_mem>>) {add = true}
          %dma_wait3A_121 = arith.constant 0 : i32
          %dma_wait3A_122 = tpu.memref_slice %arg7[%add3A_112, %dma_wait3A_121] : memref<32x128xi32, #tpu.memory_space<vmem>> -> memref<1x128xi32, #tpu.memory_space<vmem>>
          %dma_wait3A_123 = tpu.memref_squeeze %dma_wait3A_122 : memref<1x128xi32, #tpu.memory_space<vmem>> -> memref<128xi32, #tpu.memory_space<vmem>>
          %dma_wait3A_124 = arith.constant 0 : i32
          %dma_wait3A_125 = arith.constant 0 : i32
          %dma_wait3A_126 = tpu.memref_slice %arg10[%dma_wait3A_124, %dma_wait3A_125] : memref<10112x128xf32, #tpu.memory_space<vmem_shared>> -> memref<10112x128xf32, #tpu.memory_space<vmem_shared>>
          tpu.wait_indirect_dma semaphore(%run_scoped3A_114 : memref<!tpu.dma_semaphore, #tpu.memory_space<semaphore_mem>>) src(%arg9 : memref<128x128xf32, #tpu.memory_space<vmem>>) dst(%dma_wait3A_126 : memref<10112x128xf32, #tpu.memory_space<vmem_shared>>)
          tpu.yield
        }) : () -> ()
        %scan3A_113 = arith.constant 0 : i32
        scf.yield %scan3A_113 : i32
      }
      %scan3A_55 = arith.constant 15 : i32
      %dma_wait3A = arith.constant 30 : i32
      %dma_wait3A_56 = arith.constant 0 : i32
      %dma_wait3A_57 = tpu.memref_slice %arg6[%dma_wait3A, %dma_wait3A_56] : memref<32x128xi32, #tpu.memory_space<vmem>> -> memref<1x128xi32, #tpu.memory_space<vmem>>
      %dma_wait3A_58 = tpu.memref_squeeze %dma_wait3A_57 : memref<1x128xi32, #tpu.memory_space<vmem>> -> memref<128xi32, #tpu.memory_space<vmem>>
      %dma_wait3A_59 = arith.constant 0 : i32
      %dma_wait3A_60 = arith.constant 0 : i32
      %dma_wait3A_61 = tpu.memref_slice %arg2[%dma_wait3A_59, %dma_wait3A_60] : memref<10112x128xf32, #tpu.memory_space<hbm>> -> memref<10112x128xf32, #tpu.memory_space<hbm>>
      tpu.wait_indirect_dma semaphore(%arg11 : memref<!tpu.dma_semaphore, #tpu.memory_space<semaphore_mem>>) src(%dma_wait3A_61 : memref<10112x128xf32, #tpu.memory_space<hbm>>) dst(%arg8 : memref<128x128xf32, #tpu.memory_space<vmem>>)
      %dma_start3A_62 = arith.constant 31 : i32
      %dma_start3A_63 = arith.constant 0 : i32
      %dma_start3A_64 = tpu.memref_slice %arg6[%dma_start3A_62, %dma_start3A_63] : memref<32x128xi32, #tpu.memory_space<vmem>> -> memref<1x128xi32, #tpu.memory_space<vmem>>
      %dma_start3A_65 = tpu.memref_squeeze %dma_start3A_64 : memref<1x128xi32, #tpu.memory_space<vmem>> -> memref<128xi32, #tpu.memory_space<vmem>>
      %dma_start3A_66 = arith.constant 0 : i32
      %dma_start3A_67 = arith.constant 0 : i32
      %dma_start3A_68 = tpu.memref_slice %arg2[%dma_start3A_66, %dma_start3A_67] : memref<10112x128xf32, #tpu.memory_space<hbm>> -> memref<10112x128xf32, #tpu.memory_space<hbm>>
      tpu.enqueue_indirect_dma source(%dma_start3A_68 : memref<10112x128xf32, #tpu.memory_space<hbm>>) target(%arg9 : memref<128x128xf32, #tpu.memory_space<vmem>>) offsets(%dma_start3A_65 : memref<128xi32, #tpu.memory_space<vmem>>) semaphore(%arg12 : memref<!tpu.dma_semaphore, #tpu.memory_space<semaphore_mem>>)
      %run_scoped3A = arith.constant 30 : i32
      "tpu.region"() ({
        %run_scoped3A_77 = tpu.sem_alloc : memref<!tpu.dma_semaphore, #tpu.memory_space<semaphore_mem>>
        %dma_start3A_78 = arith.constant 0 : i32
        %dma_start3A_79 = tpu.memref_slice %arg7[%run_scoped3A, %dma_start3A_78] : memref<32x128xi32, #tpu.memory_space<vmem>> -> memref<1x128xi32, #tpu.memory_space<vmem>>
        %dma_start3A_80 = tpu.memref_squeeze %dma_start3A_79 : memref<1x128xi32, #tpu.memory_space<vmem>> -> memref<128xi32, #tpu.memory_space<vmem>>
        %dma_start3A_81 = arith.constant 0 : i32
        %dma_start3A_82 = arith.constant 0 : i32
        %dma_start3A_83 = tpu.memref_slice %arg10[%dma_start3A_81, %dma_start3A_82] : memref<10112x128xf32, #tpu.memory_space<vmem_shared>> -> memref<10112x128xf32, #tpu.memory_space<vmem_shared>>
        tpu.enqueue_indirect_dma source(%arg8 : memref<128x128xf32, #tpu.memory_space<vmem>>) target(%dma_start3A_83 : memref<10112x128xf32, #tpu.memory_space<vmem_shared>>) offsets(%dma_start3A_80 : memref<128xi32, #tpu.memory_space<vmem>>) semaphore(%run_scoped3A_77 : memref<!tpu.dma_semaphore, #tpu.memory_space<semaphore_mem>>) {add = true}
        %dma_wait3A_84 = arith.constant 0 : i32
        %dma_wait3A_85 = tpu.memref_slice %arg7[%run_scoped3A, %dma_wait3A_84] : memref<32x128xi32, #tpu.memory_space<vmem>> -> memref<1x128xi32, #tpu.memory_space<vmem>>
        %dma_wait3A_86 = tpu.memref_squeeze %dma_wait3A_85 : memref<1x128xi32, #tpu.memory_space<vmem>> -> memref<128xi32, #tpu.memory_space<vmem>>
        %dma_wait3A_87 = arith.constant 0 : i32
        %dma_wait3A_88 = arith.constant 0 : i32
        %dma_wait3A_89 = tpu.memref_slice %arg10[%dma_wait3A_87, %dma_wait3A_88] : memref<10112x128xf32, #tpu.memory_space<vmem_shared>> -> memref<10112x128xf32, #tpu.memory_space<vmem_shared>>
        tpu.wait_indirect_dma semaphore(%run_scoped3A_77 : memref<!tpu.dma_semaphore, #tpu.memory_space<semaphore_mem>>) src(%arg8 : memref<128x128xf32, #tpu.memory_space<vmem>>) dst(%dma_wait3A_89 : memref<10112x128xf32, #tpu.memory_space<vmem_shared>>)
        tpu.yield
      }) : () -> ()
      %dma_wait3A_69 = arith.constant 31 : i32
      %dma_wait3A_70 = arith.constant 0 : i32
      %dma_wait3A_71 = tpu.memref_slice %arg6[%dma_wait3A_69, %dma_wait3A_70] : memref<32x128xi32, #tpu.memory_space<vmem>> -> memref<1x128xi32, #tpu.memory_space<vmem>>
      %dma_wait3A_72 = tpu.memref_squeeze %dma_wait3A_71 : memref<1x128xi32, #tpu.memory_space<vmem>> -> memref<128xi32, #tpu.memory_space<vmem>>
      %dma_wait3A_73 = arith.constant 0 : i32
      %dma_wait3A_74 = arith.constant 0 : i32
      %dma_wait3A_75 = tpu.memref_slice %arg2[%dma_wait3A_73, %dma_wait3A_74] : memref<10112x128xf32, #tpu.memory_space<hbm>> -> memref<10112x128xf32, #tpu.memory_space<hbm>>
      tpu.wait_indirect_dma semaphore(%arg12 : memref<!tpu.dma_semaphore, #tpu.memory_space<semaphore_mem>>) src(%dma_wait3A_75 : memref<10112x128xf32, #tpu.memory_space<hbm>>) dst(%arg9 : memref<128x128xf32, #tpu.memory_space<vmem>>)
      %run_scoped3A_76 = arith.constant 31 : i32
      "tpu.region"() ({
        %run_scoped3A_77 = tpu.sem_alloc : memref<!tpu.dma_semaphore, #tpu.memory_space<semaphore_mem>>
        %dma_start3A_78 = arith.constant 0 : i32
        %dma_start3A_79 = tpu.memref_slice %arg7[%run_scoped3A_76, %dma_start3A_78] : memref<32x128xi32, #tpu.memory_space<vmem>> -> memref<1x128xi32, #tpu.memory_space<vmem>>
        %dma_start3A_80 = tpu.memref_squeeze %dma_start3A_79 : memref<1x128xi32, #tpu.memory_space<vmem>> -> memref<128xi32, #tpu.memory_space<vmem>>
        %dma_start3A_81 = arith.constant 0 : i32
        %dma_start3A_82 = arith.constant 0 : i32
        %dma_start3A_83 = tpu.memref_slice %arg10[%dma_start3A_81, %dma_start3A_82] : memref<10112x128xf32, #tpu.memory_space<vmem_shared>> -> memref<10112x128xf32, #tpu.memory_space<vmem_shared>>
        tpu.enqueue_indirect_dma source(%arg9 : memref<128x128xf32, #tpu.memory_space<vmem>>) target(%dma_start3A_83 : memref<10112x128xf32, #tpu.memory_space<vmem_shared>>) offsets(%dma_start3A_80 : memref<128xi32, #tpu.memory_space<vmem>>) semaphore(%run_scoped3A_77 : memref<!tpu.dma_semaphore, #tpu.memory_space<semaphore_mem>>) {add = true}
        %dma_wait3A_84 = arith.constant 0 : i32
        %dma_wait3A_85 = tpu.memref_slice %arg7[%run_scoped3A_76, %dma_wait3A_84] : memref<32x128xi32, #tpu.memory_space<vmem>> -> memref<1x128xi32, #tpu.memory_space<vmem>>
        %dma_wait3A_86 = tpu.memref_squeeze %dma_wait3A_85 : memref<1x128xi32, #tpu.memory_space<vmem>> -> memref<128xi32, #tpu.memory_space<vmem>>
        %dma_wait3A_87 = arith.constant 0 : i32
        %dma_wait3A_88 = arith.constant 0 : i32
        %dma_wait3A_89 = tpu.memref_slice %arg10[%dma_wait3A_87, %dma_wait3A_88] : memref<10112x128xf32, #tpu.memory_space<vmem_shared>> -> memref<10112x128xf32, #tpu.memory_space<vmem_shared>>
        tpu.wait_indirect_dma semaphore(%run_scoped3A_77 : memref<!tpu.dma_semaphore, #tpu.memory_space<semaphore_mem>>) src(%arg9 : memref<128x128xf32, #tpu.memory_space<vmem>>) dst(%dma_wait3A_89 : memref<10112x128xf32, #tpu.memory_space<vmem_shared>>)
        tpu.yield
      }) : () -> ()
    } else {
    }
    %barrier3A_19 = arith.constant 0 : index
    tpu.barrier barrier_id(%barrier3A_19)
    %add3A_20 = arith.constant 0 : i32
    %add3A_21 = arith.addi %mul3A_2, %add3A_20 : i32
    "tpu.region"() ({
      %run_scoped3A = tpu.sem_alloc : memref<!tpu.dma_semaphore, #tpu.memory_space<semaphore_mem>>
      %dma_start3A = arith.constant 0 : i32
      %dma_start3A_40 = arith.constant 0 : i32
      %dma_start3A_41 = tpu.memref_slice %arg8[%dma_start3A, %dma_start3A_40] : memref<128x128xf32, #tpu.memory_space<vmem>> -> memref<128x128xf32, #tpu.memory_space<vmem>>
      %dma_start3A_42 = arith.constant 0 : i32
      %dma_start3A_43 = tpu.memref_slice %arg10[%add3A_21, %dma_start3A_42] : memref<10112x128xf32, #tpu.memory_space<vmem_shared>> -> memref<128x128xf32, #tpu.memory_space<vmem_shared>>
      %dma_start3A_44 = arith.constant 0 : i32
      %dma_start3A_45 = arith.constant 0 : i32
      %dma_start3A_46 = tpu.memref_slice %arg8[%dma_start3A_44, %dma_start3A_45] : memref<128x128xf32, #tpu.memory_space<vmem>> -> memref<128x128xf32, #tpu.memory_space<vmem>>
      %dma_start3A_47 = arith.constant 0 : i32
      %dma_start3A_48 = tpu.memref_slice %arg10[%add3A_21, %dma_start3A_47] : memref<10112x128xf32, #tpu.memory_space<vmem_shared>> -> memref<128x128xf32, #tpu.memory_space<vmem_shared>>
      tpu.enqueue_dma source(%dma_start3A_48 : memref<128x128xf32, #tpu.memory_space<vmem_shared>>) target(%dma_start3A_46 : memref<128x128xf32, #tpu.memory_space<vmem>>) target_semaphore(%run_scoped3A : memref<!tpu.dma_semaphore, #tpu.memory_space<semaphore_mem>>)
      %dma_wait3A = arith.constant 0 : i32
      %dma_wait3A_49 = arith.constant 0 : i32
      %dma_wait3A_50 = tpu.memref_slice %arg8[%dma_wait3A, %dma_wait3A_49] : memref<128x128xf32, #tpu.memory_space<vmem>> -> memref<128x128xf32, #tpu.memory_space<vmem>>
      %dma_wait3A_51 = arith.constant 0 : i32
      %dma_wait3A_52 = tpu.memref_slice %arg10[%add3A_21, %dma_wait3A_51] : memref<10112x128xf32, #tpu.memory_space<vmem_shared>> -> memref<128x128xf32, #tpu.memory_space<vmem_shared>>
      %dma_wait3A_53 = arith.constant 0 : i32
      %dma_wait3A_54 = arith.constant 0 : i32
      %dma_wait3A_55 = tpu.memref_slice %arg8[%dma_wait3A_53, %dma_wait3A_54] : memref<128x128xf32, #tpu.memory_space<vmem>> -> memref<128x128xf32, #tpu.memory_space<vmem>>
      %dma_wait3A_56 = arith.constant 0 : i32
      %dma_wait3A_57 = tpu.memref_slice %arg10[%add3A_21, %dma_wait3A_56] : memref<10112x128xf32, #tpu.memory_space<vmem_shared>> -> memref<128x128xf32, #tpu.memory_space<vmem_shared>>
      tpu.wait_dma2 semaphore(%run_scoped3A : memref<!tpu.dma_semaphore, #tpu.memory_space<semaphore_mem>>) src(%dma_wait3A_57 : memref<128x128xf32, #tpu.memory_space<vmem_shared>>) dst(%dma_wait3A_55 : memref<128x128xf32, #tpu.memory_space<vmem>>)
      tpu.yield
    }) : () -> ()
    %add3A_22 = arith.constant 0 : i32
    %add3A_23 = arith.addi %mul3A_2, %add3A_22 : i32
    "tpu.region"() ({
      %run_scoped3A = tpu.sem_alloc : memref<!tpu.dma_semaphore, #tpu.memory_space<semaphore_mem>>
      %dma_start3A = arith.constant 0 : i32
      %dma_start3A_40 = arith.constant 0 : i32
      %dma_start3A_41 = tpu.memref_slice %arg8[%dma_start3A, %dma_start3A_40] : memref<128x128xf32, #tpu.memory_space<vmem>> -> memref<128x128xf32, #tpu.memory_space<vmem>>
      %dma_start3A_42 = arith.constant 0 : i32
      %dma_start3A_43 = tpu.memref_slice %arg5[%arg0, %add3A_23, %dma_start3A_42] : memref<2x10112x128xf32, #tpu.memory_space<hbm>> -> memref<1x128x128xf32, #tpu.memory_space<hbm>>
      %dma_start3A_44 = tpu.memref_squeeze %dma_start3A_43 : memref<1x128x128xf32, #tpu.memory_space<hbm>> -> memref<128x128xf32, #tpu.memory_space<hbm>>
      %dma_start3A_45 = arith.constant 0 : i32
      %dma_start3A_46 = tpu.memref_slice %arg5[%arg0, %add3A_23, %dma_start3A_45] : memref<2x10112x128xf32, #tpu.memory_space<hbm>> -> memref<1x128x128xf32, #tpu.memory_space<hbm>>
      %dma_start3A_47 = tpu.memref_squeeze %dma_start3A_46 : memref<1x128x128xf32, #tpu.memory_space<hbm>> -> memref<128x128xf32, #tpu.memory_space<hbm>>
      %dma_start3A_48 = arith.constant 0 : i32
      %dma_start3A_49 = arith.constant 0 : i32
      %dma_start3A_50 = tpu.memref_slice %arg8[%dma_start3A_48, %dma_start3A_49] : memref<128x128xf32, #tpu.memory_space<vmem>> -> memref<128x128xf32, #tpu.memory_space<vmem>>
      tpu.enqueue_dma source(%dma_start3A_50 : memref<128x128xf32, #tpu.memory_space<vmem>>) target(%dma_start3A_47 : memref<128x128xf32, #tpu.memory_space<hbm>>) target_semaphore(%run_scoped3A : memref<!tpu.dma_semaphore, #tpu.memory_space<semaphore_mem>>)
      %dma_wait3A = arith.constant 0 : i32
      %dma_wait3A_51 = arith.constant 0 : i32
      %dma_wait3A_52 = tpu.memref_slice %arg8[%dma_wait3A, %dma_wait3A_51] : memref<128x128xf32, #tpu.memory_space<vmem>> -> memref<128x128xf32, #tpu.memory_space<vmem>>
      %dma_wait3A_53 = arith.constant 0 : i32
      %dma_wait3A_54 = tpu.memref_slice %arg5[%arg0, %add3A_23, %dma_wait3A_53] : memref<2x10112x128xf32, #tpu.memory_space<hbm>> -> memref<1x128x128xf32, #tpu.memory_space<hbm>>
      %dma_wait3A_55 = tpu.memref_squeeze %dma_wait3A_54 : memref<1x128x128xf32, #tpu.memory_space<hbm>> -> memref<128x128xf32, #tpu.memory_space<hbm>>
      %dma_wait3A_56 = arith.constant 0 : i32
      %dma_wait3A_57 = tpu.memref_slice %arg5[%arg0, %add3A_23, %dma_wait3A_56] : memref<2x10112x128xf32, #tpu.memory_space<hbm>> -> memref<1x128x128xf32, #tpu.memory_space<hbm>>
      %dma_wait3A_58 = tpu.memref_squeeze %dma_wait3A_57 : memref<1x128x128xf32, #tpu.memory_space<hbm>> -> memref<128x128xf32, #tpu.memory_space<hbm>>
      %dma_wait3A_59 = arith.constant 0 : i32
      %dma_wait3A_60 = arith.constant 0 : i32
      %dma_wait3A_61 = tpu.memref_slice %arg8[%dma_wait3A_59, %dma_wait3A_60] : memref<128x128xf32, #tpu.memory_space<vmem>> -> memref<128x128xf32, #tpu.memory_space<vmem>>
      tpu.wait_dma2 semaphore(%run_scoped3A : memref<!tpu.dma_semaphore, #tpu.memory_space<semaphore_mem>>) src(%dma_wait3A_61 : memref<128x128xf32, #tpu.memory_space<vmem>>) dst(%dma_wait3A_58 : memref<128x128xf32, #tpu.memory_space<hbm>>)
      tpu.yield
    }) : () -> ()
    %add3A_24 = arith.constant 128 : i32
    %add3A_25 = arith.addi %mul3A_2, %add3A_24 : i32
    "tpu.region"() ({
      %run_scoped3A = tpu.sem_alloc : memref<!tpu.dma_semaphore, #tpu.memory_space<semaphore_mem>>
      %dma_start3A = arith.constant 0 : i32
      %dma_start3A_40 = arith.constant 0 : i32
      %dma_start3A_41 = tpu.memref_slice %arg8[%dma_start3A, %dma_start3A_40] : memref<128x128xf32, #tpu.memory_space<vmem>> -> memref<128x128xf32, #tpu.memory_space<vmem>>
      %dma_start3A_42 = arith.constant 0 : i32
      %dma_start3A_43 = tpu.memref_slice %arg10[%add3A_25, %dma_start3A_42] : memref<10112x128xf32, #tpu.memory_space<vmem_shared>> -> memref<128x128xf32, #tpu.memory_space<vmem_shared>>
      %dma_start3A_44 = arith.constant 0 : i32
      %dma_start3A_45 = arith.constant 0 : i32
      %dma_start3A_46 = tpu.memref_slice %arg8[%dma_start3A_44, %dma_start3A_45] : memref<128x128xf32, #tpu.memory_space<vmem>> -> memref<128x128xf32, #tpu.memory_space<vmem>>
      %dma_start3A_47 = arith.constant 0 : i32
      %dma_start3A_48 = tpu.memref_slice %arg10[%add3A_25, %dma_start3A_47] : memref<10112x128xf32, #tpu.memory_space<vmem_shared>> -> memref<128x128xf32, #tpu.memory_space<vmem_shared>>
      tpu.enqueue_dma source(%dma_start3A_48 : memref<128x128xf32, #tpu.memory_space<vmem_shared>>) target(%dma_start3A_46 : memref<128x128xf32, #tpu.memory_space<vmem>>) target_semaphore(%run_scoped3A : memref<!tpu.dma_semaphore, #tpu.memory_space<semaphore_mem>>)
      %dma_wait3A = arith.constant 0 : i32
      %dma_wait3A_49 = arith.constant 0 : i32
      %dma_wait3A_50 = tpu.memref_slice %arg8[%dma_wait3A, %dma_wait3A_49] : memref<128x128xf32, #tpu.memory_space<vmem>> -> memref<128x128xf32, #tpu.memory_space<vmem>>
      %dma_wait3A_51 = arith.constant 0 : i32
      %dma_wait3A_52 = tpu.memref_slice %arg10[%add3A_25, %dma_wait3A_51] : memref<10112x128xf32, #tpu.memory_space<vmem_shared>> -> memref<128x128xf32, #tpu.memory_space<vmem_shared>>
      %dma_wait3A_53 = arith.constant 0 : i32
      %dma_wait3A_54 = arith.constant 0 : i32
      %dma_wait3A_55 = tpu.memref_slice %arg8[%dma_wait3A_53, %dma_wait3A_54] : memref<128x128xf32, #tpu.memory_space<vmem>> -> memref<128x128xf32, #tpu.memory_space<vmem>>
      %dma_wait3A_56 = arith.constant 0 : i32
      %dma_wait3A_57 = tpu.memref_slice %arg10[%add3A_25, %dma_wait3A_56] : memref<10112x128xf32, #tpu.memory_space<vmem_shared>> -> memref<128x128xf32, #tpu.memory_space<vmem_shared>>
      tpu.wait_dma2 semaphore(%run_scoped3A : memref<!tpu.dma_semaphore, #tpu.memory_space<semaphore_mem>>) src(%dma_wait3A_57 : memref<128x128xf32, #tpu.memory_space<vmem_shared>>) dst(%dma_wait3A_55 : memref<128x128xf32, #tpu.memory_space<vmem>>)
      tpu.yield
    }) : () -> ()
    %add3A_26 = arith.constant 128 : i32
    %add3A_27 = arith.addi %mul3A_2, %add3A_26 : i32
    "tpu.region"() ({
      %run_scoped3A = tpu.sem_alloc : memref<!tpu.dma_semaphore, #tpu.memory_space<semaphore_mem>>
      %dma_start3A = arith.constant 0 : i32
      %dma_start3A_40 = arith.constant 0 : i32
      %dma_start3A_41 = tpu.memref_slice %arg8[%dma_start3A, %dma_start3A_40] : memref<128x128xf32, #tpu.memory_space<vmem>> -> memref<128x128xf32, #tpu.memory_space<vmem>>
      %dma_start3A_42 = arith.constant 0 : i32
      %dma_start3A_43 = tpu.memref_slice %arg5[%arg0, %add3A_27, %dma_start3A_42] : memref<2x10112x128xf32, #tpu.memory_space<hbm>> -> memref<1x128x128xf32, #tpu.memory_space<hbm>>
      %dma_start3A_44 = tpu.memref_squeeze %dma_start3A_43 : memref<1x128x128xf32, #tpu.memory_space<hbm>> -> memref<128x128xf32, #tpu.memory_space<hbm>>
      %dma_start3A_45 = arith.constant 0 : i32
      %dma_start3A_46 = tpu.memref_slice %arg5[%arg0, %add3A_27, %dma_start3A_45] : memref<2x10112x128xf32, #tpu.memory_space<hbm>> -> memref<1x128x128xf32, #tpu.memory_space<hbm>>
      %dma_start3A_47 = tpu.memref_squeeze %dma_start3A_46 : memref<1x128x128xf32, #tpu.memory_space<hbm>> -> memref<128x128xf32, #tpu.memory_space<hbm>>
      %dma_start3A_48 = arith.constant 0 : i32
      %dma_start3A_49 = arith.constant 0 : i32
      %dma_start3A_50 = tpu.memref_slice %arg8[%dma_start3A_48, %dma_start3A_49] : memref<128x128xf32, #tpu.memory_space<vmem>> -> memref<128x128xf32, #tpu.memory_space<vmem>>
      tpu.enqueue_dma source(%dma_start3A_50 : memref<128x128xf32, #tpu.memory_space<vmem>>) target(%dma_start3A_47 : memref<128x128xf32, #tpu.memory_space<hbm>>) target_semaphore(%run_scoped3A : memref<!tpu.dma_semaphore, #tpu.memory_space<semaphore_mem>>)
      %dma_wait3A = arith.constant 0 : i32
      %dma_wait3A_51 = arith.constant 0 : i32
      %dma_wait3A_52 = tpu.memref_slice %arg8[%dma_wait3A, %dma_wait3A_51] : memref<128x128xf32, #tpu.memory_space<vmem>> -> memref<128x128xf32, #tpu.memory_space<vmem>>
      %dma_wait3A_53 = arith.constant 0 : i32
      %dma_wait3A_54 = tpu.memref_slice %arg5[%arg0, %add3A_27, %dma_wait3A_53] : memref<2x10112x128xf32, #tpu.memory_space<hbm>> -> memref<1x128x128xf32, #tpu.memory_space<hbm>>
      %dma_wait3A_55 = tpu.memref_squeeze %dma_wait3A_54 : memref<1x128x128xf32, #tpu.memory_space<hbm>> -> memref<128x128xf32, #tpu.memory_space<hbm>>
      %dma_wait3A_56 = arith.constant 0 : i32
      %dma_wait3A_57 = tpu.memref_slice %arg5[%arg0, %add3A_27, %dma_wait3A_56] : memref<2x10112x128xf32, #tpu.memory_space<hbm>> -> memref<1x128x128xf32, #tpu.memory_space<hbm>>
      %dma_wait3A_58 = tpu.memref_squeeze %dma_wait3A_57 : memref<1x128x128xf32, #tpu.memory_space<hbm>> -> memref<128x128xf32, #tpu.memory_space<hbm>>
      %dma_wait3A_59 = arith.constant 0 : i32
      %dma_wait3A_60 = arith.constant 0 : i32
      %dma_wait3A_61 = tpu.memref_slice %arg8[%dma_wait3A_59, %dma_wait3A_60] : memref<128x128xf32, #tpu.memory_space<vmem>> -> memref<128x128xf32, #tpu.memory_space<vmem>>
      tpu.wait_dma2 semaphore(%run_scoped3A : memref<!tpu.dma_semaphore, #tpu.memory_space<semaphore_mem>>) src(%dma_wait3A_61 : memref<128x128xf32, #tpu.memory_space<vmem>>) dst(%dma_wait3A_58 : memref<128x128xf32, #tpu.memory_space<hbm>>)
      tpu.yield
    }) : () -> ()
    %add3A_28 = arith.constant 256 : i32
    %add3A_29 = arith.addi %mul3A_2, %add3A_28 : i32
    "tpu.region"() ({
      %run_scoped3A = tpu.sem_alloc : memref<!tpu.dma_semaphore, #tpu.memory_space<semaphore_mem>>
      %dma_start3A = arith.constant 0 : i32
      %dma_start3A_40 = arith.constant 0 : i32
      %dma_start3A_41 = tpu.memref_slice %arg8[%dma_start3A, %dma_start3A_40] : memref<128x128xf32, #tpu.memory_space<vmem>> -> memref<128x128xf32, #tpu.memory_space<vmem>>
      %dma_start3A_42 = arith.constant 0 : i32
      %dma_start3A_43 = tpu.memref_slice %arg10[%add3A_29, %dma_start3A_42] : memref<10112x128xf32, #tpu.memory_space<vmem_shared>> -> memref<128x128xf32, #tpu.memory_space<vmem_shared>>
      %dma_start3A_44 = arith.constant 0 : i32
      %dma_start3A_45 = arith.constant 0 : i32
      %dma_start3A_46 = tpu.memref_slice %arg8[%dma_start3A_44, %dma_start3A_45] : memref<128x128xf32, #tpu.memory_space<vmem>> -> memref<128x128xf32, #tpu.memory_space<vmem>>
      %dma_start3A_47 = arith.constant 0 : i32
      %dma_start3A_48 = tpu.memref_slice %arg10[%add3A_29, %dma_start3A_47] : memref<10112x128xf32, #tpu.memory_space<vmem_shared>> -> memref<128x128xf32, #tpu.memory_space<vmem_shared>>
      tpu.enqueue_dma source(%dma_start3A_48 : memref<128x128xf32, #tpu.memory_space<vmem_shared>>) target(%dma_start3A_46 : memref<128x128xf32, #tpu.memory_space<vmem>>) target_semaphore(%run_scoped3A : memref<!tpu.dma_semaphore, #tpu.memory_space<semaphore_mem>>)
      %dma_wait3A = arith.constant 0 : i32
      %dma_wait3A_49 = arith.constant 0 : i32
      %dma_wait3A_50 = tpu.memref_slice %arg8[%dma_wait3A, %dma_wait3A_49] : memref<128x128xf32, #tpu.memory_space<vmem>> -> memref<128x128xf32, #tpu.memory_space<vmem>>
      %dma_wait3A_51 = arith.constant 0 : i32
      %dma_wait3A_52 = tpu.memref_slice %arg10[%add3A_29, %dma_wait3A_51] : memref<10112x128xf32, #tpu.memory_space<vmem_shared>> -> memref<128x128xf32, #tpu.memory_space<vmem_shared>>
      %dma_wait3A_53 = arith.constant 0 : i32
      %dma_wait3A_54 = arith.constant 0 : i32
      %dma_wait3A_55 = tpu.memref_slice %arg8[%dma_wait3A_53, %dma_wait3A_54] : memref<128x128xf32, #tpu.memory_space<vmem>> -> memref<128x128xf32, #tpu.memory_space<vmem>>
      %dma_wait3A_56 = arith.constant 0 : i32
      %dma_wait3A_57 = tpu.memref_slice %arg10[%add3A_29, %dma_wait3A_56] : memref<10112x128xf32, #tpu.memory_space<vmem_shared>> -> memref<128x128xf32, #tpu.memory_space<vmem_shared>>
      tpu.wait_dma2 semaphore(%run_scoped3A : memref<!tpu.dma_semaphore, #tpu.memory_space<semaphore_mem>>) src(%dma_wait3A_57 : memref<128x128xf32, #tpu.memory_space<vmem_shared>>) dst(%dma_wait3A_55 : memref<128x128xf32, #tpu.memory_space<vmem>>)
      tpu.yield
    }) : () -> ()
    %add3A_30 = arith.constant 256 : i32
    %add3A_31 = arith.addi %mul3A_2, %add3A_30 : i32
    "tpu.region"() ({
      %run_scoped3A = tpu.sem_alloc : memref<!tpu.dma_semaphore, #tpu.memory_space<semaphore_mem>>
      %dma_start3A = arith.constant 0 : i32
      %dma_start3A_40 = arith.constant 0 : i32
      %dma_start3A_41 = tpu.memref_slice %arg8[%dma_start3A, %dma_start3A_40] : memref<128x128xf32, #tpu.memory_space<vmem>> -> memref<128x128xf32, #tpu.memory_space<vmem>>
      %dma_start3A_42 = arith.constant 0 : i32
      %dma_start3A_43 = tpu.memref_slice %arg5[%arg0, %add3A_31, %dma_start3A_42] : memref<2x10112x128xf32, #tpu.memory_space<hbm>> -> memref<1x128x128xf32, #tpu.memory_space<hbm>>
      %dma_start3A_44 = tpu.memref_squeeze %dma_start3A_43 : memref<1x128x128xf32, #tpu.memory_space<hbm>> -> memref<128x128xf32, #tpu.memory_space<hbm>>
      %dma_start3A_45 = arith.constant 0 : i32
      %dma_start3A_46 = tpu.memref_slice %arg5[%arg0, %add3A_31, %dma_start3A_45] : memref<2x10112x128xf32, #tpu.memory_space<hbm>> -> memref<1x128x128xf32, #tpu.memory_space<hbm>>
      %dma_start3A_47 = tpu.memref_squeeze %dma_start3A_46 : memref<1x128x128xf32, #tpu.memory_space<hbm>> -> memref<128x128xf32, #tpu.memory_space<hbm>>
      %dma_start3A_48 = arith.constant 0 : i32
      %dma_start3A_49 = arith.constant 0 : i32
      %dma_start3A_50 = tpu.memref_slice %arg8[%dma_start3A_48, %dma_start3A_49] : memref<128x128xf32, #tpu.memory_space<vmem>> -> memref<128x128xf32, #tpu.memory_space<vmem>>
      tpu.enqueue_dma source(%dma_start3A_50 : memref<128x128xf32, #tpu.memory_space<vmem>>) target(%dma_start3A_47 : memref<128x128xf32, #tpu.memory_space<hbm>>) target_semaphore(%run_scoped3A : memref<!tpu.dma_semaphore, #tpu.memory_space<semaphore_mem>>)
      %dma_wait3A = arith.constant 0 : i32
      %dma_wait3A_51 = arith.constant 0 : i32
      %dma_wait3A_52 = tpu.memref_slice %arg8[%dma_wait3A, %dma_wait3A_51] : memref<128x128xf32, #tpu.memory_space<vmem>> -> memref<128x128xf32, #tpu.memory_space<vmem>>
      %dma_wait3A_53 = arith.constant 0 : i32
      %dma_wait3A_54 = tpu.memref_slice %arg5[%arg0, %add3A_31, %dma_wait3A_53] : memref<2x10112x128xf32, #tpu.memory_space<hbm>> -> memref<1x128x128xf32, #tpu.memory_space<hbm>>
      %dma_wait3A_55 = tpu.memref_squeeze %dma_wait3A_54 : memref<1x128x128xf32, #tpu.memory_space<hbm>> -> memref<128x128xf32, #tpu.memory_space<hbm>>
      %dma_wait3A_56 = arith.constant 0 : i32
      %dma_wait3A_57 = tpu.memref_slice %arg5[%arg0, %add3A_31, %dma_wait3A_56] : memref<2x10112x128xf32, #tpu.memory_space<hbm>> -> memref<1x128x128xf32, #tpu.memory_space<hbm>>
      %dma_wait3A_58 = tpu.memref_squeeze %dma_wait3A_57 : memref<1x128x128xf32, #tpu.memory_space<hbm>> -> memref<128x128xf32, #tpu.memory_space<hbm>>
      %dma_wait3A_59 = arith.constant 0 : i32
      %dma_wait3A_60 = arith.constant 0 : i32
      %dma_wait3A_61 = tpu.memref_slice %arg8[%dma_wait3A_59, %dma_wait3A_60] : memref<128x128xf32, #tpu.memory_space<vmem>> -> memref<128x128xf32, #tpu.memory_space<vmem>>
      tpu.wait_dma2 semaphore(%run_scoped3A : memref<!tpu.dma_semaphore, #tpu.memory_space<semaphore_mem>>) src(%dma_wait3A_61 : memref<128x128xf32, #tpu.memory_space<vmem>>) dst(%dma_wait3A_58 : memref<128x128xf32, #tpu.memory_space<hbm>>)
      tpu.yield
    }) : () -> ()
    %add3A_32 = arith.constant 384 : i32
    %add3A_33 = arith.addi %mul3A_2, %add3A_32 : i32
    "tpu.region"() ({
      %run_scoped3A = tpu.sem_alloc : memref<!tpu.dma_semaphore, #tpu.memory_space<semaphore_mem>>
      %dma_start3A = arith.constant 0 : i32
      %dma_start3A_40 = arith.constant 0 : i32
      %dma_start3A_41 = tpu.memref_slice %arg8[%dma_start3A, %dma_start3A_40] : memref<128x128xf32, #tpu.memory_space<vmem>> -> memref<128x128xf32, #tpu.memory_space<vmem>>
      %dma_start3A_42 = arith.constant 0 : i32
      %dma_start3A_43 = tpu.memref_slice %arg10[%add3A_33, %dma_start3A_42] : memref<10112x128xf32, #tpu.memory_space<vmem_shared>> -> memref<128x128xf32, #tpu.memory_space<vmem_shared>>
      %dma_start3A_44 = arith.constant 0 : i32
      %dma_start3A_45 = arith.constant 0 : i32
      %dma_start3A_46 = tpu.memref_slice %arg8[%dma_start3A_44, %dma_start3A_45] : memref<128x128xf32, #tpu.memory_space<vmem>> -> memref<128x128xf32, #tpu.memory_space<vmem>>
      %dma_start3A_47 = arith.constant 0 : i32
      %dma_start3A_48 = tpu.memref_slice %arg10[%add3A_33, %dma_start3A_47] : memref<10112x128xf32, #tpu.memory_space<vmem_shared>> -> memref<128x128xf32, #tpu.memory_space<vmem_shared>>
      tpu.enqueue_dma source(%dma_start3A_48 : memref<128x128xf32, #tpu.memory_space<vmem_shared>>) target(%dma_start3A_46 : memref<128x128xf32, #tpu.memory_space<vmem>>) target_semaphore(%run_scoped3A : memref<!tpu.dma_semaphore, #tpu.memory_space<semaphore_mem>>)
      %dma_wait3A = arith.constant 0 : i32
      %dma_wait3A_49 = arith.constant 0 : i32
      %dma_wait3A_50 = tpu.memref_slice %arg8[%dma_wait3A, %dma_wait3A_49] : memref<128x128xf32, #tpu.memory_space<vmem>> -> memref<128x128xf32, #tpu.memory_space<vmem>>
      %dma_wait3A_51 = arith.constant 0 : i32
      %dma_wait3A_52 = tpu.memref_slice %arg10[%add3A_33, %dma_wait3A_51] : memref<10112x128xf32, #tpu.memory_space<vmem_shared>> -> memref<128x128xf32, #tpu.memory_space<vmem_shared>>
      %dma_wait3A_53 = arith.constant 0 : i32
      %dma_wait3A_54 = arith.constant 0 : i32
      %dma_wait3A_55 = tpu.memref_slice %arg8[%dma_wait3A_53, %dma_wait3A_54] : memref<128x128xf32, #tpu.memory_space<vmem>> -> memref<128x128xf32, #tpu.memory_space<vmem>>
      %dma_wait3A_56 = arith.constant 0 : i32
      %dma_wait3A_57 = tpu.memref_slice %arg10[%add3A_33, %dma_wait3A_56] : memref<10112x128xf32, #tpu.memory_space<vmem_shared>> -> memref<128x128xf32, #tpu.memory_space<vmem_shared>>
      tpu.wait_dma2 semaphore(%run_scoped3A : memref<!tpu.dma_semaphore, #tpu.memory_space<semaphore_mem>>) src(%dma_wait3A_57 : memref<128x128xf32, #tpu.memory_space<vmem_shared>>) dst(%dma_wait3A_55 : memref<128x128xf32, #tpu.memory_space<vmem>>)
      tpu.yield
    }) : () -> ()
    %add3A_34 = arith.constant 384 : i32
    %add3A_35 = arith.addi %mul3A_2, %add3A_34 : i32
    "tpu.region"() ({
      %run_scoped3A = tpu.sem_alloc : memref<!tpu.dma_semaphore, #tpu.memory_space<semaphore_mem>>
      %dma_start3A = arith.constant 0 : i32
      %dma_start3A_40 = arith.constant 0 : i32
      %dma_start3A_41 = tpu.memref_slice %arg8[%dma_start3A, %dma_start3A_40] : memref<128x128xf32, #tpu.memory_space<vmem>> -> memref<128x128xf32, #tpu.memory_space<vmem>>
      %dma_start3A_42 = arith.constant 0 : i32
      %dma_start3A_43 = tpu.memref_slice %arg5[%arg0, %add3A_35, %dma_start3A_42] : memref<2x10112x128xf32, #tpu.memory_space<hbm>> -> memref<1x128x128xf32, #tpu.memory_space<hbm>>
      %dma_start3A_44 = tpu.memref_squeeze %dma_start3A_43 : memref<1x128x128xf32, #tpu.memory_space<hbm>> -> memref<128x128xf32, #tpu.memory_space<hbm>>
      %dma_start3A_45 = arith.constant 0 : i32
      %dma_start3A_46 = tpu.memref_slice %arg5[%arg0, %add3A_35, %dma_start3A_45] : memref<2x10112x128xf32, #tpu.memory_space<hbm>> -> memref<1x128x128xf32, #tpu.memory_space<hbm>>
      %dma_start3A_47 = tpu.memref_squeeze %dma_start3A_46 : memref<1x128x128xf32, #tpu.memory_space<hbm>> -> memref<128x128xf32, #tpu.memory_space<hbm>>
      %dma_start3A_48 = arith.constant 0 : i32
      %dma_start3A_49 = arith.constant 0 : i32
      %dma_start3A_50 = tpu.memref_slice %arg8[%dma_start3A_48, %dma_start3A_49] : memref<128x128xf32, #tpu.memory_space<vmem>> -> memref<128x128xf32, #tpu.memory_space<vmem>>
      tpu.enqueue_dma source(%dma_start3A_50 : memref<128x128xf32, #tpu.memory_space<vmem>>) target(%dma_start3A_47 : memref<128x128xf32, #tpu.memory_space<hbm>>) target_semaphore(%run_scoped3A : memref<!tpu.dma_semaphore, #tpu.memory_space<semaphore_mem>>)
      %dma_wait3A = arith.constant 0 : i32
      %dma_wait3A_51 = arith.constant 0 : i32
      %dma_wait3A_52 = tpu.memref_slice %arg8[%dma_wait3A, %dma_wait3A_51] : memref<128x128xf32, #tpu.memory_space<vmem>> -> memref<128x128xf32, #tpu.memory_space<vmem>>
      %dma_wait3A_53 = arith.constant 0 : i32
      %dma_wait3A_54 = tpu.memref_slice %arg5[%arg0, %add3A_35, %dma_wait3A_53] : memref<2x10112x128xf32, #tpu.memory_space<hbm>> -> memref<1x128x128xf32, #tpu.memory_space<hbm>>
      %dma_wait3A_55 = tpu.memref_squeeze %dma_wait3A_54 : memref<1x128x128xf32, #tpu.memory_space<hbm>> -> memref<128x128xf32, #tpu.memory_space<hbm>>
      %dma_wait3A_56 = arith.constant 0 : i32
      %dma_wait3A_57 = tpu.memref_slice %arg5[%arg0, %add3A_35, %dma_wait3A_56] : memref<2x10112x128xf32, #tpu.memory_space<hbm>> -> memref<1x128x128xf32, #tpu.memory_space<hbm>>
      %dma_wait3A_58 = tpu.memref_squeeze %dma_wait3A_57 : memref<1x128x128xf32, #tpu.memory_space<hbm>> -> memref<128x128xf32, #tpu.memory_space<hbm>>
      %dma_wait3A_59 = arith.constant 0 : i32
      %dma_wait3A_60 = arith.constant 0 : i32
      %dma_wait3A_61 = tpu.memref_slice %arg8[%dma_wait3A_59, %dma_wait3A_60] : memref<128x128xf32, #tpu.memory_space<vmem>> -> memref<128x128xf32, #tpu.memory_space<vmem>>
      tpu.wait_dma2 semaphore(%run_scoped3A : memref<!tpu.dma_semaphore, #tpu.memory_space<semaphore_mem>>) src(%dma_wait3A_61 : memref<128x128xf32, #tpu.memory_space<vmem>>) dst(%dma_wait3A_58 : memref<128x128xf32, #tpu.memory_space<hbm>>)
      tpu.yield
    }) : () -> ()
    %add3A_36 = arith.constant 512 : i32
    %add3A_37 = arith.addi %mul3A_2, %add3A_36 : i32
    "tpu.region"() ({
      %run_scoped3A = tpu.sem_alloc : memref<!tpu.dma_semaphore, #tpu.memory_space<semaphore_mem>>
      %dma_start3A = arith.constant 0 : i32
      %dma_start3A_40 = arith.constant 0 : i32
      %dma_start3A_41 = tpu.memref_slice %arg8[%dma_start3A, %dma_start3A_40] : memref<128x128xf32, #tpu.memory_space<vmem>> -> memref<120x128xf32, #tpu.memory_space<vmem>>
      %dma_start3A_42 = arith.constant 0 : i32
      %dma_start3A_43 = tpu.memref_slice %arg10[%add3A_37, %dma_start3A_42] : memref<10112x128xf32, #tpu.memory_space<vmem_shared>> -> memref<120x128xf32, #tpu.memory_space<vmem_shared>>
      %dma_start3A_44 = arith.constant 0 : i32
      %dma_start3A_45 = arith.constant 0 : i32
      %dma_start3A_46 = tpu.memref_slice %arg8[%dma_start3A_44, %dma_start3A_45] : memref<128x128xf32, #tpu.memory_space<vmem>> -> memref<120x128xf32, #tpu.memory_space<vmem>>
      %dma_start3A_47 = arith.constant 0 : i32
      %dma_start3A_48 = tpu.memref_slice %arg10[%add3A_37, %dma_start3A_47] : memref<10112x128xf32, #tpu.memory_space<vmem_shared>> -> memref<120x128xf32, #tpu.memory_space<vmem_shared>>
      tpu.enqueue_dma source(%dma_start3A_48 : memref<120x128xf32, #tpu.memory_space<vmem_shared>>) target(%dma_start3A_46 : memref<120x128xf32, #tpu.memory_space<vmem>>) target_semaphore(%run_scoped3A : memref<!tpu.dma_semaphore, #tpu.memory_space<semaphore_mem>>)
      %dma_wait3A = arith.constant 0 : i32
      %dma_wait3A_49 = arith.constant 0 : i32
      %dma_wait3A_50 = tpu.memref_slice %arg8[%dma_wait3A, %dma_wait3A_49] : memref<128x128xf32, #tpu.memory_space<vmem>> -> memref<120x128xf32, #tpu.memory_space<vmem>>
      %dma_wait3A_51 = arith.constant 0 : i32
      %dma_wait3A_52 = tpu.memref_slice %arg10[%add3A_37, %dma_wait3A_51] : memref<10112x128xf32, #tpu.memory_space<vmem_shared>> -> memref<120x128xf32, #tpu.memory_space<vmem_shared>>
      %dma_wait3A_53 = arith.constant 0 : i32
      %dma_wait3A_54 = arith.constant 0 : i32
      %dma_wait3A_55 = tpu.memref_slice %arg8[%dma_wait3A_53, %dma_wait3A_54] : memref<128x128xf32, #tpu.memory_space<vmem>> -> memref<120x128xf32, #tpu.memory_space<vmem>>
      %dma_wait3A_56 = arith.constant 0 : i32
      %dma_wait3A_57 = tpu.memref_slice %arg10[%add3A_37, %dma_wait3A_56] : memref<10112x128xf32, #tpu.memory_space<vmem_shared>> -> memref<120x128xf32, #tpu.memory_space<vmem_shared>>
      tpu.wait_dma2 semaphore(%run_scoped3A : memref<!tpu.dma_semaphore, #tpu.memory_space<semaphore_mem>>) src(%dma_wait3A_57 : memref<120x128xf32, #tpu.memory_space<vmem_shared>>) dst(%dma_wait3A_55 : memref<120x128xf32, #tpu.memory_space<vmem>>)
      tpu.yield
    }) : () -> ()
    %add3A_38 = arith.constant 512 : i32
    %add3A_39 = arith.addi %mul3A_2, %add3A_38 : i32
    "tpu.region"() ({
      %run_scoped3A = tpu.sem_alloc : memref<!tpu.dma_semaphore, #tpu.memory_space<semaphore_mem>>
      %dma_start3A = arith.constant 0 : i32
      %dma_start3A_40 = arith.constant 0 : i32
      %dma_start3A_41 = tpu.memref_slice %arg8[%dma_start3A, %dma_start3A_40] : memref<128x128xf32, #tpu.memory_space<vmem>> -> memref<120x128xf32, #tpu.memory_space<vmem>>
      %dma_start3A_42 = arith.constant 0 : i32
      %dma_start3A_43 = tpu.memref_slice %arg5[%arg0, %add3A_39, %dma_start3A_42] : memref<2x10112x128xf32, #tpu.memory_space<hbm>> -> memref<1x120x128xf32, #tpu.memory_space<hbm>>
      %dma_start3A_44 = tpu.memref_squeeze %dma_start3A_43 : memref<1x120x128xf32, #tpu.memory_space<hbm>> -> memref<120x128xf32, #tpu.memory_space<hbm>>
      %dma_start3A_45 = arith.constant 0 : i32
      %dma_start3A_46 = tpu.memref_slice %arg5[%arg0, %add3A_39, %dma_start3A_45] : memref<2x10112x128xf32, #tpu.memory_space<hbm>> -> memref<1x120x128xf32, #tpu.memory_space<hbm>>
      %dma_start3A_47 = tpu.memref_squeeze %dma_start3A_46 : memref<1x120x128xf32, #tpu.memory_space<hbm>> -> memref<120x128xf32, #tpu.memory_space<hbm>>
      %dma_start3A_48 = arith.constant 0 : i32
      %dma_start3A_49 = arith.constant 0 : i32
      %dma_start3A_50 = tpu.memref_slice %arg8[%dma_start3A_48, %dma_start3A_49] : memref<128x128xf32, #tpu.memory_space<vmem>> -> memref<120x128xf32, #tpu.memory_space<vmem>>
      tpu.enqueue_dma source(%dma_start3A_50 : memref<120x128xf32, #tpu.memory_space<vmem>>) target(%dma_start3A_47 : memref<120x128xf32, #tpu.memory_space<hbm>>) target_semaphore(%run_scoped3A : memref<!tpu.dma_semaphore, #tpu.memory_space<semaphore_mem>>)
      %dma_wait3A = arith.constant 0 : i32
      %dma_wait3A_51 = arith.constant 0 : i32
      %dma_wait3A_52 = tpu.memref_slice %arg8[%dma_wait3A, %dma_wait3A_51] : memref<128x128xf32, #tpu.memory_space<vmem>> -> memref<120x128xf32, #tpu.memory_space<vmem>>
      %dma_wait3A_53 = arith.constant 0 : i32
      %dma_wait3A_54 = tpu.memref_slice %arg5[%arg0, %add3A_39, %dma_wait3A_53] : memref<2x10112x128xf32, #tpu.memory_space<hbm>> -> memref<1x120x128xf32, #tpu.memory_space<hbm>>
      %dma_wait3A_55 = tpu.memref_squeeze %dma_wait3A_54 : memref<1x120x128xf32, #tpu.memory_space<hbm>> -> memref<120x128xf32, #tpu.memory_space<hbm>>
      %dma_wait3A_56 = arith.constant 0 : i32
      %dma_wait3A_57 = tpu.memref_slice %arg5[%arg0, %add3A_39, %dma_wait3A_56] : memref<2x10112x128xf32, #tpu.memory_space<hbm>> -> memref<1x120x128xf32, #tpu.memory_space<hbm>>
      %dma_wait3A_58 = tpu.memref_squeeze %dma_wait3A_57 : memref<1x120x128xf32, #tpu.memory_space<hbm>> -> memref<120x128xf32, #tpu.memory_space<hbm>>
      %dma_wait3A_59 = arith.constant 0 : i32
      %dma_wait3A_60 = arith.constant 0 : i32
      %dma_wait3A_61 = tpu.memref_slice %arg8[%dma_wait3A_59, %dma_wait3A_60] : memref<128x128xf32, #tpu.memory_space<vmem>> -> memref<120x128xf32, #tpu.memory_space<vmem>>
      tpu.wait_dma2 semaphore(%run_scoped3A : memref<!tpu.dma_semaphore, #tpu.memory_space<semaphore_mem>>) src(%dma_wait3A_61 : memref<120x128xf32, #tpu.memory_space<vmem>>) dst(%dma_wait3A_58 : memref<120x128xf32, #tpu.memory_space<hbm>>)
      tpu.yield
    }) : () -> ()
    return
  }
}

module attributes {stable_mosaic.version = 14 : i64} {
  func.func @_hist_body(%arg0: i32, %arg1: memref<32x128xi32, #tpu.memory_space<vmem>>, %arg2: memref<80x128xf32, #tpu.memory_space<vmem>>, %arg3: memref<80x128xf32, #tpu.memory_space<vmem>>) attributes {dimension_semantics = [#tpu.dimension_semantics<arbitrary>], iteration_bounds = array<i64: 80>, scalar_prefetch = 0 : i64, scratch_operands = 1 : i64, tpu.core_type = #tpu.core_type<tc>, window_params = [{transform_indices = @transform_0, window_bounds = array<i64: 32, 128>}, {pipeline_mode = #tpu.pipeline_mode<synchronous>, transform_indices = @transform_1, window_bounds = array<i64: 80, 128>}]} {
    %eq3A = arith.constant 0 : i32
    %eq3A_0 = arith.cmpi eq, %arg0, %eq3A : i32
    %convert_element_type3A = arith.extui %eq3A_0 : i1 to i32
    %cond3A = arith.constant 0 : i32
    %cond3A_1 = arith.cmpi ne, %convert_element_type3A, %cond3A : i32
    scf.if %cond3A_1 {
      %broadcast_in_dim3A_498 = arith.constant 0.000000e+00 : f32
      %broadcast_in_dim3A_499 = vector.broadcast %broadcast_in_dim3A_498 : f32 to vector<80x128xf32>
      %swap3A_500 = arith.constant 0 : index
      %swap3A_501 = arith.constant 0 : index
      %swap3A_502 = vector.load %arg3[%swap3A_500, %swap3A_501] : memref<80x128xf32, #tpu.memory_space<vmem>>, vector<80x128xf32>
      tpu.vector_store %arg3[%swap3A_500, %swap3A_501], %broadcast_in_dim3A_499 {strides = array<i32>} : memref<80x128xf32, #tpu.memory_space<vmem>>, vector<80x128xf32>,
    } else {
    }
    %get3A = arith.constant 0 : index
    %get3A_2 = arith.constant 0 : index
    %get3A_3 = vector.load %arg1[%get3A, %get3A_2] : memref<32x128xi32, #tpu.memory_space<vmem>>, vector<32x128xi32>
    %shift_right_logical3A = arith.constant 7 : i32
    %shift_right_logical3A_4 = vector.broadcast %shift_right_logical3A : i32 to vector<32x128xi32>
    %shift_right_logical3A_5 = arith.shrui %get3A_3, %shift_right_logical3A_4 : vector<32x128xi32>
    %and3A = arith.constant 127 : i32
    %and3A_6 = vector.broadcast %and3A : i32 to vector<32x128xi32>
    %and3A_7 = arith.andi %get3A_3, %and3A_6 : vector<32x128xi32>
    %iota3A = tpu.iota {dimensions = array<i32: 0>} : vector<80x1xi32>
    %iota3A_8 = tpu.iota {dimensions = array<i32: 0>} : vector<128x1xi32>
    %broadcast_in_dim3A = arith.constant 0.000000e+00 : f32
    %broadcast_in_dim3A_9 = vector.broadcast %broadcast_in_dim3A : f32 to vector<80x128xf32>
    %slice3A = vector.extract_strided_slice %shift_right_logical3A_5 {offsets = [0, 0], sizes = [1, 128], strides = [1, 1]} : vector<32x128xi32> to vector<1x128xi32>
    %eq3A_10 = vector.broadcast %slice3A : vector<1x128xi32> to vector<80x128xi32>
    %eq3A_11 = vector.broadcast %iota3A : vector<80x1xi32> to vector<80x128xi32>
    %eq3A_12 = arith.cmpi eq, %eq3A_10, %eq3A_11 : vector<80x128xi32>
    %convert_element_type3A_13 = arith.extui %eq3A_12 : vector<80x128xi1> to vector<80x128xi32>
    %convert_element_type3A_14 = arith.sitofp %convert_element_type3A_13 : vector<80x128xi32> to vector<80x128xf32>
    %slice3A_15 = vector.extract_strided_slice %and3A_7 {offsets = [0, 0], sizes = [1, 128], strides = [1, 1]} : vector<32x128xi32> to vector<1x128xi32>
    %eq3A_16 = vector.broadcast %slice3A_15 : vector<1x128xi32> to vector<128x128xi32>
    %eq3A_17 = vector.broadcast %iota3A_8 : vector<128x1xi32> to vector<128x128xi32>
    %eq3A_18 = arith.cmpi eq, %eq3A_16, %eq3A_17 : vector<128x128xi32>
    %convert_element_type3A_19 = arith.extui %eq3A_18 : vector<128x128xi1> to vector<128x128xi32>
    %convert_element_type3A_20 = arith.sitofp %convert_element_type3A_19 : vector<128x128xi32> to vector<128x128xf32>
    %dot_general3A = arith.constant dense<0.000000e+00> : vector<80x128xf32>
    %dot_general3A_21 = tpu.matmul %convert_element_type3A_14, %convert_element_type3A_20, %dot_general3A {dimension_numbers = #tpu.dot_dimension_numbers<[1], [1], [0], [0], [0, 0, 1, 0], [], []>, transpose_lhs_hint = false} : vector<80x128xf32>, vector<128x128xf32>, vector<80x128xf32> -> vector<80x128xf32>
    %add3A = arith.addf %broadcast_in_dim3A_9, %dot_general3A_21 : vector<80x128xf32>
    %slice3A_22 = vector.extract_strided_slice %shift_right_logical3A_5 {offsets = [1, 0], sizes = [1, 128], strides = [1, 1]} : vector<32x128xi32> to vector<1x128xi32>
    %eq3A_23 = vector.broadcast %slice3A_22 : vector<1x128xi32> to vector<80x128xi32>
    %eq3A_24 = vector.broadcast %iota3A : vector<80x1xi32> to vector<80x128xi32>
    %eq3A_25 = arith.cmpi eq, %eq3A_23, %eq3A_24 : vector<80x128xi32>
    %convert_element_type3A_26 = arith.extui %eq3A_25 : vector<80x128xi1> to vector<80x128xi32>
    %convert_element_type3A_27 = arith.sitofp %convert_element_type3A_26 : vector<80x128xi32> to vector<80x128xf32>
    %slice3A_28 = vector.extract_strided_slice %and3A_7 {offsets = [1, 0], sizes = [1, 128], strides = [1, 1]} : vector<32x128xi32> to vector<1x128xi32>
    %eq3A_29 = vector.broadcast %slice3A_28 : vector<1x128xi32> to vector<128x128xi32>
    %eq3A_30 = vector.broadcast %iota3A_8 : vector<128x1xi32> to vector<128x128xi32>
    %eq3A_31 = arith.cmpi eq, %eq3A_29, %eq3A_30 : vector<128x128xi32>
    %convert_element_type3A_32 = arith.extui %eq3A_31 : vector<128x128xi1> to vector<128x128xi32>
    %convert_element_type3A_33 = arith.sitofp %convert_element_type3A_32 : vector<128x128xi32> to vector<128x128xf32>
    %dot_general3A_34 = arith.constant dense<0.000000e+00> : vector<80x128xf32>
    %dot_general3A_35 = tpu.matmul %convert_element_type3A_27, %convert_element_type3A_33, %dot_general3A_34 {dimension_numbers = #tpu.dot_dimension_numbers<[1], [1], [0], [0], [0, 0, 1, 0], [], []>, transpose_lhs_hint = false} : vector<80x128xf32>, vector<128x128xf32>, vector<80x128xf32> -> vector<80x128xf32>
    %add3A_36 = arith.addf %add3A, %dot_general3A_35 : vector<80x128xf32>
    %slice3A_37 = vector.extract_strided_slice %shift_right_logical3A_5 {offsets = [2, 0], sizes = [1, 128], strides = [1, 1]} : vector<32x128xi32> to vector<1x128xi32>
    %eq3A_38 = vector.broadcast %slice3A_37 : vector<1x128xi32> to vector<80x128xi32>
    %eq3A_39 = vector.broadcast %iota3A : vector<80x1xi32> to vector<80x128xi32>
    %eq3A_40 = arith.cmpi eq, %eq3A_38, %eq3A_39 : vector<80x128xi32>
    %convert_element_type3A_41 = arith.extui %eq3A_40 : vector<80x128xi1> to vector<80x128xi32>
    %convert_element_type3A_42 = arith.sitofp %convert_element_type3A_41 : vector<80x128xi32> to vector<80x128xf32>
    %slice3A_43 = vector.extract_strided_slice %and3A_7 {offsets = [2, 0], sizes = [1, 128], strides = [1, 1]} : vector<32x128xi32> to vector<1x128xi32>
    %eq3A_44 = vector.broadcast %slice3A_43 : vector<1x128xi32> to vector<128x128xi32>
    %eq3A_45 = vector.broadcast %iota3A_8 : vector<128x1xi32> to vector<128x128xi32>
    %eq3A_46 = arith.cmpi eq, %eq3A_44, %eq3A_45 : vector<128x128xi32>
    %convert_element_type3A_47 = arith.extui %eq3A_46 : vector<128x128xi1> to vector<128x128xi32>
    %convert_element_type3A_48 = arith.sitofp %convert_element_type3A_47 : vector<128x128xi32> to vector<128x128xf32>
    %dot_general3A_49 = arith.constant dense<0.000000e+00> : vector<80x128xf32>
    %dot_general3A_50 = tpu.matmul %convert_element_type3A_42, %convert_element_type3A_48, %dot_general3A_49 {dimension_numbers = #tpu.dot_dimension_numbers<[1], [1], [0], [0], [0, 0, 1, 0], [], []>, transpose_lhs_hint = false} : vector<80x128xf32>, vector<128x128xf32>, vector<80x128xf32> -> vector<80x128xf32>
    %add3A_51 = arith.addf %add3A_36, %dot_general3A_50 : vector<80x128xf32>
    %slice3A_52 = vector.extract_strided_slice %shift_right_logical3A_5 {offsets = [3, 0], sizes = [1, 128], strides = [1, 1]} : vector<32x128xi32> to vector<1x128xi32>
    %eq3A_53 = vector.broadcast %slice3A_52 : vector<1x128xi32> to vector<80x128xi32>
    %eq3A_54 = vector.broadcast %iota3A : vector<80x1xi32> to vector<80x128xi32>
    %eq3A_55 = arith.cmpi eq, %eq3A_53, %eq3A_54 : vector<80x128xi32>
    %convert_element_type3A_56 = arith.extui %eq3A_55 : vector<80x128xi1> to vector<80x128xi32>
    %convert_element_type3A_57 = arith.sitofp %convert_element_type3A_56 : vector<80x128xi32> to vector<80x128xf32>
    %slice3A_58 = vector.extract_strided_slice %and3A_7 {offsets = [3, 0], sizes = [1, 128], strides = [1, 1]} : vector<32x128xi32> to vector<1x128xi32>
    %eq3A_59 = vector.broadcast %slice3A_58 : vector<1x128xi32> to vector<128x128xi32>
    %eq3A_60 = vector.broadcast %iota3A_8 : vector<128x1xi32> to vector<128x128xi32>
    %eq3A_61 = arith.cmpi eq, %eq3A_59, %eq3A_60 : vector<128x128xi32>
    %convert_element_type3A_62 = arith.extui %eq3A_61 : vector<128x128xi1> to vector<128x128xi32>
    %convert_element_type3A_63 = arith.sitofp %convert_element_type3A_62 : vector<128x128xi32> to vector<128x128xf32>
    %dot_general3A_64 = arith.constant dense<0.000000e+00> : vector<80x128xf32>
    %dot_general3A_65 = tpu.matmul %convert_element_type3A_57, %convert_element_type3A_63, %dot_general3A_64 {dimension_numbers = #tpu.dot_dimension_numbers<[1], [1], [0], [0], [0, 0, 1, 0], [], []>, transpose_lhs_hint = false} : vector<80x128xf32>, vector<128x128xf32>, vector<80x128xf32> -> vector<80x128xf32>
    %add3A_66 = arith.addf %add3A_51, %dot_general3A_65 : vector<80x128xf32>
    %slice3A_67 = vector.extract_strided_slice %shift_right_logical3A_5 {offsets = [4, 0], sizes = [1, 128], strides = [1, 1]} : vector<32x128xi32> to vector<1x128xi32>
    %eq3A_68 = vector.broadcast %slice3A_67 : vector<1x128xi32> to vector<80x128xi32>
    %eq3A_69 = vector.broadcast %iota3A : vector<80x1xi32> to vector<80x128xi32>
    %eq3A_70 = arith.cmpi eq, %eq3A_68, %eq3A_69 : vector<80x128xi32>
    %convert_element_type3A_71 = arith.extui %eq3A_70 : vector<80x128xi1> to vector<80x128xi32>
    %convert_element_type3A_72 = arith.sitofp %convert_element_type3A_71 : vector<80x128xi32> to vector<80x128xf32>
    %slice3A_73 = vector.extract_strided_slice %and3A_7 {offsets = [4, 0], sizes = [1, 128], strides = [1, 1]} : vector<32x128xi32> to vector<1x128xi32>
    %eq3A_74 = vector.broadcast %slice3A_73 : vector<1x128xi32> to vector<128x128xi32>
    %eq3A_75 = vector.broadcast %iota3A_8 : vector<128x1xi32> to vector<128x128xi32>
    %eq3A_76 = arith.cmpi eq, %eq3A_74, %eq3A_75 : vector<128x128xi32>
    %convert_element_type3A_77 = arith.extui %eq3A_76 : vector<128x128xi1> to vector<128x128xi32>
    %convert_element_type3A_78 = arith.sitofp %convert_element_type3A_77 : vector<128x128xi32> to vector<128x128xf32>
    %dot_general3A_79 = arith.constant dense<0.000000e+00> : vector<80x128xf32>
    %dot_general3A_80 = tpu.matmul %convert_element_type3A_72, %convert_element_type3A_78, %dot_general3A_79 {dimension_numbers = #tpu.dot_dimension_numbers<[1], [1], [0], [0], [0, 0, 1, 0], [], []>, transpose_lhs_hint = false} : vector<80x128xf32>, vector<128x128xf32>, vector<80x128xf32> -> vector<80x128xf32>
    %add3A_81 = arith.addf %add3A_66, %dot_general3A_80 : vector<80x128xf32>
    %slice3A_82 = vector.extract_strided_slice %shift_right_logical3A_5 {offsets = [5, 0], sizes = [1, 128], strides = [1, 1]} : vector<32x128xi32> to vector<1x128xi32>
    %eq3A_83 = vector.broadcast %slice3A_82 : vector<1x128xi32> to vector<80x128xi32>
    %eq3A_84 = vector.broadcast %iota3A : vector<80x1xi32> to vector<80x128xi32>
    %eq3A_85 = arith.cmpi eq, %eq3A_83, %eq3A_84 : vector<80x128xi32>
    %convert_element_type3A_86 = arith.extui %eq3A_85 : vector<80x128xi1> to vector<80x128xi32>
    %convert_element_type3A_87 = arith.sitofp %convert_element_type3A_86 : vector<80x128xi32> to vector<80x128xf32>
    %slice3A_88 = vector.extract_strided_slice %and3A_7 {offsets = [5, 0], sizes = [1, 128], strides = [1, 1]} : vector<32x128xi32> to vector<1x128xi32>
    %eq3A_89 = vector.broadcast %slice3A_88 : vector<1x128xi32> to vector<128x128xi32>
    %eq3A_90 = vector.broadcast %iota3A_8 : vector<128x1xi32> to vector<128x128xi32>
    %eq3A_91 = arith.cmpi eq, %eq3A_89, %eq3A_90 : vector<128x128xi32>
    %convert_element_type3A_92 = arith.extui %eq3A_91 : vector<128x128xi1> to vector<128x128xi32>
    %convert_element_type3A_93 = arith.sitofp %convert_element_type3A_92 : vector<128x128xi32> to vector<128x128xf32>
    %dot_general3A_94 = arith.constant dense<0.000000e+00> : vector<80x128xf32>
    %dot_general3A_95 = tpu.matmul %convert_element_type3A_87, %convert_element_type3A_93, %dot_general3A_94 {dimension_numbers = #tpu.dot_dimension_numbers<[1], [1], [0], [0], [0, 0, 1, 0], [], []>, transpose_lhs_hint = false} : vector<80x128xf32>, vector<128x128xf32>, vector<80x128xf32> -> vector<80x128xf32>
    %add3A_96 = arith.addf %add3A_81, %dot_general3A_95 : vector<80x128xf32>
    %slice3A_97 = vector.extract_strided_slice %shift_right_logical3A_5 {offsets = [6, 0], sizes = [1, 128], strides = [1, 1]} : vector<32x128xi32> to vector<1x128xi32>
    %eq3A_98 = vector.broadcast %slice3A_97 : vector<1x128xi32> to vector<80x128xi32>
    %eq3A_99 = vector.broadcast %iota3A : vector<80x1xi32> to vector<80x128xi32>
    %eq3A_100 = arith.cmpi eq, %eq3A_98, %eq3A_99 : vector<80x128xi32>
    %convert_element_type3A_101 = arith.extui %eq3A_100 : vector<80x128xi1> to vector<80x128xi32>
    %convert_element_type3A_102 = arith.sitofp %convert_element_type3A_101 : vector<80x128xi32> to vector<80x128xf32>
    %slice3A_103 = vector.extract_strided_slice %and3A_7 {offsets = [6, 0], sizes = [1, 128], strides = [1, 1]} : vector<32x128xi32> to vector<1x128xi32>
    %eq3A_104 = vector.broadcast %slice3A_103 : vector<1x128xi32> to vector<128x128xi32>
    %eq3A_105 = vector.broadcast %iota3A_8 : vector<128x1xi32> to vector<128x128xi32>
    %eq3A_106 = arith.cmpi eq, %eq3A_104, %eq3A_105 : vector<128x128xi32>
    %convert_element_type3A_107 = arith.extui %eq3A_106 : vector<128x128xi1> to vector<128x128xi32>
    %convert_element_type3A_108 = arith.sitofp %convert_element_type3A_107 : vector<128x128xi32> to vector<128x128xf32>
    %dot_general3A_109 = arith.constant dense<0.000000e+00> : vector<80x128xf32>
    %dot_general3A_110 = tpu.matmul %convert_element_type3A_102, %convert_element_type3A_108, %dot_general3A_109 {dimension_numbers = #tpu.dot_dimension_numbers<[1], [1], [0], [0], [0, 0, 1, 0], [], []>, transpose_lhs_hint = false} : vector<80x128xf32>, vector<128x128xf32>, vector<80x128xf32> -> vector<80x128xf32>
    %add3A_111 = arith.addf %add3A_96, %dot_general3A_110 : vector<80x128xf32>
    %slice3A_112 = vector.extract_strided_slice %shift_right_logical3A_5 {offsets = [7, 0], sizes = [1, 128], strides = [1, 1]} : vector<32x128xi32> to vector<1x128xi32>
    %eq3A_113 = vector.broadcast %slice3A_112 : vector<1x128xi32> to vector<80x128xi32>
    %eq3A_114 = vector.broadcast %iota3A : vector<80x1xi32> to vector<80x128xi32>
    %eq3A_115 = arith.cmpi eq, %eq3A_113, %eq3A_114 : vector<80x128xi32>
    %convert_element_type3A_116 = arith.extui %eq3A_115 : vector<80x128xi1> to vector<80x128xi32>
    %convert_element_type3A_117 = arith.sitofp %convert_element_type3A_116 : vector<80x128xi32> to vector<80x128xf32>
    %slice3A_118 = vector.extract_strided_slice %and3A_7 {offsets = [7, 0], sizes = [1, 128], strides = [1, 1]} : vector<32x128xi32> to vector<1x128xi32>
    %eq3A_119 = vector.broadcast %slice3A_118 : vector<1x128xi32> to vector<128x128xi32>
    %eq3A_120 = vector.broadcast %iota3A_8 : vector<128x1xi32> to vector<128x128xi32>
    %eq3A_121 = arith.cmpi eq, %eq3A_119, %eq3A_120 : vector<128x128xi32>
    %convert_element_type3A_122 = arith.extui %eq3A_121 : vector<128x128xi1> to vector<128x128xi32>
    %convert_element_type3A_123 = arith.sitofp %convert_element_type3A_122 : vector<128x128xi32> to vector<128x128xf32>
    %dot_general3A_124 = arith.constant dense<0.000000e+00> : vector<80x128xf32>
    %dot_general3A_125 = tpu.matmul %convert_element_type3A_117, %convert_element_type3A_123, %dot_general3A_124 {dimension_numbers = #tpu.dot_dimension_numbers<[1], [1], [0], [0], [0, 0, 1, 0], [], []>, transpose_lhs_hint = false} : vector<80x128xf32>, vector<128x128xf32>, vector<80x128xf32> -> vector<80x128xf32>
    %add3A_126 = arith.addf %add3A_111, %dot_general3A_125 : vector<80x128xf32>
    %slice3A_127 = vector.extract_strided_slice %shift_right_logical3A_5 {offsets = [8, 0], sizes = [1, 128], strides = [1, 1]} : vector<32x128xi32> to vector<1x128xi32>
    %eq3A_128 = vector.broadcast %slice3A_127 : vector<1x128xi32> to vector<80x128xi32>
    %eq3A_129 = vector.broadcast %iota3A : vector<80x1xi32> to vector<80x128xi32>
    %eq3A_130 = arith.cmpi eq, %eq3A_128, %eq3A_129 : vector<80x128xi32>
    %convert_element_type3A_131 = arith.extui %eq3A_130 : vector<80x128xi1> to vector<80x128xi32>
    %convert_element_type3A_132 = arith.sitofp %convert_element_type3A_131 : vector<80x128xi32> to vector<80x128xf32>
    %slice3A_133 = vector.extract_strided_slice %and3A_7 {offsets = [8, 0], sizes = [1, 128], strides = [1, 1]} : vector<32x128xi32> to vector<1x128xi32>
    %eq3A_134 = vector.broadcast %slice3A_133 : vector<1x128xi32> to vector<128x128xi32>
    %eq3A_135 = vector.broadcast %iota3A_8 : vector<128x1xi32> to vector<128x128xi32>
    %eq3A_136 = arith.cmpi eq, %eq3A_134, %eq3A_135 : vector<128x128xi32>
    %convert_element_type3A_137 = arith.extui %eq3A_136 : vector<128x128xi1> to vector<128x128xi32>
    %convert_element_type3A_138 = arith.sitofp %convert_element_type3A_137 : vector<128x128xi32> to vector<128x128xf32>
    %dot_general3A_139 = arith.constant dense<0.000000e+00> : vector<80x128xf32>
    %dot_general3A_140 = tpu.matmul %convert_element_type3A_132, %convert_element_type3A_138, %dot_general3A_139 {dimension_numbers = #tpu.dot_dimension_numbers<[1], [1], [0], [0], [0, 0, 1, 0], [], []>, transpose_lhs_hint = false} : vector<80x128xf32>, vector<128x128xf32>, vector<80x128xf32> -> vector<80x128xf32>
    %add3A_141 = arith.addf %add3A_126, %dot_general3A_140 : vector<80x128xf32>
    %slice3A_142 = vector.extract_strided_slice %shift_right_logical3A_5 {offsets = [9, 0], sizes = [1, 128], strides = [1, 1]} : vector<32x128xi32> to vector<1x128xi32>
    %eq3A_143 = vector.broadcast %slice3A_142 : vector<1x128xi32> to vector<80x128xi32>
    %eq3A_144 = vector.broadcast %iota3A : vector<80x1xi32> to vector<80x128xi32>
    %eq3A_145 = arith.cmpi eq, %eq3A_143, %eq3A_144 : vector<80x128xi32>
    %convert_element_type3A_146 = arith.extui %eq3A_145 : vector<80x128xi1> to vector<80x128xi32>
    %convert_element_type3A_147 = arith.sitofp %convert_element_type3A_146 : vector<80x128xi32> to vector<80x128xf32>
    %slice3A_148 = vector.extract_strided_slice %and3A_7 {offsets = [9, 0], sizes = [1, 128], strides = [1, 1]} : vector<32x128xi32> to vector<1x128xi32>
    %eq3A_149 = vector.broadcast %slice3A_148 : vector<1x128xi32> to vector<128x128xi32>
    %eq3A_150 = vector.broadcast %iota3A_8 : vector<128x1xi32> to vector<128x128xi32>
    %eq3A_151 = arith.cmpi eq, %eq3A_149, %eq3A_150 : vector<128x128xi32>
    %convert_element_type3A_152 = arith.extui %eq3A_151 : vector<128x128xi1> to vector<128x128xi32>
    %convert_element_type3A_153 = arith.sitofp %convert_element_type3A_152 : vector<128x128xi32> to vector<128x128xf32>
    %dot_general3A_154 = arith.constant dense<0.000000e+00> : vector<80x128xf32>
    %dot_general3A_155 = tpu.matmul %convert_element_type3A_147, %convert_element_type3A_153, %dot_general3A_154 {dimension_numbers = #tpu.dot_dimension_numbers<[1], [1], [0], [0], [0, 0, 1, 0], [], []>, transpose_lhs_hint = false} : vector<80x128xf32>, vector<128x128xf32>, vector<80x128xf32> -> vector<80x128xf32>
    %add3A_156 = arith.addf %add3A_141, %dot_general3A_155 : vector<80x128xf32>
    %slice3A_157 = vector.extract_strided_slice %shift_right_logical3A_5 {offsets = [10, 0], sizes = [1, 128], strides = [1, 1]} : vector<32x128xi32> to vector<1x128xi32>
    %eq3A_158 = vector.broadcast %slice3A_157 : vector<1x128xi32> to vector<80x128xi32>
    %eq3A_159 = vector.broadcast %iota3A : vector<80x1xi32> to vector<80x128xi32>
    %eq3A_160 = arith.cmpi eq, %eq3A_158, %eq3A_159 : vector<80x128xi32>
    %convert_element_type3A_161 = arith.extui %eq3A_160 : vector<80x128xi1> to vector<80x128xi32>
    %convert_element_type3A_162 = arith.sitofp %convert_element_type3A_161 : vector<80x128xi32> to vector<80x128xf32>
    %slice3A_163 = vector.extract_strided_slice %and3A_7 {offsets = [10, 0], sizes = [1, 128], strides = [1, 1]} : vector<32x128xi32> to vector<1x128xi32>
    %eq3A_164 = vector.broadcast %slice3A_163 : vector<1x128xi32> to vector<128x128xi32>
    %eq3A_165 = vector.broadcast %iota3A_8 : vector<128x1xi32> to vector<128x128xi32>
    %eq3A_166 = arith.cmpi eq, %eq3A_164, %eq3A_165 : vector<128x128xi32>
    %convert_element_type3A_167 = arith.extui %eq3A_166 : vector<128x128xi1> to vector<128x128xi32>
    %convert_element_type3A_168 = arith.sitofp %convert_element_type3A_167 : vector<128x128xi32> to vector<128x128xf32>
    %dot_general3A_169 = arith.constant dense<0.000000e+00> : vector<80x128xf32>
    %dot_general3A_170 = tpu.matmul %convert_element_type3A_162, %convert_element_type3A_168, %dot_general3A_169 {dimension_numbers = #tpu.dot_dimension_numbers<[1], [1], [0], [0], [0, 0, 1, 0], [], []>, transpose_lhs_hint = false} : vector<80x128xf32>, vector<128x128xf32>, vector<80x128xf32> -> vector<80x128xf32>
    %add3A_171 = arith.addf %add3A_156, %dot_general3A_170 : vector<80x128xf32>
    %slice3A_172 = vector.extract_strided_slice %shift_right_logical3A_5 {offsets = [11, 0], sizes = [1, 128], strides = [1, 1]} : vector<32x128xi32> to vector<1x128xi32>
    %eq3A_173 = vector.broadcast %slice3A_172 : vector<1x128xi32> to vector<80x128xi32>
    %eq3A_174 = vector.broadcast %iota3A : vector<80x1xi32> to vector<80x128xi32>
    %eq3A_175 = arith.cmpi eq, %eq3A_173, %eq3A_174 : vector<80x128xi32>
    %convert_element_type3A_176 = arith.extui %eq3A_175 : vector<80x128xi1> to vector<80x128xi32>
    %convert_element_type3A_177 = arith.sitofp %convert_element_type3A_176 : vector<80x128xi32> to vector<80x128xf32>
    %slice3A_178 = vector.extract_strided_slice %and3A_7 {offsets = [11, 0], sizes = [1, 128], strides = [1, 1]} : vector<32x128xi32> to vector<1x128xi32>
    %eq3A_179 = vector.broadcast %slice3A_178 : vector<1x128xi32> to vector<128x128xi32>
    %eq3A_180 = vector.broadcast %iota3A_8 : vector<128x1xi32> to vector<128x128xi32>
    %eq3A_181 = arith.cmpi eq, %eq3A_179, %eq3A_180 : vector<128x128xi32>
    %convert_element_type3A_182 = arith.extui %eq3A_181 : vector<128x128xi1> to vector<128x128xi32>
    %convert_element_type3A_183 = arith.sitofp %convert_element_type3A_182 : vector<128x128xi32> to vector<128x128xf32>
    %dot_general3A_184 = arith.constant dense<0.000000e+00> : vector<80x128xf32>
    %dot_general3A_185 = tpu.matmul %convert_element_type3A_177, %convert_element_type3A_183, %dot_general3A_184 {dimension_numbers = #tpu.dot_dimension_numbers<[1], [1], [0], [0], [0, 0, 1, 0], [], []>, transpose_lhs_hint = false} : vector<80x128xf32>, vector<128x128xf32>, vector<80x128xf32> -> vector<80x128xf32>
    %add3A_186 = arith.addf %add3A_171, %dot_general3A_185 : vector<80x128xf32>
    %slice3A_187 = vector.extract_strided_slice %shift_right_logical3A_5 {offsets = [12, 0], sizes = [1, 128], strides = [1, 1]} : vector<32x128xi32> to vector<1x128xi32>
    %eq3A_188 = vector.broadcast %slice3A_187 : vector<1x128xi32> to vector<80x128xi32>
    %eq3A_189 = vector.broadcast %iota3A : vector<80x1xi32> to vector<80x128xi32>
    %eq3A_190 = arith.cmpi eq, %eq3A_188, %eq3A_189 : vector<80x128xi32>
    %convert_element_type3A_191 = arith.extui %eq3A_190 : vector<80x128xi1> to vector<80x128xi32>
    %convert_element_type3A_192 = arith.sitofp %convert_element_type3A_191 : vector<80x128xi32> to vector<80x128xf32>
    %slice3A_193 = vector.extract_strided_slice %and3A_7 {offsets = [12, 0], sizes = [1, 128], strides = [1, 1]} : vector<32x128xi32> to vector<1x128xi32>
    %eq3A_194 = vector.broadcast %slice3A_193 : vector<1x128xi32> to vector<128x128xi32>
    %eq3A_195 = vector.broadcast %iota3A_8 : vector<128x1xi32> to vector<128x128xi32>
    %eq3A_196 = arith.cmpi eq, %eq3A_194, %eq3A_195 : vector<128x128xi32>
    %convert_element_type3A_197 = arith.extui %eq3A_196 : vector<128x128xi1> to vector<128x128xi32>
    %convert_element_type3A_198 = arith.sitofp %convert_element_type3A_197 : vector<128x128xi32> to vector<128x128xf32>
    %dot_general3A_199 = arith.constant dense<0.000000e+00> : vector<80x128xf32>
    %dot_general3A_200 = tpu.matmul %convert_element_type3A_192, %convert_element_type3A_198, %dot_general3A_199 {dimension_numbers = #tpu.dot_dimension_numbers<[1], [1], [0], [0], [0, 0, 1, 0], [], []>, transpose_lhs_hint = false} : vector<80x128xf32>, vector<128x128xf32>, vector<80x128xf32> -> vector<80x128xf32>
    %add3A_201 = arith.addf %add3A_186, %dot_general3A_200 : vector<80x128xf32>
    %slice3A_202 = vector.extract_strided_slice %shift_right_logical3A_5 {offsets = [13, 0], sizes = [1, 128], strides = [1, 1]} : vector<32x128xi32> to vector<1x128xi32>
    %eq3A_203 = vector.broadcast %slice3A_202 : vector<1x128xi32> to vector<80x128xi32>
    %eq3A_204 = vector.broadcast %iota3A : vector<80x1xi32> to vector<80x128xi32>
    %eq3A_205 = arith.cmpi eq, %eq3A_203, %eq3A_204 : vector<80x128xi32>
    %convert_element_type3A_206 = arith.extui %eq3A_205 : vector<80x128xi1> to vector<80x128xi32>
    %convert_element_type3A_207 = arith.sitofp %convert_element_type3A_206 : vector<80x128xi32> to vector<80x128xf32>
    %slice3A_208 = vector.extract_strided_slice %and3A_7 {offsets = [13, 0], sizes = [1, 128], strides = [1, 1]} : vector<32x128xi32> to vector<1x128xi32>
    %eq3A_209 = vector.broadcast %slice3A_208 : vector<1x128xi32> to vector<128x128xi32>
    %eq3A_210 = vector.broadcast %iota3A_8 : vector<128x1xi32> to vector<128x128xi32>
    %eq3A_211 = arith.cmpi eq, %eq3A_209, %eq3A_210 : vector<128x128xi32>
    %convert_element_type3A_212 = arith.extui %eq3A_211 : vector<128x128xi1> to vector<128x128xi32>
    %convert_element_type3A_213 = arith.sitofp %convert_element_type3A_212 : vector<128x128xi32> to vector<128x128xf32>
    %dot_general3A_214 = arith.constant dense<0.000000e+00> : vector<80x128xf32>
    %dot_general3A_215 = tpu.matmul %convert_element_type3A_207, %convert_element_type3A_213, %dot_general3A_214 {dimension_numbers = #tpu.dot_dimension_numbers<[1], [1], [0], [0], [0, 0, 1, 0], [], []>, transpose_lhs_hint = false} : vector<80x128xf32>, vector<128x128xf32>, vector<80x128xf32> -> vector<80x128xf32>
    %add3A_216 = arith.addf %add3A_201, %dot_general3A_215 : vector<80x128xf32>
    %slice3A_217 = vector.extract_strided_slice %shift_right_logical3A_5 {offsets = [14, 0], sizes = [1, 128], strides = [1, 1]} : vector<32x128xi32> to vector<1x128xi32>
    %eq3A_218 = vector.broadcast %slice3A_217 : vector<1x128xi32> to vector<80x128xi32>
    %eq3A_219 = vector.broadcast %iota3A : vector<80x1xi32> to vector<80x128xi32>
    %eq3A_220 = arith.cmpi eq, %eq3A_218, %eq3A_219 : vector<80x128xi32>
    %convert_element_type3A_221 = arith.extui %eq3A_220 : vector<80x128xi1> to vector<80x128xi32>
    %convert_element_type3A_222 = arith.sitofp %convert_element_type3A_221 : vector<80x128xi32> to vector<80x128xf32>
    %slice3A_223 = vector.extract_strided_slice %and3A_7 {offsets = [14, 0], sizes = [1, 128], strides = [1, 1]} : vector<32x128xi32> to vector<1x128xi32>
    %eq3A_224 = vector.broadcast %slice3A_223 : vector<1x128xi32> to vector<128x128xi32>
    %eq3A_225 = vector.broadcast %iota3A_8 : vector<128x1xi32> to vector<128x128xi32>
    %eq3A_226 = arith.cmpi eq, %eq3A_224, %eq3A_225 : vector<128x128xi32>
    %convert_element_type3A_227 = arith.extui %eq3A_226 : vector<128x128xi1> to vector<128x128xi32>
    %convert_element_type3A_228 = arith.sitofp %convert_element_type3A_227 : vector<128x128xi32> to vector<128x128xf32>
    %dot_general3A_229 = arith.constant dense<0.000000e+00> : vector<80x128xf32>
    %dot_general3A_230 = tpu.matmul %convert_element_type3A_222, %convert_element_type3A_228, %dot_general3A_229 {dimension_numbers = #tpu.dot_dimension_numbers<[1], [1], [0], [0], [0, 0, 1, 0], [], []>, transpose_lhs_hint = false} : vector<80x128xf32>, vector<128x128xf32>, vector<80x128xf32> -> vector<80x128xf32>
    %add3A_231 = arith.addf %add3A_216, %dot_general3A_230 : vector<80x128xf32>
    %slice3A_232 = vector.extract_strided_slice %shift_right_logical3A_5 {offsets = [15, 0], sizes = [1, 128], strides = [1, 1]} : vector<32x128xi32> to vector<1x128xi32>
    %eq3A_233 = vector.broadcast %slice3A_232 : vector<1x128xi32> to vector<80x128xi32>
    %eq3A_234 = vector.broadcast %iota3A : vector<80x1xi32> to vector<80x128xi32>
    %eq3A_235 = arith.cmpi eq, %eq3A_233, %eq3A_234 : vector<80x128xi32>
    %convert_element_type3A_236 = arith.extui %eq3A_235 : vector<80x128xi1> to vector<80x128xi32>
    %convert_element_type3A_237 = arith.sitofp %convert_element_type3A_236 : vector<80x128xi32> to vector<80x128xf32>
    %slice3A_238 = vector.extract_strided_slice %and3A_7 {offsets = [15, 0], sizes = [1, 128], strides = [1, 1]} : vector<32x128xi32> to vector<1x128xi32>
    %eq3A_239 = vector.broadcast %slice3A_238 : vector<1x128xi32> to vector<128x128xi32>
    %eq3A_240 = vector.broadcast %iota3A_8 : vector<128x1xi32> to vector<128x128xi32>
    %eq3A_241 = arith.cmpi eq, %eq3A_239, %eq3A_240 : vector<128x128xi32>
    %convert_element_type3A_242 = arith.extui %eq3A_241 : vector<128x128xi1> to vector<128x128xi32>
    %convert_element_type3A_243 = arith.sitofp %convert_element_type3A_242 : vector<128x128xi32> to vector<128x128xf32>
    %dot_general3A_244 = arith.constant dense<0.000000e+00> : vector<80x128xf32>
    %dot_general3A_245 = tpu.matmul %convert_element_type3A_237, %convert_element_type3A_243, %dot_general3A_244 {dimension_numbers = #tpu.dot_dimension_numbers<[1], [1], [0], [0], [0, 0, 1, 0], [], []>, transpose_lhs_hint = false} : vector<80x128xf32>, vector<128x128xf32>, vector<80x128xf32> -> vector<80x128xf32>
    %add3A_246 = arith.addf %add3A_231, %dot_general3A_245 : vector<80x128xf32>
    %slice3A_247 = vector.extract_strided_slice %shift_right_logical3A_5 {offsets = [16, 0], sizes = [1, 128], strides = [1, 1]} : vector<32x128xi32> to vector<1x128xi32>
    %eq3A_248 = vector.broadcast %slice3A_247 : vector<1x128xi32> to vector<80x128xi32>
    %eq3A_249 = vector.broadcast %iota3A : vector<80x1xi32> to vector<80x128xi32>
    %eq3A_250 = arith.cmpi eq, %eq3A_248, %eq3A_249 : vector<80x128xi32>
    %convert_element_type3A_251 = arith.extui %eq3A_250 : vector<80x128xi1> to vector<80x128xi32>
    %convert_element_type3A_252 = arith.sitofp %convert_element_type3A_251 : vector<80x128xi32> to vector<80x128xf32>
    %slice3A_253 = vector.extract_strided_slice %and3A_7 {offsets = [16, 0], sizes = [1, 128], strides = [1, 1]} : vector<32x128xi32> to vector<1x128xi32>
    %eq3A_254 = vector.broadcast %slice3A_253 : vector<1x128xi32> to vector<128x128xi32>
    %eq3A_255 = vector.broadcast %iota3A_8 : vector<128x1xi32> to vector<128x128xi32>
    %eq3A_256 = arith.cmpi eq, %eq3A_254, %eq3A_255 : vector<128x128xi32>
    %convert_element_type3A_257 = arith.extui %eq3A_256 : vector<128x128xi1> to vector<128x128xi32>
    %convert_element_type3A_258 = arith.sitofp %convert_element_type3A_257 : vector<128x128xi32> to vector<128x128xf32>
    %dot_general3A_259 = arith.constant dense<0.000000e+00> : vector<80x128xf32>
    %dot_general3A_260 = tpu.matmul %convert_element_type3A_252, %convert_element_type3A_258, %dot_general3A_259 {dimension_numbers = #tpu.dot_dimension_numbers<[1], [1], [0], [0], [0, 0, 1, 0], [], []>, transpose_lhs_hint = false} : vector<80x128xf32>, vector<128x128xf32>, vector<80x128xf32> -> vector<80x128xf32>
    %add3A_261 = arith.addf %add3A_246, %dot_general3A_260 : vector<80x128xf32>
    %slice3A_262 = vector.extract_strided_slice %shift_right_logical3A_5 {offsets = [17, 0], sizes = [1, 128], strides = [1, 1]} : vector<32x128xi32> to vector<1x128xi32>
    %eq3A_263 = vector.broadcast %slice3A_262 : vector<1x128xi32> to vector<80x128xi32>
    %eq3A_264 = vector.broadcast %iota3A : vector<80x1xi32> to vector<80x128xi32>
    %eq3A_265 = arith.cmpi eq, %eq3A_263, %eq3A_264 : vector<80x128xi32>
    %convert_element_type3A_266 = arith.extui %eq3A_265 : vector<80x128xi1> to vector<80x128xi32>
    %convert_element_type3A_267 = arith.sitofp %convert_element_type3A_266 : vector<80x128xi32> to vector<80x128xf32>
    %slice3A_268 = vector.extract_strided_slice %and3A_7 {offsets = [17, 0], sizes = [1, 128], strides = [1, 1]} : vector<32x128xi32> to vector<1x128xi32>
    %eq3A_269 = vector.broadcast %slice3A_268 : vector<1x128xi32> to vector<128x128xi32>
    %eq3A_270 = vector.broadcast %iota3A_8 : vector<128x1xi32> to vector<128x128xi32>
    %eq3A_271 = arith.cmpi eq, %eq3A_269, %eq3A_270 : vector<128x128xi32>
    %convert_element_type3A_272 = arith.extui %eq3A_271 : vector<128x128xi1> to vector<128x128xi32>
    %convert_element_type3A_273 = arith.sitofp %convert_element_type3A_272 : vector<128x128xi32> to vector<128x128xf32>
    %dot_general3A_274 = arith.constant dense<0.000000e+00> : vector<80x128xf32>
    %dot_general3A_275 = tpu.matmul %convert_element_type3A_267, %convert_element_type3A_273, %dot_general3A_274 {dimension_numbers = #tpu.dot_dimension_numbers<[1], [1], [0], [0], [0, 0, 1, 0], [], []>, transpose_lhs_hint = false} : vector<80x128xf32>, vector<128x128xf32>, vector<80x128xf32> -> vector<80x128xf32>
    %add3A_276 = arith.addf %add3A_261, %dot_general3A_275 : vector<80x128xf32>
    %slice3A_277 = vector.extract_strided_slice %shift_right_logical3A_5 {offsets = [18, 0], sizes = [1, 128], strides = [1, 1]} : vector<32x128xi32> to vector<1x128xi32>
    %eq3A_278 = vector.broadcast %slice3A_277 : vector<1x128xi32> to vector<80x128xi32>
    %eq3A_279 = vector.broadcast %iota3A : vector<80x1xi32> to vector<80x128xi32>
    %eq3A_280 = arith.cmpi eq, %eq3A_278, %eq3A_279 : vector<80x128xi32>
    %convert_element_type3A_281 = arith.extui %eq3A_280 : vector<80x128xi1> to vector<80x128xi32>
    %convert_element_type3A_282 = arith.sitofp %convert_element_type3A_281 : vector<80x128xi32> to vector<80x128xf32>
    %slice3A_283 = vector.extract_strided_slice %and3A_7 {offsets = [18, 0], sizes = [1, 128], strides = [1, 1]} : vector<32x128xi32> to vector<1x128xi32>
    %eq3A_284 = vector.broadcast %slice3A_283 : vector<1x128xi32> to vector<128x128xi32>
    %eq3A_285 = vector.broadcast %iota3A_8 : vector<128x1xi32> to vector<128x128xi32>
    %eq3A_286 = arith.cmpi eq, %eq3A_284, %eq3A_285 : vector<128x128xi32>
    %convert_element_type3A_287 = arith.extui %eq3A_286 : vector<128x128xi1> to vector<128x128xi32>
    %convert_element_type3A_288 = arith.sitofp %convert_element_type3A_287 : vector<128x128xi32> to vector<128x128xf32>
    %dot_general3A_289 = arith.constant dense<0.000000e+00> : vector<80x128xf32>
    %dot_general3A_290 = tpu.matmul %convert_element_type3A_282, %convert_element_type3A_288, %dot_general3A_289 {dimension_numbers = #tpu.dot_dimension_numbers<[1], [1], [0], [0], [0, 0, 1, 0], [], []>, transpose_lhs_hint = false} : vector<80x128xf32>, vector<128x128xf32>, vector<80x128xf32> -> vector<80x128xf32>
    %add3A_291 = arith.addf %add3A_276, %dot_general3A_290 : vector<80x128xf32>
    %slice3A_292 = vector.extract_strided_slice %shift_right_logical3A_5 {offsets = [19, 0], sizes = [1, 128], strides = [1, 1]} : vector<32x128xi32> to vector<1x128xi32>
    %eq3A_293 = vector.broadcast %slice3A_292 : vector<1x128xi32> to vector<80x128xi32>
    %eq3A_294 = vector.broadcast %iota3A : vector<80x1xi32> to vector<80x128xi32>
    %eq3A_295 = arith.cmpi eq, %eq3A_293, %eq3A_294 : vector<80x128xi32>
    %convert_element_type3A_296 = arith.extui %eq3A_295 : vector<80x128xi1> to vector<80x128xi32>
    %convert_element_type3A_297 = arith.sitofp %convert_element_type3A_296 : vector<80x128xi32> to vector<80x128xf32>
    %slice3A_298 = vector.extract_strided_slice %and3A_7 {offsets = [19, 0], sizes = [1, 128], strides = [1, 1]} : vector<32x128xi32> to vector<1x128xi32>
    %eq3A_299 = vector.broadcast %slice3A_298 : vector<1x128xi32> to vector<128x128xi32>
    %eq3A_300 = vector.broadcast %iota3A_8 : vector<128x1xi32> to vector<128x128xi32>
    %eq3A_301 = arith.cmpi eq, %eq3A_299, %eq3A_300 : vector<128x128xi32>
    %convert_element_type3A_302 = arith.extui %eq3A_301 : vector<128x128xi1> to vector<128x128xi32>
    %convert_element_type3A_303 = arith.sitofp %convert_element_type3A_302 : vector<128x128xi32> to vector<128x128xf32>
    %dot_general3A_304 = arith.constant dense<0.000000e+00> : vector<80x128xf32>
    %dot_general3A_305 = tpu.matmul %convert_element_type3A_297, %convert_element_type3A_303, %dot_general3A_304 {dimension_numbers = #tpu.dot_dimension_numbers<[1], [1], [0], [0], [0, 0, 1, 0], [], []>, transpose_lhs_hint = false} : vector<80x128xf32>, vector<128x128xf32>, vector<80x128xf32> -> vector<80x128xf32>
    %add3A_306 = arith.addf %add3A_291, %dot_general3A_305 : vector<80x128xf32>
    %slice3A_307 = vector.extract_strided_slice %shift_right_logical3A_5 {offsets = [20, 0], sizes = [1, 128], strides = [1, 1]} : vector<32x128xi32> to vector<1x128xi32>
    %eq3A_308 = vector.broadcast %slice3A_307 : vector<1x128xi32> to vector<80x128xi32>
    %eq3A_309 = vector.broadcast %iota3A : vector<80x1xi32> to vector<80x128xi32>
    %eq3A_310 = arith.cmpi eq, %eq3A_308, %eq3A_309 : vector<80x128xi32>
    %convert_element_type3A_311 = arith.extui %eq3A_310 : vector<80x128xi1> to vector<80x128xi32>
    %convert_element_type3A_312 = arith.sitofp %convert_element_type3A_311 : vector<80x128xi32> to vector<80x128xf32>
    %slice3A_313 = vector.extract_strided_slice %and3A_7 {offsets = [20, 0], sizes = [1, 128], strides = [1, 1]} : vector<32x128xi32> to vector<1x128xi32>
    %eq3A_314 = vector.broadcast %slice3A_313 : vector<1x128xi32> to vector<128x128xi32>
    %eq3A_315 = vector.broadcast %iota3A_8 : vector<128x1xi32> to vector<128x128xi32>
    %eq3A_316 = arith.cmpi eq, %eq3A_314, %eq3A_315 : vector<128x128xi32>
    %convert_element_type3A_317 = arith.extui %eq3A_316 : vector<128x128xi1> to vector<128x128xi32>
    %convert_element_type3A_318 = arith.sitofp %convert_element_type3A_317 : vector<128x128xi32> to vector<128x128xf32>
    %dot_general3A_319 = arith.constant dense<0.000000e+00> : vector<80x128xf32>
    %dot_general3A_320 = tpu.matmul %convert_element_type3A_312, %convert_element_type3A_318, %dot_general3A_319 {dimension_numbers = #tpu.dot_dimension_numbers<[1], [1], [0], [0], [0, 0, 1, 0], [], []>, transpose_lhs_hint = false} : vector<80x128xf32>, vector<128x128xf32>, vector<80x128xf32> -> vector<80x128xf32>
    %add3A_321 = arith.addf %add3A_306, %dot_general3A_320 : vector<80x128xf32>
    %slice3A_322 = vector.extract_strided_slice %shift_right_logical3A_5 {offsets = [21, 0], sizes = [1, 128], strides = [1, 1]} : vector<32x128xi32> to vector<1x128xi32>
    %eq3A_323 = vector.broadcast %slice3A_322 : vector<1x128xi32> to vector<80x128xi32>
    %eq3A_324 = vector.broadcast %iota3A : vector<80x1xi32> to vector<80x128xi32>
    %eq3A_325 = arith.cmpi eq, %eq3A_323, %eq3A_324 : vector<80x128xi32>
    %convert_element_type3A_326 = arith.extui %eq3A_325 : vector<80x128xi1> to vector<80x128xi32>
    %convert_element_type3A_327 = arith.sitofp %convert_element_type3A_326 : vector<80x128xi32> to vector<80x128xf32>
    %slice3A_328 = vector.extract_strided_slice %and3A_7 {offsets = [21, 0], sizes = [1, 128], strides = [1, 1]} : vector<32x128xi32> to vector<1x128xi32>
    %eq3A_329 = vector.broadcast %slice3A_328 : vector<1x128xi32> to vector<128x128xi32>
    %eq3A_330 = vector.broadcast %iota3A_8 : vector<128x1xi32> to vector<128x128xi32>
    %eq3A_331 = arith.cmpi eq, %eq3A_329, %eq3A_330 : vector<128x128xi32>
    %convert_element_type3A_332 = arith.extui %eq3A_331 : vector<128x128xi1> to vector<128x128xi32>
    %convert_element_type3A_333 = arith.sitofp %convert_element_type3A_332 : vector<128x128xi32> to vector<128x128xf32>
    %dot_general3A_334 = arith.constant dense<0.000000e+00> : vector<80x128xf32>
    %dot_general3A_335 = tpu.matmul %convert_element_type3A_327, %convert_element_type3A_333, %dot_general3A_334 {dimension_numbers = #tpu.dot_dimension_numbers<[1], [1], [0], [0], [0, 0, 1, 0], [], []>, transpose_lhs_hint = false} : vector<80x128xf32>, vector<128x128xf32>, vector<80x128xf32> -> vector<80x128xf32>
    %add3A_336 = arith.addf %add3A_321, %dot_general3A_335 : vector<80x128xf32>
    %slice3A_337 = vector.extract_strided_slice %shift_right_logical3A_5 {offsets = [22, 0], sizes = [1, 128], strides = [1, 1]} : vector<32x128xi32> to vector<1x128xi32>
    %eq3A_338 = vector.broadcast %slice3A_337 : vector<1x128xi32> to vector<80x128xi32>
    %eq3A_339 = vector.broadcast %iota3A : vector<80x1xi32> to vector<80x128xi32>
    %eq3A_340 = arith.cmpi eq, %eq3A_338, %eq3A_339 : vector<80x128xi32>
    %convert_element_type3A_341 = arith.extui %eq3A_340 : vector<80x128xi1> to vector<80x128xi32>
    %convert_element_type3A_342 = arith.sitofp %convert_element_type3A_341 : vector<80x128xi32> to vector<80x128xf32>
    %slice3A_343 = vector.extract_strided_slice %and3A_7 {offsets = [22, 0], sizes = [1, 128], strides = [1, 1]} : vector<32x128xi32> to vector<1x128xi32>
    %eq3A_344 = vector.broadcast %slice3A_343 : vector<1x128xi32> to vector<128x128xi32>
    %eq3A_345 = vector.broadcast %iota3A_8 : vector<128x1xi32> to vector<128x128xi32>
    %eq3A_346 = arith.cmpi eq, %eq3A_344, %eq3A_345 : vector<128x128xi32>
    %convert_element_type3A_347 = arith.extui %eq3A_346 : vector<128x128xi1> to vector<128x128xi32>
    %convert_element_type3A_348 = arith.sitofp %convert_element_type3A_347 : vector<128x128xi32> to vector<128x128xf32>
    %dot_general3A_349 = arith.constant dense<0.000000e+00> : vector<80x128xf32>
    %dot_general3A_350 = tpu.matmul %convert_element_type3A_342, %convert_element_type3A_348, %dot_general3A_349 {dimension_numbers = #tpu.dot_dimension_numbers<[1], [1], [0], [0], [0, 0, 1, 0], [], []>, transpose_lhs_hint = false} : vector<80x128xf32>, vector<128x128xf32>, vector<80x128xf32> -> vector<80x128xf32>
    %add3A_351 = arith.addf %add3A_336, %dot_general3A_350 : vector<80x128xf32>
    %slice3A_352 = vector.extract_strided_slice %shift_right_logical3A_5 {offsets = [23, 0], sizes = [1, 128], strides = [1, 1]} : vector<32x128xi32> to vector<1x128xi32>
    %eq3A_353 = vector.broadcast %slice3A_352 : vector<1x128xi32> to vector<80x128xi32>
    %eq3A_354 = vector.broadcast %iota3A : vector<80x1xi32> to vector<80x128xi32>
    %eq3A_355 = arith.cmpi eq, %eq3A_353, %eq3A_354 : vector<80x128xi32>
    %convert_element_type3A_356 = arith.extui %eq3A_355 : vector<80x128xi1> to vector<80x128xi32>
    %convert_element_type3A_357 = arith.sitofp %convert_element_type3A_356 : vector<80x128xi32> to vector<80x128xf32>
    %slice3A_358 = vector.extract_strided_slice %and3A_7 {offsets = [23, 0], sizes = [1, 128], strides = [1, 1]} : vector<32x128xi32> to vector<1x128xi32>
    %eq3A_359 = vector.broadcast %slice3A_358 : vector<1x128xi32> to vector<128x128xi32>
    %eq3A_360 = vector.broadcast %iota3A_8 : vector<128x1xi32> to vector<128x128xi32>
    %eq3A_361 = arith.cmpi eq, %eq3A_359, %eq3A_360 : vector<128x128xi32>
    %convert_element_type3A_362 = arith.extui %eq3A_361 : vector<128x128xi1> to vector<128x128xi32>
    %convert_element_type3A_363 = arith.sitofp %convert_element_type3A_362 : vector<128x128xi32> to vector<128x128xf32>
    %dot_general3A_364 = arith.constant dense<0.000000e+00> : vector<80x128xf32>
    %dot_general3A_365 = tpu.matmul %convert_element_type3A_357, %convert_element_type3A_363, %dot_general3A_364 {dimension_numbers = #tpu.dot_dimension_numbers<[1], [1], [0], [0], [0, 0, 1, 0], [], []>, transpose_lhs_hint = false} : vector<80x128xf32>, vector<128x128xf32>, vector<80x128xf32> -> vector<80x128xf32>
    %add3A_366 = arith.addf %add3A_351, %dot_general3A_365 : vector<80x128xf32>
    %slice3A_367 = vector.extract_strided_slice %shift_right_logical3A_5 {offsets = [24, 0], sizes = [1, 128], strides = [1, 1]} : vector<32x128xi32> to vector<1x128xi32>
    %eq3A_368 = vector.broadcast %slice3A_367 : vector<1x128xi32> to vector<80x128xi32>
    %eq3A_369 = vector.broadcast %iota3A : vector<80x1xi32> to vector<80x128xi32>
    %eq3A_370 = arith.cmpi eq, %eq3A_368, %eq3A_369 : vector<80x128xi32>
    %convert_element_type3A_371 = arith.extui %eq3A_370 : vector<80x128xi1> to vector<80x128xi32>
    %convert_element_type3A_372 = arith.sitofp %convert_element_type3A_371 : vector<80x128xi32> to vector<80x128xf32>
    %slice3A_373 = vector.extract_strided_slice %and3A_7 {offsets = [24, 0], sizes = [1, 128], strides = [1, 1]} : vector<32x128xi32> to vector<1x128xi32>
    %eq3A_374 = vector.broadcast %slice3A_373 : vector<1x128xi32> to vector<128x128xi32>
    %eq3A_375 = vector.broadcast %iota3A_8 : vector<128x1xi32> to vector<128x128xi32>
    %eq3A_376 = arith.cmpi eq, %eq3A_374, %eq3A_375 : vector<128x128xi32>
    %convert_element_type3A_377 = arith.extui %eq3A_376 : vector<128x128xi1> to vector<128x128xi32>
    %convert_element_type3A_378 = arith.sitofp %convert_element_type3A_377 : vector<128x128xi32> to vector<128x128xf32>
    %dot_general3A_379 = arith.constant dense<0.000000e+00> : vector<80x128xf32>
    %dot_general3A_380 = tpu.matmul %convert_element_type3A_372, %convert_element_type3A_378, %dot_general3A_379 {dimension_numbers = #tpu.dot_dimension_numbers<[1], [1], [0], [0], [0, 0, 1, 0], [], []>, transpose_lhs_hint = false} : vector<80x128xf32>, vector<128x128xf32>, vector<80x128xf32> -> vector<80x128xf32>
    %add3A_381 = arith.addf %add3A_366, %dot_general3A_380 : vector<80x128xf32>
    %slice3A_382 = vector.extract_strided_slice %shift_right_logical3A_5 {offsets = [25, 0], sizes = [1, 128], strides = [1, 1]} : vector<32x128xi32> to vector<1x128xi32>
    %eq3A_383 = vector.broadcast %slice3A_382 : vector<1x128xi32> to vector<80x128xi32>
    %eq3A_384 = vector.broadcast %iota3A : vector<80x1xi32> to vector<80x128xi32>
    %eq3A_385 = arith.cmpi eq, %eq3A_383, %eq3A_384 : vector<80x128xi32>
    %convert_element_type3A_386 = arith.extui %eq3A_385 : vector<80x128xi1> to vector<80x128xi32>
    %convert_element_type3A_387 = arith.sitofp %convert_element_type3A_386 : vector<80x128xi32> to vector<80x128xf32>
    %slice3A_388 = vector.extract_strided_slice %and3A_7 {offsets = [25, 0], sizes = [1, 128], strides = [1, 1]} : vector<32x128xi32> to vector<1x128xi32>
    %eq3A_389 = vector.broadcast %slice3A_388 : vector<1x128xi32> to vector<128x128xi32>
    %eq3A_390 = vector.broadcast %iota3A_8 : vector<128x1xi32> to vector<128x128xi32>
    %eq3A_391 = arith.cmpi eq, %eq3A_389, %eq3A_390 : vector<128x128xi32>
    %convert_element_type3A_392 = arith.extui %eq3A_391 : vector<128x128xi1> to vector<128x128xi32>
    %convert_element_type3A_393 = arith.sitofp %convert_element_type3A_392 : vector<128x128xi32> to vector<128x128xf32>
    %dot_general3A_394 = arith.constant dense<0.000000e+00> : vector<80x128xf32>
    %dot_general3A_395 = tpu.matmul %convert_element_type3A_387, %convert_element_type3A_393, %dot_general3A_394 {dimension_numbers = #tpu.dot_dimension_numbers<[1], [1], [0], [0], [0, 0, 1, 0], [], []>, transpose_lhs_hint = false} : vector<80x128xf32>, vector<128x128xf32>, vector<80x128xf32> -> vector<80x128xf32>
    %add3A_396 = arith.addf %add3A_381, %dot_general3A_395 : vector<80x128xf32>
    %slice3A_397 = vector.extract_strided_slice %shift_right_logical3A_5 {offsets = [26, 0], sizes = [1, 128], strides = [1, 1]} : vector<32x128xi32> to vector<1x128xi32>
    %eq3A_398 = vector.broadcast %slice3A_397 : vector<1x128xi32> to vector<80x128xi32>
    %eq3A_399 = vector.broadcast %iota3A : vector<80x1xi32> to vector<80x128xi32>
    %eq3A_400 = arith.cmpi eq, %eq3A_398, %eq3A_399 : vector<80x128xi32>
    %convert_element_type3A_401 = arith.extui %eq3A_400 : vector<80x128xi1> to vector<80x128xi32>
    %convert_element_type3A_402 = arith.sitofp %convert_element_type3A_401 : vector<80x128xi32> to vector<80x128xf32>
    %slice3A_403 = vector.extract_strided_slice %and3A_7 {offsets = [26, 0], sizes = [1, 128], strides = [1, 1]} : vector<32x128xi32> to vector<1x128xi32>
    %eq3A_404 = vector.broadcast %slice3A_403 : vector<1x128xi32> to vector<128x128xi32>
    %eq3A_405 = vector.broadcast %iota3A_8 : vector<128x1xi32> to vector<128x128xi32>
    %eq3A_406 = arith.cmpi eq, %eq3A_404, %eq3A_405 : vector<128x128xi32>
    %convert_element_type3A_407 = arith.extui %eq3A_406 : vector<128x128xi1> to vector<128x128xi32>
    %convert_element_type3A_408 = arith.sitofp %convert_element_type3A_407 : vector<128x128xi32> to vector<128x128xf32>
    %dot_general3A_409 = arith.constant dense<0.000000e+00> : vector<80x128xf32>
    %dot_general3A_410 = tpu.matmul %convert_element_type3A_402, %convert_element_type3A_408, %dot_general3A_409 {dimension_numbers = #tpu.dot_dimension_numbers<[1], [1], [0], [0], [0, 0, 1, 0], [], []>, transpose_lhs_hint = false} : vector<80x128xf32>, vector<128x128xf32>, vector<80x128xf32> -> vector<80x128xf32>
    %add3A_411 = arith.addf %add3A_396, %dot_general3A_410 : vector<80x128xf32>
    %slice3A_412 = vector.extract_strided_slice %shift_right_logical3A_5 {offsets = [27, 0], sizes = [1, 128], strides = [1, 1]} : vector<32x128xi32> to vector<1x128xi32>
    %eq3A_413 = vector.broadcast %slice3A_412 : vector<1x128xi32> to vector<80x128xi32>
    %eq3A_414 = vector.broadcast %iota3A : vector<80x1xi32> to vector<80x128xi32>
    %eq3A_415 = arith.cmpi eq, %eq3A_413, %eq3A_414 : vector<80x128xi32>
    %convert_element_type3A_416 = arith.extui %eq3A_415 : vector<80x128xi1> to vector<80x128xi32>
    %convert_element_type3A_417 = arith.sitofp %convert_element_type3A_416 : vector<80x128xi32> to vector<80x128xf32>
    %slice3A_418 = vector.extract_strided_slice %and3A_7 {offsets = [27, 0], sizes = [1, 128], strides = [1, 1]} : vector<32x128xi32> to vector<1x128xi32>
    %eq3A_419 = vector.broadcast %slice3A_418 : vector<1x128xi32> to vector<128x128xi32>
    %eq3A_420 = vector.broadcast %iota3A_8 : vector<128x1xi32> to vector<128x128xi32>
    %eq3A_421 = arith.cmpi eq, %eq3A_419, %eq3A_420 : vector<128x128xi32>
    %convert_element_type3A_422 = arith.extui %eq3A_421 : vector<128x128xi1> to vector<128x128xi32>
    %convert_element_type3A_423 = arith.sitofp %convert_element_type3A_422 : vector<128x128xi32> to vector<128x128xf32>
    %dot_general3A_424 = arith.constant dense<0.000000e+00> : vector<80x128xf32>
    %dot_general3A_425 = tpu.matmul %convert_element_type3A_417, %convert_element_type3A_423, %dot_general3A_424 {dimension_numbers = #tpu.dot_dimension_numbers<[1], [1], [0], [0], [0, 0, 1, 0], [], []>, transpose_lhs_hint = false} : vector<80x128xf32>, vector<128x128xf32>, vector<80x128xf32> -> vector<80x128xf32>
    %add3A_426 = arith.addf %add3A_411, %dot_general3A_425 : vector<80x128xf32>
    %slice3A_427 = vector.extract_strided_slice %shift_right_logical3A_5 {offsets = [28, 0], sizes = [1, 128], strides = [1, 1]} : vector<32x128xi32> to vector<1x128xi32>
    %eq3A_428 = vector.broadcast %slice3A_427 : vector<1x128xi32> to vector<80x128xi32>
    %eq3A_429 = vector.broadcast %iota3A : vector<80x1xi32> to vector<80x128xi32>
    %eq3A_430 = arith.cmpi eq, %eq3A_428, %eq3A_429 : vector<80x128xi32>
    %convert_element_type3A_431 = arith.extui %eq3A_430 : vector<80x128xi1> to vector<80x128xi32>
    %convert_element_type3A_432 = arith.sitofp %convert_element_type3A_431 : vector<80x128xi32> to vector<80x128xf32>
    %slice3A_433 = vector.extract_strided_slice %and3A_7 {offsets = [28, 0], sizes = [1, 128], strides = [1, 1]} : vector<32x128xi32> to vector<1x128xi32>
    %eq3A_434 = vector.broadcast %slice3A_433 : vector<1x128xi32> to vector<128x128xi32>
    %eq3A_435 = vector.broadcast %iota3A_8 : vector<128x1xi32> to vector<128x128xi32>
    %eq3A_436 = arith.cmpi eq, %eq3A_434, %eq3A_435 : vector<128x128xi32>
    %convert_element_type3A_437 = arith.extui %eq3A_436 : vector<128x128xi1> to vector<128x128xi32>
    %convert_element_type3A_438 = arith.sitofp %convert_element_type3A_437 : vector<128x128xi32> to vector<128x128xf32>
    %dot_general3A_439 = arith.constant dense<0.000000e+00> : vector<80x128xf32>
    %dot_general3A_440 = tpu.matmul %convert_element_type3A_432, %convert_element_type3A_438, %dot_general3A_439 {dimension_numbers = #tpu.dot_dimension_numbers<[1], [1], [0], [0], [0, 0, 1, 0], [], []>, transpose_lhs_hint = false} : vector<80x128xf32>, vector<128x128xf32>, vector<80x128xf32> -> vector<80x128xf32>
    %add3A_441 = arith.addf %add3A_426, %dot_general3A_440 : vector<80x128xf32>
    %slice3A_442 = vector.extract_strided_slice %shift_right_logical3A_5 {offsets = [29, 0], sizes = [1, 128], strides = [1, 1]} : vector<32x128xi32> to vector<1x128xi32>
    %eq3A_443 = vector.broadcast %slice3A_442 : vector<1x128xi32> to vector<80x128xi32>
    %eq3A_444 = vector.broadcast %iota3A : vector<80x1xi32> to vector<80x128xi32>
    %eq3A_445 = arith.cmpi eq, %eq3A_443, %eq3A_444 : vector<80x128xi32>
    %convert_element_type3A_446 = arith.extui %eq3A_445 : vector<80x128xi1> to vector<80x128xi32>
    %convert_element_type3A_447 = arith.sitofp %convert_element_type3A_446 : vector<80x128xi32> to vector<80x128xf32>
    %slice3A_448 = vector.extract_strided_slice %and3A_7 {offsets = [29, 0], sizes = [1, 128], strides = [1, 1]} : vector<32x128xi32> to vector<1x128xi32>
    %eq3A_449 = vector.broadcast %slice3A_448 : vector<1x128xi32> to vector<128x128xi32>
    %eq3A_450 = vector.broadcast %iota3A_8 : vector<128x1xi32> to vector<128x128xi32>
    %eq3A_451 = arith.cmpi eq, %eq3A_449, %eq3A_450 : vector<128x128xi32>
    %convert_element_type3A_452 = arith.extui %eq3A_451 : vector<128x128xi1> to vector<128x128xi32>
    %convert_element_type3A_453 = arith.sitofp %convert_element_type3A_452 : vector<128x128xi32> to vector<128x128xf32>
    %dot_general3A_454 = arith.constant dense<0.000000e+00> : vector<80x128xf32>
    %dot_general3A_455 = tpu.matmul %convert_element_type3A_447, %convert_element_type3A_453, %dot_general3A_454 {dimension_numbers = #tpu.dot_dimension_numbers<[1], [1], [0], [0], [0, 0, 1, 0], [], []>, transpose_lhs_hint = false} : vector<80x128xf32>, vector<128x128xf32>, vector<80x128xf32> -> vector<80x128xf32>
    %add3A_456 = arith.addf %add3A_441, %dot_general3A_455 : vector<80x128xf32>
    %slice3A_457 = vector.extract_strided_slice %shift_right_logical3A_5 {offsets = [30, 0], sizes = [1, 128], strides = [1, 1]} : vector<32x128xi32> to vector<1x128xi32>
    %eq3A_458 = vector.broadcast %slice3A_457 : vector<1x128xi32> to vector<80x128xi32>
    %eq3A_459 = vector.broadcast %iota3A : vector<80x1xi32> to vector<80x128xi32>
    %eq3A_460 = arith.cmpi eq, %eq3A_458, %eq3A_459 : vector<80x128xi32>
    %convert_element_type3A_461 = arith.extui %eq3A_460 : vector<80x128xi1> to vector<80x128xi32>
    %convert_element_type3A_462 = arith.sitofp %convert_element_type3A_461 : vector<80x128xi32> to vector<80x128xf32>
    %slice3A_463 = vector.extract_strided_slice %and3A_7 {offsets = [30, 0], sizes = [1, 128], strides = [1, 1]} : vector<32x128xi32> to vector<1x128xi32>
    %eq3A_464 = vector.broadcast %slice3A_463 : vector<1x128xi32> to vector<128x128xi32>
    %eq3A_465 = vector.broadcast %iota3A_8 : vector<128x1xi32> to vector<128x128xi32>
    %eq3A_466 = arith.cmpi eq, %eq3A_464, %eq3A_465 : vector<128x128xi32>
    %convert_element_type3A_467 = arith.extui %eq3A_466 : vector<128x128xi1> to vector<128x128xi32>
    %convert_element_type3A_468 = arith.sitofp %convert_element_type3A_467 : vector<128x128xi32> to vector<128x128xf32>
    %dot_general3A_469 = arith.constant dense<0.000000e+00> : vector<80x128xf32>
    %dot_general3A_470 = tpu.matmul %convert_element_type3A_462, %convert_element_type3A_468, %dot_general3A_469 {dimension_numbers = #tpu.dot_dimension_numbers<[1], [1], [0], [0], [0, 0, 1, 0], [], []>, transpose_lhs_hint = false} : vector<80x128xf32>, vector<128x128xf32>, vector<80x128xf32> -> vector<80x128xf32>
    %add3A_471 = arith.addf %add3A_456, %dot_general3A_470 : vector<80x128xf32>
    %slice3A_472 = vector.extract_strided_slice %shift_right_logical3A_5 {offsets = [31, 0], sizes = [1, 128], strides = [1, 1]} : vector<32x128xi32> to vector<1x128xi32>
    %eq3A_473 = vector.broadcast %slice3A_472 : vector<1x128xi32> to vector<80x128xi32>
    %eq3A_474 = vector.broadcast %iota3A : vector<80x1xi32> to vector<80x128xi32>
    %eq3A_475 = arith.cmpi eq, %eq3A_473, %eq3A_474 : vector<80x128xi32>
    %convert_element_type3A_476 = arith.extui %eq3A_475 : vector<80x128xi1> to vector<80x128xi32>
    %convert_element_type3A_477 = arith.sitofp %convert_element_type3A_476 : vector<80x128xi32> to vector<80x128xf32>
    %slice3A_478 = vector.extract_strided_slice %and3A_7 {offsets = [31, 0], sizes = [1, 128], strides = [1, 1]} : vector<32x128xi32> to vector<1x128xi32>
    %eq3A_479 = vector.broadcast %slice3A_478 : vector<1x128xi32> to vector<128x128xi32>
    %eq3A_480 = vector.broadcast %iota3A_8 : vector<128x1xi32> to vector<128x128xi32>
    %eq3A_481 = arith.cmpi eq, %eq3A_479, %eq3A_480 : vector<128x128xi32>
    %convert_element_type3A_482 = arith.extui %eq3A_481 : vector<128x128xi1> to vector<128x128xi32>
    %convert_element_type3A_483 = arith.sitofp %convert_element_type3A_482 : vector<128x128xi32> to vector<128x128xf32>
    %dot_general3A_484 = arith.constant dense<0.000000e+00> : vector<80x128xf32>
    %dot_general3A_485 = tpu.matmul %convert_element_type3A_477, %convert_element_type3A_483, %dot_general3A_484 {dimension_numbers = #tpu.dot_dimension_numbers<[1], [1], [0], [0], [0, 0, 1, 0], [], []>, transpose_lhs_hint = false} : vector<80x128xf32>, vector<128x128xf32>, vector<80x128xf32> -> vector<80x128xf32>
    %add3A_486 = arith.addf %add3A_471, %dot_general3A_485 : vector<80x128xf32>
    %get3A_487 = arith.constant 0 : index
    %get3A_488 = arith.constant 0 : index
    %get3A_489 = vector.load %arg3[%get3A_487, %get3A_488] : memref<80x128xf32, #tpu.memory_space<vmem>>, vector<80x128xf32>
    %add3A_490 = arith.addf %get3A_489, %add3A_486 : vector<80x128xf32>
    %swap3A = arith.constant 0 : index
    %swap3A_491 = arith.constant 0 : index
    %swap3A_492 = vector.load %arg3[%swap3A, %swap3A_491] : memref<80x128xf32, #tpu.memory_space<vmem>>, vector<80x128xf32>
    tpu.vector_store %arg3[%swap3A, %swap3A_491], %add3A_490 {strides = array<i32>} : memref<80x128xf32, #tpu.memory_space<vmem>>, vector<80x128xf32>,
    %eq3A_493 = arith.constant 79 : i32
    %eq3A_494 = arith.cmpi eq, %arg0, %eq3A_493 : i32
    %convert_element_type3A_495 = arith.extui %eq3A_494 : i1 to i32
    %cond3A_496 = arith.constant 0 : i32
    %cond3A_497 = arith.cmpi ne, %convert_element_type3A_495, %cond3A_496 : i32
    scf.if %cond3A_497 {
      %get3A_498 = arith.constant 0 : index
      %get3A_499 = arith.constant 0 : index
      %get3A_500 = vector.load %arg3[%get3A_498, %get3A_499] : memref<80x128xf32, #tpu.memory_space<vmem>>, vector<80x128xf32>
      %add3A_501 = arith.constant 1.000000e+00 : f32
      %add3A_502 = vector.broadcast %add3A_501 : f32 to vector<80x128xf32>
      %add3A_503 = arith.addf %get3A_500, %add3A_502 : vector<80x128xf32>
      %rsqrt3A = math.rsqrt %add3A_503 : vector<80x128xf32>
      %swap3A_504 = arith.constant 0 : index
      %swap3A_505 = arith.constant 0 : index
      %swap3A_506 = vector.load %arg2[%swap3A_504, %swap3A_505] : memref<80x128xf32, #tpu.memory_space<vmem>>, vector<80x128xf32>
      tpu.vector_store %arg2[%swap3A_504, %swap3A_505], %rsqrt3A {strides = array<i32>} : memref<80x128xf32, #tpu.memory_space<vmem>>, vector<80x128xf32>,
    } else {
    }
    return
  }
  func.func @transform_0(%arg0: i32) -> (i32, i32) {
    %c0_i32 = arith.constant 0 : i32
    %c0_i32_0 = arith.constant 0 : i32
    return %arg0, %c0_i32 : i32, i32
  }
  func.func @transform_1(%arg0: i32) -> (i32, i32) {
    %c0_i32 = arith.constant 0 : i32
    %c0_i32_0 = arith.constant 0 : i32
    %c0_i32_1 = arith.constant 0 : i32
    return %c0_i32, %c0_i32_0 : i32, i32
  }
}

module attributes {stable_mosaic.version = 14 : i64} {
  func.func @_lin_body(%arg0: i32, %arg1: memref<632x128xf32, #tpu.memory_space<vmem>>, %arg2: memref<128x128xf32, #tpu.memory_space<vmem>>, %arg3: memref<632x1xf32, #tpu.memory_space<vmem>>, %arg4: memref<632x128xf32, #tpu.memory_space<vmem>>) attributes {dimension_semantics = [#tpu.dimension_semantics<arbitrary>], iteration_bounds = array<i64: 16>, scalar_prefetch = 0 : i64, scratch_operands = 0 : i64, tpu.core_type = #tpu.core_type<tc>, window_params = [{transform_indices = @transform_0, window_bounds = array<i64: 632, 128>}, {pipeline_mode = #tpu.pipeline_mode<synchronous>, transform_indices = @transform_1, window_bounds = array<i64: 128, 128>}, {transform_indices = @transform_2, window_bounds = array<i64: 632, 1>}, {transform_indices = @transform_3, window_bounds = array<i64: 632, 128>}]} {
    %get3A = arith.constant 0 : index
    %get3A_0 = arith.constant 0 : index
    %get3A_1 = vector.load %arg1[%get3A, %get3A_0] : memref<632x128xf32, #tpu.memory_space<vmem>>, vector<632x128xf32>
    %get3A_2 = arith.constant 0 : index
    %get3A_3 = arith.constant 0 : index
    %get3A_4 = vector.load %arg2[%get3A_2, %get3A_3] : memref<128x128xf32, #tpu.memory_space<vmem>>, vector<128x128xf32>
    %dot_general3A = arith.constant dense<0.000000e+00> : vector<632x128xf32>
    %dot_general3A_5 = tpu.matmul %get3A_1, %get3A_4, %dot_general3A {dimension_numbers = #tpu.dot_dimension_numbers<[1], [0], [0], [1], [0, 0, 1, 1], [], []>, transpose_lhs_hint = false} : vector<632x128xf32>, vector<128x128xf32>, vector<632x128xf32> -> vector<632x128xf32>
    %get3A_6 = arith.constant 0 : index
    %get3A_7 = arith.constant 0 : index
    %get3A_8 = vector.load %arg3[%get3A_6, %get3A_7] : memref<632x1xf32, #tpu.memory_space<vmem>>, vector<632x1xf32>
    %mul3A = vector.broadcast %get3A_8 : vector<632x1xf32> to vector<632x128xf32>
    %mul3A_9 = arith.mulf %dot_general3A_5, %mul3A : vector<632x128xf32>
    %swap3A = arith.constant 0 : index
    %swap3A_10 = arith.constant 0 : index
    %swap3A_11 = vector.load %arg4[%swap3A, %swap3A_10] : memref<632x128xf32, #tpu.memory_space<vmem>>, vector<632x128xf32>
    tpu.vector_store %arg4[%swap3A, %swap3A_10], %mul3A_9 {strides = array<i32>} : memref<632x128xf32, #tpu.memory_space<vmem>>, vector<632x128xf32>,
    return
  }
  func.func @transform_0(%arg0: i32) -> (i32, i32) {
    %c0_i32 = arith.constant 0 : i32
    %c0_i32_0 = arith.constant 0 : i32
    return %arg0, %c0_i32 : i32, i32
  }
  func.func @transform_1(%arg0: i32) -> (i32, i32) {
    %c0_i32 = arith.constant 0 : i32
    %c0_i32_0 = arith.constant 0 : i32
    %c0_i32_1 = arith.constant 0 : i32
    return %c0_i32, %c0_i32_0 : i32, i32
  }
  func.func @transform_2(%arg0: i32) -> (i32, i32) {
    %c0_i32 = arith.constant 0 : i32
    %c0_i32_0 = arith.constant 0 : i32
    return %arg0, %c0_i32 : i32, i32
  }
  func.func @transform_3(%arg0: i32) -> (i32, i32) {
    %c0_i32 = arith.constant 0 : i32
    %c0_i32_0 = arith.constant 0 : i32
    return %arg0, %c0_i32 : i32, i32
  }
}

module attributes {stable_mosaic.version = 14 : i64} {
  func.func @_out_body(%arg0: i32, %arg1: memref<2x1000x128xf32, #tpu.memory_space<vmem>>, %arg2: memref<1000x1xf32, #tpu.memory_space<vmem>>, %arg3: memref<1x128xf32, #tpu.memory_space<vmem>>, %arg4: memref<1000x128xf32, #tpu.memory_space<vmem>>) attributes {dimension_semantics = [#tpu.dimension_semantics<arbitrary>], iteration_bounds = array<i64: 10>, scalar_prefetch = 0 : i64, scratch_operands = 0 : i64, tpu.core_type = #tpu.core_type<tc>, window_params = [{transform_indices = @transform_0, window_bounds = array<i64: 2, 1000, 128>}, {transform_indices = @transform_1, window_bounds = array<i64: 1000, 1>}, {pipeline_mode = #tpu.pipeline_mode<synchronous>, transform_indices = @transform_2, window_bounds = array<i64: 1, 128>}, {transform_indices = @transform_3, window_bounds = array<i64: 1000, 128>}]} {
    %get3A = arith.constant 0 : index
    %get3A_0 = arith.constant 0 : index
    %get3A_1 = arith.constant 0 : index
    %get3A_2 = vector.load %arg1[%get3A, %get3A_0, %get3A_1] : memref<2x1000x128xf32, #tpu.memory_space<vmem>>, vector<1x1000x128xf32>
    %get3A_3 = vector.shape_cast %get3A_2 : vector<1x1000x128xf32> to vector<1000x128xf32>
    %get3A_4 = arith.constant 1 : index
    %get3A_5 = arith.constant 0 : index
    %get3A_6 = arith.constant 0 : index
    %get3A_7 = vector.load %arg1[%get3A_4, %get3A_5, %get3A_6] : memref<2x1000x128xf32, #tpu.memory_space<vmem>>, vector<1x1000x128xf32>
    %get3A_8 = vector.shape_cast %get3A_7 : vector<1x1000x128xf32> to vector<1000x128xf32>
    %add3A = arith.addf %get3A_3, %get3A_8 : vector<1000x128xf32>
    %get3A_9 = arith.constant 0 : index
    %get3A_10 = arith.constant 0 : index
    %get3A_11 = vector.load %arg2[%get3A_9, %get3A_10] : memref<1000x1xf32, #tpu.memory_space<vmem>>, vector<1000x1xf32>
    %mul3A = vector.broadcast %get3A_11 : vector<1000x1xf32> to vector<1000x128xf32>
    %mul3A_12 = arith.mulf %add3A, %mul3A : vector<1000x128xf32>
    %get3A_13 = arith.constant 0 : index
    %get3A_14 = arith.constant 0 : index
    %get3A_15 = vector.load %arg3[%get3A_13, %get3A_14] : memref<1x128xf32, #tpu.memory_space<vmem>>, vector<1x128xf32>
    %add3A_16 = vector.broadcast %get3A_15 : vector<1x128xf32> to vector<1000x128xf32>
    %add3A_17 = arith.addf %mul3A_12, %add3A_16 : vector<1000x128xf32>
    %reduce_max3A = arith.constant dense<0xFF800000> : vector<1000xf32>
    %reduce_max3A_18 = vector.multi_reduction <maximumf>, %add3A_17, %reduce_max3A [1] : vector<1000x128xf32> to vector<1000xf32>
    %broadcast_in_dim3A = vector.shape_cast %reduce_max3A_18 : vector<1000xf32> to vector<1000x1xf32>
    %sub3A = vector.broadcast %broadcast_in_dim3A : vector<1000x1xf32> to vector<1000x128xf32>
    %sub3A_19 = arith.subf %add3A_17, %sub3A : vector<1000x128xf32>
    %exp3A = math.exp %sub3A_19 : vector<1000x128xf32>
    %reduce_sum3A = arith.constant dense<0.000000e+00> : vector<1000xf32>
    %reduce_sum3A_20 = vector.multi_reduction <add>, %exp3A, %reduce_sum3A [1] : vector<1000x128xf32> to vector<1000xf32>
    %broadcast_in_dim3A_21 = vector.shape_cast %reduce_sum3A_20 : vector<1000xf32> to vector<1000x1xf32>
    %log3A = math.log %broadcast_in_dim3A_21 : vector<1000x1xf32>
    %sub3A_22 = vector.broadcast %log3A : vector<1000x1xf32> to vector<1000x128xf32>
    %sub3A_23 = arith.subf %sub3A_19, %sub3A_22 : vector<1000x128xf32>
    %swap3A = arith.constant 0 : index
    %swap3A_24 = arith.constant 0 : index
    %swap3A_25 = vector.load %arg4[%swap3A, %swap3A_24] : memref<1000x128xf32, #tpu.memory_space<vmem>>, vector<1000x128xf32>
    tpu.vector_store %arg4[%swap3A, %swap3A_24], %sub3A_23 {strides = array<i32>} : memref<1000x128xf32, #tpu.memory_space<vmem>>, vector<1000x128xf32>,
    return
  }
  func.func @transform_0(%arg0: i32) -> (i32, i32, i32) {
    %c0_i32 = arith.constant 0 : i32
    %c0_i32_0 = arith.constant 0 : i32
    %c0_i32_1 = arith.constant 0 : i32
    return %c0_i32, %arg0, %c0_i32_0 : i32, i32, i32
  }
  func.func @transform_1(%arg0: i32) -> (i32, i32) {
    %c0_i32 = arith.constant 0 : i32
    %c0_i32_0 = arith.constant 0 : i32
    return %arg0, %c0_i32 : i32, i32
  }
  func.func @transform_2(%arg0: i32) -> (i32, i32) {
    %c0_i32 = arith.constant 0 : i32
    %c0_i32_0 = arith.constant 0 : i32
    %c0_i32_1 = arith.constant 0 : i32
    return %c0_i32, %c0_i32_0 : i32, i32
  }
  func.func @transform_3(%arg0: i32) -> (i32, i32) {
    %c0_i32 = arith.constant 0 : i32
    %c0_i32_0 = arith.constant 0 : i32
    return %arg0, %c0_i32 : i32, i32
  }
}

</mosaic_0001>

<sc_bundles>
// kernel: kernel.6.cloned.1.call-start
scs
__scs_entry_jumppad:
0x0: {  	(pc) =	sbr.rel $0x88, $3  }
0x1: {  	(tag) =	ssettag $0x0;
	lr =	simm.s32 $0x1  }
0x2: {  	[smem:$0x3F9D] =	sst lr;
	_ =	strace $0xD0000000  }
0x3: {  	_ = 	snop  }
0x4: {  	_ = 	snop  }
0x5: {  	_ = 	snop  }
0x6: {  	_ = 	snop  }
0x7: {  	_ = 	snop  }
__scs_overlays_trampoline_lowered:
0x8: {  	[smem:$0x3FAC] =	sst s0  }
0x9: {  	[smem:$0x3FAD] =	sst s1  }
0xa: {  	[smem:$0x3FAE] =	sst s2  }
0xb: {  	[smem:$0x3FAF] =	sst s3  }
0xc: {  	[smem:$0x3FB0] =	sst s4  }
0xd: {  	[smem:$0x3FB1] =	sst s5  }
0xe: {  	[smem:$0x3FB2] =	sst s6  }
0xf: {  	[smem:$0x3FB3] =	sst s7  }
0x10: {  	[smem:$0x3FB4] =	sst s8  }
0x11: {  	[smem:$0x3FB5] =	sst s9;
	s0 =	simm.s32 @!p0 $0x0  }
0x12: {  	s1 =	sld [smem:$0x3F9B];
	s0 =	simm.s32 @p0 $0x1  }
0x13: {  	[smem:$0x3FB6] =	sst s0;
	s0 =	simm.s32 @!p1 $0x0  }
0x14: {  	s2 =	sld [smem:$0x3F9A];
	s0 =	simm.s32 @p1 $0x1  }
0x15: {  	[smem:$0x3FB7] =	sst s0;
	s0 =	simm.s32 @!p2 $0x0  }
0x16: {  	s3 =	sld [smem:$0x3FDB];
	s0 =	simm.s32 @p2 $0x1  }
0x17: {  	s4 =	simm.s32 $0x1BF5;
	[smem:$0x3FB9] =	sst s0  }
0x18: {  	s0 =	sld [smem:$0x3F9C];
	_ =	swait.ge [sflag:s4], $0x0  }
0x19: {  	s7 =	sld [smem:$0x3F9D]  }
0x1a: {  	s8 =	sadd.s32 $0xFFFFE003, lr  }
0x1b: {  	s9 =	sadd.s32 $0xFFFFFEF7, lr;
	s5 =	simm.s32 $0xFFFFFFFF;
	p2 =	slt.u32 s8, $0xFFFFF086  }
0x1c: {  	p1 =	slt.u32 s9, $0xF7A;
	s5 =	simm.s32 @!p2 $0x0  }
0x1d: {  	s5 =	simm.s32 @p1 $0x1;
	p0 =	seq.s32 s7, s2  }
0x1e: {  	s7 =	smul.u32 @!p0 $0xF7A, s2;
	p2 =	seq.s32 @!p0 s5, $0x0  }
0x1f: {  	s9 =	smul.u32 $0xF7A, s1;
	s8 =	simm.s32 @!p0 $0x1BF5;
	p2 =	por !p2, p0  }
0x20: {  	[sflag:s8] =	ssyncset.s32 @!p0 $0xFFFFF086;
	s6 =	sadd.s32 @!p0 s3, s7;
	s7 =	simm.s32 @!p0 $0x108  }
0x21: {  	s3 =	sadd.s32 s3, s9;
	s6 =	sadd.s32 @!p0 $0x88, s6;
	s7 =	simm.s32 @p2 $0x1082  }
0x22: {  	[simem:s7], [sflag:s8] =	dma.local @!p0 [hbm:s6], $0xF7A  }
0x23: {  	s9 =	sor.u32 $0xD0000000, s2;
	s6 =	simm.s32 $0x108;
	_ =	swait.ge @!p0 [sflag:s8], $0x0  }
0x24: {  	s3 =	sadd.s32 $0x88, s3;
	s6 =	simm.s32 @!p1 $0x1082;
	[sflag:s4] =	ssyncset.s32 $0xFFFFF086  }
0x25: {  	[simem:s6], [sflag:s4] =	dma.local [hbm:s3], $0xF7A  }
0x26: {  	[smem:$0x3F9D] =	sst s1;
	(tag) =	ssettag s2;
	_ =	strace s9  }
0x27: {  	s1 =	sld [smem:$0x3FAD]  }
0x28: {  	s2 =	sld [smem:$0x3FAE]  }
0x29: {  	s4 =	sld [smem:$0x3FB0]  }
0x2a: {  	p0 =	seq.s32 s5, $0x0;
	s5 =	sld [smem:$0x3FB1]  }
0x2b: {  	s6 =	sld [smem:$0x3FB2]  }
0x2c: {  	s7 =	sld [smem:$0x3FB3]  }
0x2d: {  	s3 =	simm.s32 $0x108;
	s8 =	sld [smem:$0x3FB4]  }
0x2e: {  	s3 =	simm.s32 @!p0 $0x1082;
	s9 =	sld [smem:$0x3FB5]  }
0x2f: {  	lr =	sadd.s32 s0, s3;
	s0 =	sld [smem:$0x3FAC]  }
0x30: {  	s3 =	sld [smem:$0x3FAF]  }
0x31: {  	[smem:$0x3FB8] =	sst s10  }
0x32: {  	s10 =	sld [smem:$0x3FB6];
	_ =	sdelay $0x3  }
0x33: {  	p0 =	seq.s32 s10, $0x1;
	s10 =	sld [smem:$0x3FB8];
	_ =	sdelay $0x3  }
0x34: {  	[smem:$0x3FB8] =	sst s10  }
0x35: {  	s10 =	sld [smem:$0x3FB7];
	_ =	sdelay $0x3  }
0x36: {  	p1 =	seq.s32 s10, $0x1;
	s10 =	sld [smem:$0x3FB8];
	_ =	sdelay $0x3  }
0x37: {  	[smem:$0x3FB8] =	sst s10  }
0x38: {  	s10 =	sld [smem:$0x3FB9]  }
0x39: {  	_ = 	snop;
	(pc) =	sbr.ind lr, $3  }
0x3a: {  	_ = 	snop  }
0x3b: {  	_ = 	snop  }
0x3c: {  	p2 =	seq.s32 s10, $0x1;
	s10 =	sld [smem:$0x3FB8]  }
0x3d: {  	_ =	shalt  }
0x3e: {  	_ =	shalt  }
0x3f: {  	_ =	shalt  }
0x40: {  	_ =	shalt  }
0x41: {  	_ =	shalt  }
0x42: {  	_ =	shalt  }
0x43: {  	_ =	shalt  }
0x44: {  	_ =	shalt  }
0x45: {  	_ =	shalt  }
0x46: {  	_ =	shalt  }
0x47: {  	_ =	shalt  }
0x48: {  	_ =	shalt  }
0x49: {  	_ =	shalt  }
0x4a: {  	_ =	shalt  }
0x4b: {  	_ =	shalt  }
0x4c: {  	_ =	shalt  }
0x4d: {  	_ =	shalt  }
0x4e: {  	_ =	shalt  }
0x4f: {  	_ =	shalt  }
0x50: {  	_ =	shalt  }
0x51: {  	_ =	shalt  }
0x52: {  	_ =	shalt  }
0x53: {  	_ =	shalt  }
0x54: {  	_ =	shalt  }
0x55: {  	_ =	shalt  }
0x56: {  	_ =	shalt  }
0x57: {  	_ =	shalt  }
0x58: {  	_ =	shalt  }
0x59: {  	_ =	shalt  }
0x5a: {  	_ =	shalt  }
0x5b: {  	_ =	shalt  }
0x5c: {  	_ =	shalt  }
0x5d: {  	_ =	shalt  }
0x5e: {  	_ =	shalt  }
0x5f: {  	_ =	shalt  }
0x60: {  	_ =	shalt  }
0x61: {  	_ =	shalt  }
0x62: {  	_ =	shalt  }
0x63: {  	_ =	shalt  }
0x64: {  	_ =	shalt  }
0x65: {  	_ =	shalt  }
0x66: {  	_ =	shalt  }
0x67: {  	_ =	shalt  }
0x68: {  	_ =	shalt  }
0x69: {  	_ =	shalt  }
0x6a: {  	_ =	shalt  }
0x6b: {  	_ =	shalt  }
0x6c: {  	_ =	shalt  }
0x6d: {  	_ =	shalt  }
0x6e: {  	_ =	shalt  }
0x6f: {  	_ =	shalt  }
0x70: {  	_ =	shalt  }
0x71: {  	_ =	shalt  }
0x72: {  	_ =	shalt  }
0x73: {  	_ =	shalt  }
0x74: {  	_ =	shalt  }
0x75: {  	_ =	shalt  }
0x76: {  	_ =	shalt  }
0x77: {  	_ =	shalt  }
0x78: {  	_ =	shalt  }
0x79: {  	_ =	shalt  }
0x7a: {  	_ =	shalt  }
0x7b: {  	_ =	shalt  }
0x7c: {  	_ =	shalt  }
0x7d: {  	_ =	shalt  }
0x7e: {  	_ =	shalt  }
0x7f: {  	_ =	shalt  }
0x80: {  	_ =	shalt  }
0x81: {  	_ =	shalt  }
0x82: {  	_ =	shalt  }
0x83: {  	_ =	shalt  }
0x84: {  	_ =	shalt  }
0x85: {  	_ =	shalt  }
0x86: {  	_ =	shalt  }
0x87: {  	_ =	shalt  }
.Lfunc_end0:
.L_simem_size_0:
called_computation_lowered:
.L_overlay_start_0:
0x88: {  	s2 =	sld [smem:$0x3FD9]  }
0x89: {  	s3 =	sld [smem:$0x3FFE];
	_ =	sdelay $0x1  }
0x8a: {  	s1 =	srdreg.scid  }
0x8b: {  	s0 =	sand.u32 $0x1, s1  }
0x8c: {  	s17 =	sshll.u32 s0, $0xA;
	s2 =	sadd.s32 s3, s2  }
0x8d: {  	s2 =	sadd.s32 s2, s17  }
0x8e: {  	[smem:$0x3FC4] =	sst s2  }
0x8f: {  	_ = 	snop  }
0x90: {  	s2 =	sld [smem:$0x3FD0];
	(tm) =	ssettm $0x1  }
0x91: {  	s18 =	sld [smem:$0x3FFB];
	_ =	sdelay $0x3  }
0x92: {  	_ =	strace s18  }
0x93: {  	s3 =	sld [smem:$0x3FFC];
	_ =	sdelay $0x3  }
0x94: {  	_ =	strace s3  }
0x95: {  	s3 =	sld [smem:$0x3FFD];
	_ =	sdelay $0x3  }
0x96: {  	_ =	strace s3  }
0x97: {  	_ =	strace $0x8FFFFFFF  }
0x98: {  	s19 =	sld [smem:$0x3FDB];
	_ =	sdelay $0x1  }
0x99: {  	s4 =	simm.s32 $_scs_section_size  }
0x9a: {  	s5 =	simm.s32 $_size__tile_overlayer_lowered;
	s6 =	simm.s32 $_tile_overlayer_lowered  }
0x9b: {  	s22 =	simm.s32 $0x1BFF;
	s21 =	sshll.u32 s6, $0x1;
	s3 =	sadd.s32 s4, s19  }
0x9c: {  	s7 =	simm.s32 $0x0;
	s20 =	sshll.u32 s5, $0x1;
	s5 =	sadd.s32 s21, s3  }
0x9d: {  	[timem:s7], [sflag:s22] =	dma.local [hbm:s5], s20  }
0x9e: {  	_ =	swait.ge [sflag:s22], s20  }
0x9f: {  	s4 =	ssub.s32 $0x0, s20;
	[sflag:s22] =	ssyncset.done $0x0  }
0xa0: {  	[sflag:s22] =	ssyncadd.s32 s4;
	_ =	sdelay $0x1  }
0xa1: {  	s23 =	simm.s32 $0x1B8B  }
0xa2: {  	_ =	swait.ge [sflag:s23], $0x1  }
0xa3: {  	[sflag:s23] =	ssyncset.done $0x0  }
0xa4: {  	s25 =	simm.s32 $0x1B8E;
	s24 =	sld [smem:$0x3FFE];
	[sflag:s23] =	ssyncadd.s32 $0xFFFFFFFF  }
0xa5: {  	s26 =	simm.s32 $execute0_lowered;
	[smem:$0x3FD2] =	sst s25  }
0xa6: {  	s5 =	sshll.u32 s26, $0x1;
	_ =	strace $0x80000046;
	[dreg:$0x1] =	wrdreg $0xFFFFFFFF  }
0xa7: {  	s28 =	simm.s32 $_size_execute0_lowered;
	s3 =	sadd.s32 s3, s5;
	[dreg:$0x0] =	wrdreg $0x0  }
0xa8: {  	s5 =	sshll.u32 s28, $0x1;
	[dreg:$0x2] =	wrdreg s3  }
0xa9: {  	[dreg:$0x3] =	wrdreg s5  }
0xaa: {  	[dreg:$0x4] =	wrdreg $0xC0  }
0xab: {  	_ =	task [dreg:s7], $0x5FFFF  }
0xac: {  	[dreg:$0x1] =	wrdreg $0xFFFFFFFF  }
0xad: {  	[dreg:$0x0] =	wrdreg $0x60  }
0xae: {  	[dreg:$0x2] =	wrdreg s24  }
0xaf: {  	[dreg:$0x3] =	wrdreg s2  }
0xb0: {  	[dreg:$0x4] =	wrdreg $0xA0000  }
0xb1: {  	[dreg:$0x5] =	wrdreg $0x9  }
0xb2: {  	_ =	task.clear_ibuf [dreg:s7], $0x6FFFF;
	_ =	strace $0x90000046  }
0xb3: {  	s29 =	simm.s32 $0x9;
	_ =	strace $0x80000048  }
0xb4: {  	_ =	swait.ge [sflag:s29], $0x1  }
0xb5: {  	[sflag:s29] =	ssyncadd.s32 $0xFFFFFFFF  }
0xb6: {  	_ =	strace $0x90000048  }
0xb7: {  	_ =	sfence  }
0xb8: {  	s30 =	sld [smem:$0x0];
	_ =	sdelay $0x2  }
0xb9: {  	s31 =	sshll.u32 s1, $0xD;
	s1 =	sshrl.u32 s1, $0x2  }
0xba: {  	s3 =	sand.u32 $0x4000, s31;
	s1 =	sadd.s32 s1, s30  }
0xbb: {  	s0 =	sor.u32 s3, s0;
	s1 =	sshll.u32 s1, $0x11  }
0xbc: {  	s0 =	sor.u32 s1, s0  }
0xbd: {  	s0 =	sadd.s32 $0x8F2B, s0  }
0xbe: {  	[sflag:s0] =	ssyncadd.remote.s32 $0x1  }
0xbf: {  	_ =	sfence.sel $0xFFFF  }
0xc0: {  	[dreg:$0x0] =	wrdreg $0xFFFFFFFF;
	(pc) =	sbr.abs _section_cstart, $3  }
0xc1: {  	[dreg:$0x1] =	wrdreg $0xFFFFFFFF  }
0xc2: {  	_ =	task.clear_ibuf [dreg:s7], $0x2FFFF;
	_ =	strace $0x9FFFFFFF  }
0xc3: {  	(tm) =	ssettm $0x7FFFFFFF  }
tec
execute0_lowered:
.L_overlay_start_1:
0x0: {  	(tag) =	ssettag $0x1  }
0x1: {  	s0 =	rddreg [dreg:$0x0]  }
0x2: {  	s2 =	rddreg [dreg:$0x1];
	s1 =	simm.s32 $0x0;
	s3 =	srdreg.scid  }
0x3: {  	s19 =	stileid.u32;
	[smem:$0x7FF] =	sst s1  }
0x4: {  	s4 =	sadd.s32 $0x1000, s0;
	s3 =	sand.u32 $0x1, s3;
	s6 =	smul.u32 $0x278, s19  }
0x5: {  	s7 =	sshll.u32 s19, $0x9;
	s8 =	sadd.s32 $0x32800, s0;
	s12 =	sshll.u32 s19, $0xB  }
0x6: {  	s16 =	smul.u32 $0x13C00, s19;
	s5 =	ssub.s32 $0x2, s3;
	s7 =	sor.u32 $0x8000, s7  }
0x7: {  	s13 =	sadd.s32 s2, s12;
	s24 =	sadd.s32 s4, s12;
	s25 =	sor.u32 $0x200, s12  }
0x8: {  	s26 =	smul.u32 $0x13C000, s3;
	s29 =	sor.u32 $0x400, s12;
	s12 =	sor.u32 $0x600, s12  }
0x9: {  	p0 =	sne.s32 s3, $0x0;
	s9 =	sshrl.u32 s5, $0x1;
	[dreg:$0x6] =	wrdreg s13  }
0xa: {  	s23 =	sadd.s32 s2, s7;
	s7 =	sadd.s32 s4, s7;
	[dreg:$0x7] =	wrdreg s24  }
0xb: {  	s10 =	sadd.s32 $0x100, s6;
	s15 =	sadd.s32 $0x180, s6;
	[dreg:$0x4] =	wrdreg s23  }
0xc: {  	s14 =	sadd.s32 s2, s25;
	s13 =	sadd.s32 s4, s25;
	[dreg:$0x5] =	wrdreg s7  }
0xd: {  	s17 =	sadd.s32 s2, s29;
	s2 =	sadd.s32 s2, s12;
	[dreg:$0x8] =	wrdreg s14  }
0xe: {  	s5 =	ssub.s32 s5, s9;
	s9 =	sadd.s32 $0x80, s6;
	[dreg:$0x9] =	wrdreg s13  }
0xf: {  	s11 =	sshll.u32 s10, $0x7;
	[dreg:$0xa] =	wrdreg s17;
	s13 =	sadd.s32 s4, s29  }
0x10: {  	[dreg:$0xc] =	wrdreg s2;
	s17 =	sadd.s32 s4, s12;
	s18 =	sadd.s32 s16, s26  }
0x11: {  	s21 =	sshll.u32 s15, $0x7;
	s6 =	sadd.s32 $0x200, s6;
	[dreg:$0xb] =	wrdreg s13  }
0x12: {  	s29 =	smul.u32 $0x2780, s19;
	s7 =	sshll.u32 s9, $0x7;
	[dreg:$0xd] =	wrdreg s17  }
0x13: {  	s2 =	sshrl.u32 s18, $0x3;
	s22 =	sadd.s32 s26, s11;
	s23 =	sadd.s32 s26, s21  }
0x14: {  	s18 =	rddreg [dreg:$0x2];
	s9 =	sshll.u32 s9, $0x4;
	s31 =	smax.u32 s5, $0x1  }
0x15: {  	s5 =	simm.s32 $0x3;
	s20 =	sadd.s32 s26, s7;
	s12 =	sadd.s32 s8, s2  }
0x16: {  	s2 =	sshll.u32 s6, $0x7;
	s16 =	sshrl.u32 s23, $0x3;
	_ =	strace $0x80000047  }
0x17: {  	s23 =	sadd.s32 s7, s18;
	s28 =	sadd.s32 s21, s18;
	s7 =	simm.s32 $0x80  }
0x18: {  	s21 =	simm.s32 $0x1F00;
	s4 =	sshrl.u32 s20, $0x3;
	s24 =	sadd.s32 s26, s2  }
0x19: {  	s16 =	sadd.s32 s8, s16;
	s26 =	smul.u32 $0x4F000, s19;
	s19 =	sadd.s32 $0xB000, s0  }
0x1a: {  	s30 =	sadd.s32 s2, s18;
	s13 =	sadd.s32 s8, s4;
	s4 =	sshrl.u32 s22, $0x3  }
0x1b: {  	s25 =	sshrl.u32 s24, $0x3;
	s0 =	sadd.s32 s19, s9;
	s22 =	sshll.u32 s10, $0x4  }
0x1c: {  	s24 =	sshll.u32 s15, $0x4;
	s9 =	simm.s32 $0x6000;
	s10 =	simm.s32 $0x2  }
0x1d: {  	s14 =	sadd.s32 s8, s4;
	s17 =	sadd.s32 s8, s25;
	s4 =	sshrl.u32 s26, $0x2  }
0x1e: {  	s8 =	sadd.s32 s19, s29;
	[dreg:$0xf] =	wrdreg s0;
	s0 =	sadd.s32 s19, s22  }
0x1f: {  	s25 =	sadd.s32 s11, s18;
	s26 =	sshll.u32 s6, $0x4;
	s6 =	simm.s32 $0x1000  }
0x20: {  	s11 =	simm.s32 $0xF80;
	s22 =	simm.s32 $0x1F80;
	[dreg:$0xe] =	wrdreg s8  }
.Ltmp0:
0x21: {  	s20 =	sadd.s32 s4, s18;
	[dreg:$0x10] =	wrdreg s0;
	(pc) =	sbr.rel .LBB2_1-.Ltmp0, $4  }
0x22: {  	s0 =	sadd.s32 s19, s24;
	s4 =	simm.s32 $0x2000;
	s8 =	simm.s32 $0x1  }
0x23: {  	s24 =	simm.s32 $0x0;
	[dreg:$0x11] =	wrdreg s0;
	s0 =	sadd.s32 s19, s26  }
0x24: {  	s29 =	sadd.s32 $0x4000, s20;
	s2 =	sadd.s32 $0xC000, s20;
	[dreg:$0x12] =	wrdreg s0  }
0x25: {  	v0 =	vimm.f32 $0.0e+00;
	s3 =	sadd.s32 $0x10000, s20;
	[dreg:$0x13] =	wrdreg s29;
	s0 =	sadd.s32 $0x8000, s20  }
.LBB2_15:
0x26: {  	[sflag:s5] =	ssyncadd.s32 $0xFFFFC000  }
.LBB2_16:
0x27: {  	_ =	swait.ge [sflag:s8], $0x4000  }
0x28: {  	[sflag:s8] =	ssyncset.done $0x0  }
0x29: {  	[sflag:s8] =	ssyncadd.s32 $0xFFFFC000  }
0x2a: {  	[tilespmem:s9], [sflag:$0x2] =	stream.indirect.gather [hbm4b:s19+s7], $0x80, s11, s7, $0xb8;
	[tilespmem:$0x1DC00] =	vst v63  }
0x2b: {  	_ = 	snop  }
0x2c: {  	[spmem:s18] =	stream.indirect.scatter.add.f32 [tilespmem:s4], [sflag:$0x3], $0x80, s21, s7, $0xb8;
	[tilespmem:$0x1DC00] =	vst v63  }
0x2d: {  	_ =	swait.ge [sflag:s5], $0x4000  }
0x2e: {  	[sflag:s5] =	ssyncset.done $0x0  }
0x2f: {  	[sflag:s5] =	ssyncadd.s32 $0xFFFFC000  }
0x30: {  	_ =	swait.ge [sflag:s10], $0x4000  }
0x31: {  	[sflag:s10] =	ssyncset.done $0x0  }
0x32: {  	[sflag:s10] =	ssyncadd.s32 $0xFFFFC000  }
0x33: {  	[spmem:s18] =	stream.indirect.scatter.add.f32 [tilespmem:s9], [sflag:$0x3], $0x80, s22, s7, $0xb8;
	[tilespmem:$0x1DC00] =	vst v63  }
0x34: {  	_ =	swait.ge [sflag:s5], $0x4000  }
0x35: {  	[sflag:s5] =	ssyncset.done $0x0  }
0x36: {  	[sflag:s5] =	ssyncadd.s32 $0xFFFFC000  }
0x37: {  	[bflag:$0x0] =	sbarrier.arrive $0xFFFF  }
0x38: {  	[tilespmem:s4], [sflag:$0x3] =	stream.linear.gather [spmem:s20], $0x4000, $0x38;
	[tilespmem:$0x1DC00] =	vst v63  }
0x39: {  	_ =	swait.ge [sflag:s5], $0x4000  }
0x3a: {  	[sflag:s5] =	ssyncset.done $0x0  }
0x3b: {  	[sflag:s5] =	ssyncadd.s32 $0xFFFFC000  }
0x3c: {  	[hbm4b:s12+s1] =	stream.linear.scatter [tilespmem:s4], [sflag:$0x3], $0x4000, $0x38;
	[tilespmem:$0x1DC00] =	vst v63  }
0x3d: {  	_ =	swait.ge [sflag:s5], $0x4000  }
0x3e: {  	[sflag:s5] =	ssyncset.done $0x0  }
0x3f: {  	[sflag:s5] =	ssyncadd.s32 $0xFFFFC000  }
0x40: {  	[tilespmem:s4], [sflag:$0x3] =	stream.linear.gather [spmem:s23], $0x4000, $0x38;
	[tilespmem:$0x1DC00] =	vst v63  }
0x41: {  	_ =	swait.ge [sflag:s5], $0x4000  }
0x42: {  	[sflag:s5] =	ssyncset.done $0x0  }
0x43: {  	[sflag:s5] =	ssyncadd.s32 $0xFFFFC000  }
0x44: {  	[hbm4b:s13+s1] =	stream.linear.scatter [tilespmem:s4], [sflag:$0x3], $0x4000, $0x38;
	[tilespmem:$0x1DC00] =	vst v63  }
0x45: {  	_ =	swait.ge [sflag:s5], $0x4000  }
0x46: {  	[sflag:s5] =	ssyncset.done $0x0  }
0x47: {  	[sflag:s5] =	ssyncadd.s32 $0xFFFFC000  }
0x48: {  	[tilespmem:s4], [sflag:$0x3] =	stream.linear.gather [spmem:s25], $0x4000, $0x38;
	[tilespmem:$0x1DC00] =	vst v63  }
0x49: {  	_ =	swait.ge [sflag:s5], $0x4000  }
0x4a: {  	[sflag:s5] =	ssyncset.done $0x0  }
0x4b: {  	[sflag:s5] =	ssyncadd.s32 $0xFFFFC000  }
0x4c: {  	[hbm4b:s14+s1] =	stream.linear.scatter [tilespmem:s4], [sflag:$0x3], $0x4000, $0x38;
	[tilespmem:$0x1DC00] =	vst v63  }
0x4d: {  	_ =	swait.ge [sflag:s5], $0x4000  }
0x4e: {  	[sflag:s5] =	ssyncset.done $0x0  }
0x4f: {  	[sflag:s5] =	ssyncadd.s32 $0xFFFFC000  }
0x50: {  	[tilespmem:s4], [sflag:$0x3] =	stream.linear.gather [spmem:s28], $0x4000, $0x38;
	[tilespmem:$0x1DC00] =	vst v63  }
0x51: {  	_ =	swait.ge [sflag:s5], $0x4000  }
0x52: {  	[sflag:s5] =	ssyncset.done $0x0  }
0x53: {  	[sflag:s5] =	ssyncadd.s32 $0xFFFFC000  }
0x54: {  	[hbm4b:s16+s1] =	stream.linear.scatter [tilespmem:s4], [sflag:$0x3], $0x4000, $0x38;
	[tilespmem:$0x1DC00] =	vst v63  }
0x55: {  	_ =	swait.ge [sflag:s5], $0x4000  }
0x56: {  	[sflag:s5] =	ssyncset.done $0x0  }
0x57: {  	[sflag:s5] =	ssyncadd.s32 $0xFFFFC000  }
0x58: {  	[tilespmem:s4], [sflag:$0x3] =	stream.linear.gather [spmem:s30], $0x3C00, $0x38;
	[tilespmem:$0x1DC00] =	vst v63  }
0x59: {  	s24 =	sadd.s32 $0x1, s24;
	_ =	swait.ge [sflag:s5], $0x3C00  }
0x5a: {  	p1 =	sne.s32 s24, s31;
	[sflag:s5] =	ssyncset.done $0x0  }
.Ltmp1:
0x5b: {  	[sflag:s5] =	ssyncadd.s32 $0xFFFFC400;
	(pc) =	sbr.rel @!p1 .LBB2_17-.Ltmp1, $4  }
0x5c: {  	[hbm4b:s17+s1] =	stream.linear.scatter [tilespmem:s4], [sflag:$0x3], $0x3C00, $0x38;
	[tilespmem:$0x1DC00] =	vst v63  }
0x5d: {  	_ =	swait.ge [sflag:s5], $0x3C00  }
0x5e: {  	[sflag:s5] =	ssyncset.done $0x0  }
0x5f: {  	[sflag:s5] =	ssyncadd.s32 $0xFFFFC400  }
.LBB2_1:
.Ltmp2:
0x60: {  	(pc) =	sbr.rel @p0 .LBB2_11-.Ltmp2, $1  }
0x61: {  	_ =	sdelay $0x3  }
0x62: {  	s26 =	simm.s32 $0x0;
	s15 =	rddreg [dreg:$0xe]  }
0x63: {  	[tilespmem:s4], [sflag:$0x3] =	stream.linear.gather [hbm4b:s15+s26], $0x4000, $0x38;
	[tilespmem:$0x1DC00] =	vst v63  }
0x64: {  	_ =	swait.ge [sflag:s5], $0x4000  }
0x65: {  	[sflag:s5] =	ssyncset.done $0x0  }
0x66: {  	[sflag:s5] =	ssyncadd.s32 $0xFFFFC000  }
0x67: {  	[spmem:s20] =	stream.linear.scatter [tilespmem:s4], [sflag:$0x3], $0x4000, $0x38;
	[tilespmem:$0x1DC00] =	vst v63  }
0x68: {  	_ =	swait.ge [sflag:s5], $0x4000  }
0x69: {  	[sflag:s5] =	ssyncset.done $0x0  }
0x6a: {  	s29 =	rddreg [dreg:$0xf];
	[sflag:s5] =	ssyncadd.s32 $0xFFFFC000  }
0x6b: {  	[tilespmem:s4], [sflag:$0x3] =	stream.linear.gather [hbm4b:s29+s26], $0x4000, $0x38;
	[tilespmem:$0x1DC00] =	vst v63  }
0x6c: {  	_ =	swait.ge [sflag:s5], $0x4000  }
0x6d: {  	[sflag:s5] =	ssyncset.done $0x0  }
0x6e: {  	[sflag:s5] =	ssyncadd.s32 $0xFFFFC000  }
0x6f: {  	[spmem:s23] =	stream.linear.scatter [tilespmem:s4], [sflag:$0x3], $0x4000, $0x38;
	[tilespmem:$0x1DC00] =	vst v63  }
0x70: {  	_ =	swait.ge [sflag:s5], $0x4000  }
0x71: {  	[sflag:s5] =	ssyncset.done $0x0  }
0x72: {  	s29 =	rddreg [dreg:$0x10];
	[sflag:s5] =	ssyncadd.s32 $0xFFFFC000  }
0x73: {  	[tilespmem:s4], [sflag:$0x3] =	stream.linear.gather [hbm4b:s29+s26], $0x4000, $0x38;
	[tilespmem:$0x1DC00] =	vst v63  }
0x74: {  	_ =	swait.ge [sflag:s5], $0x4000  }
0x75: {  	[sflag:s5] =	ssyncset.done $0x0  }
0x76: {  	[sflag:s5] =	ssyncadd.s32 $0xFFFFC000  }
0x77: {  	[spmem:s25] =	stream.linear.scatter [tilespmem:s4], [sflag:$0x3], $0x4000, $0x38;
	[tilespmem:$0x1DC00] =	vst v63  }
0x78: {  	_ =	swait.ge [sflag:s5], $0x4000  }
0x79: {  	[sflag:s5] =	ssyncset.done $0x0  }
0x7a: {  	s29 =	rddreg [dreg:$0x11];
	[sflag:s5] =	ssyncadd.s32 $0xFFFFC000  }
0x7b: {  	[tilespmem:s4], [sflag:$0x3] =	stream.linear.gather [hbm4b:s29+s26], $0x4000, $0x38;
	[tilespmem:$0x1DC00] =	vst v63  }
0x7c: {  	_ =	swait.ge [sflag:s5], $0x4000  }
0x7d: {  	[sflag:s5] =	ssyncset.done $0x0  }
0x7e: {  	[sflag:s5] =	ssyncadd.s32 $0xFFFFC000  }
0x7f: {  	[spmem:s28] =	stream.linear.scatter [tilespmem:s4], [sflag:$0x3], $0x4000, $0x38;
	[tilespmem:$0x1DC00] =	vst v63  }
0x80: {  	_ =	swait.ge [sflag:s5], $0x4000  }
0x81: {  	[sflag:s5] =	ssyncset.done $0x0  }
0x82: {  	s29 =	rddreg [dreg:$0x12];
	[sflag:s5] =	ssyncadd.s32 $0xFFFFC000  }
0x83: {  	[tilespmem:s4], [sflag:$0x3] =	stream.linear.gather [hbm4b:s29+s26], $0x3C00, $0x38;
	[tilespmem:$0x1DC00] =	vst v63  }
0x84: {  	_ =	swait.ge [sflag:s5], $0x3C00  }
0x85: {  	[sflag:s5] =	ssyncset.done $0x0  }
0x86: {  	[sflag:s5] =	ssyncadd.s32 $0xFFFFC400  }
0x87: {  	[spmem:s30] =	stream.linear.scatter [tilespmem:s4], [sflag:$0x3], $0x3C00, $0x38;
	[tilespmem:$0x1DC00] =	vst v63  }
0x88: {  	_ =	swait.ge [sflag:s5], $0x3C00  }
0x89: {  	[sflag:s5] =	ssyncset.done $0x0  }
0x8a: {  	[sflag:s5] =	ssyncadd.s32 $0xFFFFC400  }
0x8b: {  	[bflag:$0x0] =	sbarrier.arrive $0xFFFF  }
0x8c: {  	s29 =	rddreg [dreg:$0x6]  }
0x8d: {  	[tilespmem:s26], [sflag:$0x3] =	stream.linear.gather [hbm4b:s29+s26], $0x1000, $0x38;
	[tilespmem:$0x1DC00] =	vst v63  }
0x8e: {  	_ =	swait.ge [sflag:s5], $0x1000  }
0x8f: {  	[sflag:s5] =	ssyncset.done $0x0  }
0x90: {  	s29 =	rddreg [dreg:$0x7];
	[sflag:s5] =	ssyncadd.s32 $0xFFFFF000  }
0x91: {  	[tilespmem:s6], [sflag:$0x3] =	stream.linear.gather [hbm4b:s29+s26], $0x1000, $0x38;
	[tilespmem:$0x1DC00] =	vst v63  }
0x92: {  	_ =	swait.ge [sflag:s5], $0x1000  }
0x93: {  	[sflag:s5] =	ssyncset.done $0x0  }
0x94: {  	[sflag:s5] =	ssyncadd.s32 $0xFFFFF000  }
0x95: {  	[tilespmem:s4], [sflag:$0x1] =	stream.indirect.gather [hbm4b:s19+s7], $0x80, s26, s7, $0xb8;
	[tilespmem:$0x1DC00] =	vst v63  }
0x96: {  	_ =	swait.ge [sflag:s8], $0x4000  }
0x97: {  	[sflag:s8] =	ssyncset.done $0x0  }
0x98: {  	s15 =	simm.s32 $0x80;
	[sflag:s8] =	ssyncadd.s32 $0xFFFFC000  }
0x99: {  	[tilespmem:s9], [sflag:$0x2] =	stream.indirect.gather [hbm4b:s19+s7], $0x80, s15, s7, $0xb8;
	[tilespmem:$0x1DC00] =	vst v63  }
0x9a: {  	s29 =	simm.s32 $0x1000  }
0x9b: {  	[spmem:s18] =	stream.indirect.scatter.add.f32 [tilespmem:s4], [sflag:$0x3], $0x80, s29, s7, $0xb8;
	[tilespmem:$0x1DC00] =	vst v63  }
0x9c: {  	_ =	swait.ge [sflag:s5], $0x4000  }
0x9d: {  	[sflag:s5] =	ssyncset.done $0x0  }
0x9e: {  	[sflag:s5] =	ssyncadd.s32 $0xFFFFC000  }
0x9f: {  	_ =	swait.ge [sflag:s10], $0x4000  }
0xa0: {  	[sflag:s10] =	ssyncset.done $0x0  }
0xa1: {  	s15 =	simm.s32 $0x100;
	[sflag:s10] =	ssyncadd.s32 $0xFFFFC000  }
0xa2: {  	[tilespmem:s4], [sflag:$0x1] =	stream.indirect.gather [hbm4b:s19+s7], $0x80, s15, s7, $0xb8;
	[tilespmem:$0x1DC00] =	vst v63  }
0xa3: {  	s29 =	simm.s32 $0x1080  }
0xa4: {  	[spmem:s18] =	stream.indirect.scatter.add.f32 [tilespmem:s9], [sflag:$0x3], $0x80, s29, s7, $0xb8;
	[tilespmem:$0x1DC00] =	vst v63  }
0xa5: {  	_ =	swait.ge [sflag:s5], $0x4000  }
0xa6: {  	s26 =	simm.s32 $0x400;
	[sflag:s5] =	ssyncset.done $0x0  }
.LBB2_3:
0xa7: {  	p1 =	sne.s32 s26, $0x3800  }
0xa8: {  	[sflag:s5] =	ssyncadd.s32 $0xFFFFC000;
	s29 =	smov.u32 s26;
	s26 =	sadd.s32 $0x400, s26  }
0xa9: {  	_ = 	snop  }
0xaa: {  	_ =	swait.ge [sflag:s8], $0x4000  }
0xab: {  	s29 =	sshra.s32 s29, $0x2;
	[sflag:s8] =	ssyncset.done $0x0  }
0xac: {  	s15 =	sadd.s32 $0x80, s29;
	[sflag:s8] =	ssyncadd.s32 $0xFFFFC000  }
0xad: {  	[tilespmem:s9], [sflag:$0x2] =	stream.indirect.gather [hbm4b:s19+s7], $0x80, s15, s7, $0xb8;
	[tilespmem:$0x1DC00] =	vst v63  }
0xae: {  	s15 =	sadd.s32 $0x1000, s29  }
0xaf: {  	[spmem:s18] =	stream.indirect.scatter.add.f32 [tilespmem:s4], [sflag:$0x3], $0x80, s15, s7, $0xb8;
	[tilespmem:$0x1DC00] =	vst v63  }
0xb0: {  	_ =	swait.ge [sflag:s5], $0x4000  }
0xb1: {  	[sflag:s5] =	ssyncset.done $0x0  }
0xb2: {  	[sflag:s5] =	ssyncadd.s32 $0xFFFFC000  }
0xb3: {  	_ =	swait.ge [sflag:s10], $0x4000  }
0xb4: {  	[sflag:s10] =	ssyncset.done $0x0  }
0xb5: {  	s15 =	sadd.s32 $0x100, s29;
	[sflag:s10] =	ssyncadd.s32 $0xFFFFC000  }
0xb6: {  	[tilespmem:s4], [sflag:$0x1] =	stream.indirect.gather [hbm4b:s19+s7], $0x80, s15, s7, $0xb8;
	[tilespmem:$0x1DC00] =	vst v63  }
.Ltmp3:
0xb7: {  	_ = 	snop;
	(pc) =	sbr.rel @p1 .LBB2_3-.Ltmp3, $4  }
0xb8: {  	s15 =	sadd.s32 $0x1080, s29  }
0xb9: {  	[spmem:s18] =	stream.indirect.scatter.add.f32 [tilespmem:s9], [sflag:$0x3], $0x80, s15, s7, $0xb8;
	[tilespmem:$0x1DC00] =	vst v63  }
0xba: {  	_ =	swait.ge [sflag:s5], $0x4000  }
0xbb: {  	[sflag:s5] =	ssyncset.done $0x0  }
0xbc: {  	[sflag:s5] =	ssyncadd.s32 $0xFFFFC000  }
0xbd: {  	_ =	swait.ge [sflag:s8], $0x4000  }
0xbe: {  	[sflag:s8] =	ssyncset.done $0x0  }
0xbf: {  	[sflag:s8] =	ssyncadd.s32 $0xFFFFC000  }
0xc0: {  	[tilespmem:s9], [sflag:$0x2] =	stream.indirect.gather [hbm4b:s19+s7], $0x80, s11, s7, $0xb8;
	[tilespmem:$0x1DC00] =	vst v63  }
0xc1: {  	_ = 	snop  }
0xc2: {  	[spmem:s18] =	stream.indirect.scatter.add.f32 [tilespmem:s4], [sflag:$0x3], $0x80, s21, s7, $0xb8;
	[tilespmem:$0x1DC00] =	vst v63  }
0xc3: {  	_ =	swait.ge [sflag:s5], $0x4000  }
0xc4: {  	[sflag:s5] =	ssyncset.done $0x0  }
0xc5: {  	[sflag:s5] =	ssyncadd.s32 $0xFFFFC000  }
0xc6: {  	_ =	swait.ge [sflag:s10], $0x4000  }
0xc7: {  	[sflag:s10] =	ssyncset.done $0x0  }
0xc8: {  	[sflag:s10] =	ssyncadd.s32 $0xFFFFC000  }
0xc9: {  	[spmem:s18] =	stream.indirect.scatter.add.f32 [tilespmem:s9], [sflag:$0x3], $0x80, s22, s7, $0xb8;
	[tilespmem:$0x1DC00] =	vst v63  }
0xca: {  	_ =	swait.ge [sflag:s5], $0x4000  }
0xcb: {  	[sflag:s5] =	ssyncset.done $0x0  }
0xcc: {  	s15 =	simm.s32 $0x0;
	s26 =	rddreg [dreg:$0x8];
	[sflag:s5] =	ssyncadd.s32 $0xFFFFC000  }
0xcd: {  	[tilespmem:s15], [sflag:$0x3] =	stream.linear.gather [hbm4b:s26+s15], $0x1000, $0x38;
	[tilespmem:$0x1DC00] =	vst v63  }
0xce: {  	_ =	swait.ge [sflag:s5], $0x1000  }
0xcf: {  	[sflag:s5] =	ssyncset.done $0x0  }
0xd0: {  	s29 =	rddreg [dreg:$0x9];
	[sflag:s5] =	ssyncadd.s32 $0xFFFFF000  }
0xd1: {  	[tilespmem:s6], [sflag:$0x3] =	stream.linear.gather [hbm4b:s29+s15], $0x1000, $0x38;
	[tilespmem:$0x1DC00] =	vst v63  }
0xd2: {  	_ =	swait.ge [sflag:s5], $0x1000  }
0xd3: {  	[sflag:s5] =	ssyncset.done $0x0  }
0xd4: {  	[sflag:s5] =	ssyncadd.s32 $0xFFFFF000  }
0xd5: {  	[tilespmem:s4], [sflag:$0x1] =	stream.indirect.gather [hbm4b:s19+s7], $0x80, s15, s7, $0xb8;
	[tilespmem:$0x1DC00] =	vst v63  }
0xd6: {  	_ =	swait.ge [sflag:s8], $0x4000  }
0xd7: {  	[sflag:s8] =	ssyncset.done $0x0  }
0xd8: {  	s26 =	simm.s32 $0x80;
	[sflag:s8] =	ssyncadd.s32 $0xFFFFC000  }
0xd9: {  	[tilespmem:s9], [sflag:$0x2] =	stream.indirect.gather [hbm4b:s19+s7], $0x80, s26, s7, $0xb8;
	[tilespmem:$0x1DC00] =	vst v63  }
0xda: {  	s29 =	simm.s32 $0x1000  }
0xdb: {  	[spmem:s18] =	stream.indirect.scatter.add.f32 [tilespmem:s4], [sflag:$0x3], $0x80, s29, s7, $0xb8;
	[tilespmem:$0x1DC00] =	vst v63  }
0xdc: {  	_ =	swait.ge [sflag:s5], $0x4000  }
0xdd: {  	[sflag:s5] =	ssyncset.done $0x0  }
0xde: {  	[sflag:s5] =	ssyncadd.s32 $0xFFFFC000  }
0xdf: {  	_ =	swait.ge [sflag:s10], $0x4000  }
0xe0: {  	[sflag:s10] =	ssyncset.done $0x0  }
0xe1: {  	s26 =	simm.s32 $0x100;
	[sflag:s10] =	ssyncadd.s32 $0xFFFFC000  }
0xe2: {  	[tilespmem:s4], [sflag:$0x1] =	stream.indirect.gather [hbm4b:s19+s7], $0x80, s26, s7, $0xb8;
	[tilespmem:$0x1DC00] =	vst v63  }
0xe3: {  	s29 =	simm.s32 $0x1080  }
0xe4: {  	[spmem:s18] =	stream.indirect.scatter.add.f32 [tilespmem:s9], [sflag:$0x3], $0x80, s29, s7, $0xb8;
	[tilespmem:$0x1DC00] =	vst v63  }
0xe5: {  	_ =	swait.ge [sflag:s5], $0x4000  }
0xe6: {  	s26 =	simm.s32 $0x400;
	[sflag:s5] =	ssyncset.done $0x0  }
.LBB2_5:
0xe7: {  	p1 =	sne.s32 s26, $0x3800  }
0xe8: {  	[sflag:s5] =	ssyncadd.s32 $0xFFFFC000;
	s15 =	smov.u32 s26;
	s26 =	sadd.s32 $0x400, s26  }
0xe9: {  	_ = 	snop  }
0xea: {  	_ =	swait.ge [sflag:s8], $0x4000  }
0xeb: {  	s15 =	sshra.s32 s15, $0x2;
	[sflag:s8] =	ssyncset.done $0x0  }
0xec: {  	s29 =	sadd.s32 $0x80, s15;
	[sflag:s8] =	ssyncadd.s32 $0xFFFFC000  }
0xed: {  	[tilespmem:s9], [sflag:$0x2] =	stream.indirect.gather [hbm4b:s19+s7], $0x80, s29, s7, $0xb8;
	[tilespmem:$0x1DC00] =	vst v63  }
0xee: {  	s29 =	sadd.s32 $0x1000, s15  }
0xef: {  	[spmem:s18] =	stream.indirect.scatter.add.f32 [tilespmem:s4], [sflag:$0x3], $0x80, s29, s7, $0xb8;
	[tilespmem:$0x1DC00] =	vst v63  }
0xf0: {  	_ =	swait.ge [sflag:s5], $0x4000  }
0xf1: {  	[sflag:s5] =	ssyncset.done $0x0  }
0xf2: {  	[sflag:s5] =	ssyncadd.s32 $0xFFFFC000  }
0xf3: {  	_ =	swait.ge [sflag:s10], $0x4000  }
0xf4: {  	[sflag:s10] =	ssyncset.done $0x0  }
0xf5: {  	s29 =	sadd.s32 $0x100, s15;
	[sflag:s10] =	ssyncadd.s32 $0xFFFFC000  }
0xf6: {  	[tilespmem:s4], [sflag:$0x1] =	stream.indirect.gather [hbm4b:s19+s7], $0x80, s29, s7, $0xb8;
	[tilespmem:$0x1DC00] =	vst v63  }
.Ltmp4:
0xf7: {  	_ = 	snop;
	(pc) =	sbr.rel @p1 .LBB2_5-.Ltmp4, $4  }
0xf8: {  	s15 =	sadd.s32 $0x1080, s15  }
0xf9: {  	[spmem:s18] =	stream.indirect.scatter.add.f32 [tilespmem:s9], [sflag:$0x3], $0x80, s15, s7, $0xb8;
	[tilespmem:$0x1DC00] =	vst v63  }
0xfa: {  	_ =	swait.ge [sflag:s5], $0x4000  }
0xfb: {  	[sflag:s5] =	ssyncset.done $0x0  }
0xfc: {  	[sflag:s5] =	ssyncadd.s32 $0xFFFFC000  }
0xfd: {  	_ =	swait.ge [sflag:s8], $0x4000  }
0xfe: {  	[sflag:s8] =	ssyncset.done $0x0  }
0xff: {  	[sflag:s8] =	ssyncadd.s32 $0xFFFFC000  }
0x100: {  	[tilespmem:s9], [sflag:$0x2] =	stream.indirect.gather [hbm4b:s19+s7], $0x80, s11, s7, $0xb8;
	[tilespmem:$0x1DC00] =	vst v63  }
0x101: {  	_ = 	snop  }
0x102: {  	[spmem:s18] =	stream.indirect.scatter.add.f32 [tilespmem:s4], [sflag:$0x3], $0x80, s21, s7, $0xb8;
	[tilespmem:$0x1DC00] =	vst v63  }
0x103: {  	_ =	swait.ge [sflag:s5], $0x4000  }
0x104: {  	[sflag:s5] =	ssyncset.done $0x0  }
0x105: {  	[sflag:s5] =	ssyncadd.s32 $0xFFFFC000  }
0x106: {  	_ =	swait.ge [sflag:s10], $0x4000  }
0x107: {  	[sflag:s10] =	ssyncset.done $0x0  }
0x108: {  	[sflag:s10] =	ssyncadd.s32 $0xFFFFC000  }
0x109: {  	[spmem:s18] =	stream.indirect.scatter.add.f32 [tilespmem:s9], [sflag:$0x3], $0x80, s22, s7, $0xb8;
	[tilespmem:$0x1DC00] =	vst v63  }
0x10a: {  	_ =	swait.ge [sflag:s5], $0x4000  }
0x10b: {  	[sflag:s5] =	ssyncset.done $0x0  }
0x10c: {  	s15 =	simm.s32 $0x0;
	s26 =	rddreg [dreg:$0xa];
	[sflag:s5] =	ssyncadd.s32 $0xFFFFC000  }
0x10d: {  	[tilespmem:s15], [sflag:$0x3] =	stream.linear.gather [hbm4b:s26+s15], $0x1000, $0x38;
	[tilespmem:$0x1DC00] =	vst v63  }
0x10e: {  	_ =	swait.ge [sflag:s5], $0x1000  }
0x10f: {  	[sflag:s5] =	ssyncset.done $0x0  }
0x110: {  	s29 =	rddreg [dreg:$0xb];
	[sflag:s5] =	ssyncadd.s32 $0xFFFFF000  }
0x111: {  	[tilespmem:s6], [sflag:$0x3] =	stream.linear.gather [hbm4b:s29+s15], $0x1000, $0x38;
	[tilespmem:$0x1DC00] =	vst v63  }
0x112: {  	_ =	swait.ge [sflag:s5], $0x1000  }
0x113: {  	[sflag:s5] =	ssyncset.done $0x0  }
0x114: {  	[sflag:s5] =	ssyncadd.s32 $0xFFFFF000  }
0x115: {  	[tilespmem:s4], [sflag:$0x1] =	stream.indirect.gather [hbm4b:s19+s7], $0x80, s15, s7, $0xb8;
	[tilespmem:$0x1DC00] =	vst v63  }
0x116: {  	_ =	swait.ge [sflag:s8], $0x4000  }
0x117: {  	[sflag:s8] =	ssyncset.done $0x0  }
0x118: {  	s26 =	simm.s32 $0x80;
	[sflag:s8] =	ssyncadd.s32 $0xFFFFC000  }
0x119: {  	[tilespmem:s9], [sflag:$0x2] =	stream.indirect.gather [hbm4b:s19+s7], $0x80, s26, s7, $0xb8;
	[tilespmem:$0x1DC00] =	vst v63  }
0x11a: {  	s29 =	simm.s32 $0x1000  }
0x11b: {  	[spmem:s18] =	stream.indirect.scatter.add.f32 [tilespmem:s4], [sflag:$0x3], $0x80, s29, s7, $0xb8;
	[tilespmem:$0x1DC00] =	vst v63  }
0x11c: {  	_ =	swait.ge [sflag:s5], $0x4000  }
0x11d: {  	[sflag:s5] =	ssyncset.done $0x0  }
0x11e: {  	[sflag:s5] =	ssyncadd.s32 $0xFFFFC000  }
0x11f: {  	_ =	swait.ge [sflag:s10], $0x4000  }
0x120: {  	[sflag:s10] =	ssyncset.done $0x0  }
0x121: {  	s26 =	simm.s32 $0x100;
	[sflag:s10] =	ssyncadd.s32 $0xFFFFC000  }
0x122: {  	[tilespmem:s4], [sflag:$0x1] =	stream.indirect.gather [hbm4b:s19+s7], $0x80, s26, s7, $0xb8;
	[tilespmem:$0x1DC00] =	vst v63  }
0x123: {  	s29 =	simm.s32 $0x1080  }
0x124: {  	[spmem:s18] =	stream.indirect.scatter.add.f32 [tilespmem:s9], [sflag:$0x3], $0x80, s29, s7, $0xb8;
	[tilespmem:$0x1DC00] =	vst v63  }
0x125: {  	_ =	swait.ge [sflag:s5], $0x4000  }
0x126: {  	s26 =	simm.s32 $0x400;
	[sflag:s5] =	ssyncset.done $0x0  }
.LBB2_7:
0x127: {  	p1 =	sne.s32 s26, $0x3800  }
0x128: {  	[sflag:s5] =	ssyncadd.s32 $0xFFFFC000;
	s15 =	smov.u32 s26;
	s26 =	sadd.s32 $0x400, s26  }
0x129: {  	_ = 	snop  }
0x12a: {  	_ =	swait.ge [sflag:s8], $0x4000  }
0x12b: {  	s15 =	sshra.s32 s15, $0x2;
	[sflag:s8] =	ssyncset.done $0x0  }
0x12c: {  	s29 =	sadd.s32 $0x80, s15;
	[sflag:s8] =	ssyncadd.s32 $0xFFFFC000  }
0x12d: {  	[tilespmem:s9], [sflag:$0x2] =	stream.indirect.gather [hbm4b:s19+s7], $0x80, s29, s7, $0xb8;
	[tilespmem:$0x1DC00] =	vst v63  }
0x12e: {  	s29 =	sadd.s32 $0x1000, s15  }
0x12f: {  	[spmem:s18] =	stream.indirect.scatter.add.f32 [tilespmem:s4], [sflag:$0x3], $0x80, s29, s7, $0xb8;
	[tilespmem:$0x1DC00] =	vst v63  }
0x130: {  	_ =	swait.ge [sflag:s5], $0x4000  }
0x131: {  	[sflag:s5] =	ssyncset.done $0x0  }
0x132: {  	[sflag:s5] =	ssyncadd.s32 $0xFFFFC000  }
0x133: {  	_ =	swait.ge [sflag:s10], $0x4000  }
0x134: {  	[sflag:s10] =	ssyncset.done $0x0  }
0x135: {  	s29 =	sadd.s32 $0x100, s15;
	[sflag:s10] =	ssyncadd.s32 $0xFFFFC000  }
0x136: {  	[tilespmem:s4], [sflag:$0x1] =	stream.indirect.gather [hbm4b:s19+s7], $0x80, s29, s7, $0xb8;
	[tilespmem:$0x1DC00] =	vst v63  }
.Ltmp5:
0x137: {  	_ = 	snop;
	(pc) =	sbr.rel @p1 .LBB2_7-.Ltmp5, $4  }
0x138: {  	s15 =	sadd.s32 $0x1080, s15  }
0x139: {  	[spmem:s18] =	stream.indirect.scatter.add.f32 [tilespmem:s9], [sflag:$0x3], $0x80, s15, s7, $0xb8;
	[tilespmem:$0x1DC00] =	vst v63  }
0x13a: {  	_ =	swait.ge [sflag:s5], $0x4000  }
0x13b: {  	[sflag:s5] =	ssyncset.done $0x0  }
0x13c: {  	[sflag:s5] =	ssyncadd.s32 $0xFFFFC000  }
0x13d: {  	_ =	swait.ge [sflag:s8], $0x4000  }
0x13e: {  	[sflag:s8] =	ssyncset.done $0x0  }
0x13f: {  	[sflag:s8] =	ssyncadd.s32 $0xFFFFC000  }
0x140: {  	[tilespmem:s9], [sflag:$0x2] =	stream.indirect.gather [hbm4b:s19+s7], $0x80, s11, s7, $0xb8;
	[tilespmem:$0x1DC00] =	vst v63  }
0x141: {  	_ = 	snop  }
0x142: {  	[spmem:s18] =	stream.indirect.scatter.add.f32 [tilespmem:s4], [sflag:$0x3], $0x80, s21, s7, $0xb8;
	[tilespmem:$0x1DC00] =	vst v63  }
0x143: {  	_ =	swait.ge [sflag:s5], $0x4000  }
0x144: {  	[sflag:s5] =	ssyncset.done $0x0  }
0x145: {  	[sflag:s5] =	ssyncadd.s32 $0xFFFFC000  }
0x146: {  	_ =	swait.ge [sflag:s10], $0x4000  }
0x147: {  	[sflag:s10] =	ssyncset.done $0x0  }
0x148: {  	[sflag:s10] =	ssyncadd.s32 $0xFFFFC000  }
0x149: {  	[spmem:s18] =	stream.indirect.scatter.add.f32 [tilespmem:s9], [sflag:$0x3], $0x80, s22, s7, $0xb8;
	[tilespmem:$0x1DC00] =	vst v63  }
0x14a: {  	_ =	swait.ge [sflag:s5], $0x4000  }
0x14b: {  	[sflag:s5] =	ssyncset.done $0x0  }
0x14c: {  	s15 =	simm.s32 $0x0;
	s26 =	rddreg [dreg:$0xc];
	[sflag:s5] =	ssyncadd.s32 $0xFFFFC000  }
0x14d: {  	[tilespmem:s15], [sflag:$0x3] =	stream.linear.gather [hbm4b:s26+s15], $0x1000, $0x38;
	[tilespmem:$0x1DC00] =	vst v63  }
0x14e: {  	_ =	swait.ge [sflag:s5], $0x1000  }
0x14f: {  	[sflag:s5] =	ssyncset.done $0x0  }
0x150: {  	s29 =	rddreg [dreg:$0xd];
	[sflag:s5] =	ssyncadd.s32 $0xFFFFF000  }
0x151: {  	[tilespmem:s6], [sflag:$0x3] =	stream.linear.gather [hbm4b:s29+s15], $0x1000, $0x38;
	[tilespmem:$0x1DC00] =	vst v63  }
0x152: {  	_ =	swait.ge [sflag:s5], $0x1000  }
0x153: {  	[sflag:s5] =	ssyncset.done $0x0  }
0x154: {  	[sflag:s5] =	ssyncadd.s32 $0xFFFFF000  }
0x155: {  	[tilespmem:s4], [sflag:$0x1] =	stream.indirect.gather [hbm4b:s19+s7], $0x80, s15, s7, $0xb8;
	[tilespmem:$0x1DC00] =	vst v63  }
0x156: {  	_ =	swait.ge [sflag:s8], $0x4000  }
0x157: {  	[sflag:s8] =	ssyncset.done $0x0  }
0x158: {  	s26 =	simm.s32 $0x80;
	[sflag:s8] =	ssyncadd.s32 $0xFFFFC000  }
0x159: {  	[tilespmem:s9], [sflag:$0x2] =	stream.indirect.gather [hbm4b:s19+s7], $0x80, s26, s7, $0xb8;
	[tilespmem:$0x1DC00] =	vst v63  }
0x15a: {  	s29 =	simm.s32 $0x1000  }
0x15b: {  	[spmem:s18] =	stream.indirect.scatter.add.f32 [tilespmem:s4], [sflag:$0x3], $0x80, s29, s7, $0xb8;
	[tilespmem:$0x1DC00] =	vst v63  }
0x15c: {  	_ =	swait.ge [sflag:s5], $0x4000  }
0x15d: {  	[sflag:s5] =	ssyncset.done $0x0  }
0x15e: {  	[sflag:s5] =	ssyncadd.s32 $0xFFFFC000  }
0x15f: {  	_ =	swait.ge [sflag:s10], $0x4000  }
0x160: {  	[sflag:s10] =	ssyncset.done $0x0  }
0x161: {  	s26 =	simm.s32 $0x100;
	[sflag:s10] =	ssyncadd.s32 $0xFFFFC000  }
0x162: {  	[tilespmem:s4], [sflag:$0x1] =	stream.indirect.gather [hbm4b:s19+s7], $0x80, s26, s7, $0xb8;
	[tilespmem:$0x1DC00] =	vst v63  }
0x163: {  	s29 =	simm.s32 $0x1080  }
0x164: {  	[spmem:s18] =	stream.indirect.scatter.add.f32 [tilespmem:s9], [sflag:$0x3], $0x80, s29, s7, $0xb8;
	[tilespmem:$0x1DC00] =	vst v63  }
0x165: {  	_ =	swait.ge [sflag:s5], $0x4000  }
0x166: {  	s26 =	simm.s32 $0x400;
	[sflag:s5] =	ssyncset.done $0x0  }
.LBB2_9:
0x167: {  	p1 =	seq.s32 s26, $0x3800  }
0x168: {  	[sflag:s5] =	ssyncadd.s32 $0xFFFFC000;
	s15 =	smov.u32 s26;
	s26 =	sadd.s32 $0x400, s26  }
0x169: {  	_ = 	snop  }
0x16a: {  	_ =	swait.ge [sflag:s8], $0x4000  }
0x16b: {  	s15 =	sshra.s32 s15, $0x2;
	[sflag:s8] =	ssyncset.done $0x0  }
0x16c: {  	s29 =	sadd.s32 $0x80, s15;
	[sflag:s8] =	ssyncadd.s32 $0xFFFFC000  }
0x16d: {  	[tilespmem:s9], [sflag:$0x2] =	stream.indirect.gather [hbm4b:s19+s7], $0x80, s29, s7, $0xb8;
	[tilespmem:$0x1DC00] =	vst v63  }
0x16e: {  	s29 =	sadd.s32 $0x1000, s15  }
0x16f: {  	[spmem:s18] =	stream.indirect.scatter.add.f32 [tilespmem:s4], [sflag:$0x3], $0x80, s29, s7, $0xb8;
	[tilespmem:$0x1DC00] =	vst v63  }
0x170: {  	_ =	swait.ge [sflag:s5], $0x4000  }
0x171: {  	[sflag:s5] =	ssyncset.done $0x0  }
0x172: {  	[sflag:s5] =	ssyncadd.s32 $0xFFFFC000  }
0x173: {  	_ =	swait.ge [sflag:s10], $0x4000  }
0x174: {  	[sflag:s10] =	ssyncset.done $0x0  }
0x175: {  	s29 =	sadd.s32 $0x100, s15;
	[sflag:s10] =	ssyncadd.s32 $0xFFFFC000  }
0x176: {  	[tilespmem:s4], [sflag:$0x1] =	stream.indirect.gather [hbm4b:s19+s7], $0x80, s29, s7, $0xb8;
	[tilespmem:$0x1DC00] =	vst v63  }
.Ltmp6:
0x177: {  	_ = 	snop;
	(pc) =	sbr.rel @!p1 .LBB2_9-.Ltmp6, $4  }
0x178: {  	s15 =	sadd.s32 $0x1080, s15  }
0x179: {  	[spmem:s18] =	stream.indirect.scatter.add.f32 [tilespmem:s9], [sflag:$0x3], $0x80, s15, s7, $0xb8;
	[tilespmem:$0x1DC00] =	vst v63  }
0x17a: {  	_ =	swait.ge [sflag:s5], $0x4000  }
0x17b: {  	[sflag:s5] =	ssyncset.done $0x0  }
.Ltmp7:
0x17c: {  	(pc) =	sbr.rel .LBB2_16-.Ltmp7, $2  }
0x17d: {  	_ =	sdelay $0x2  }
0x17e: {  	[sflag:s5] =	ssyncadd.s32 $0xFFFFC000  }
.LBB2_11:
0x17f: {  	s26 =	sshra.s32 s1, $0x2;
	s29 =	sadd.s32 $0x200, s1  }
.LBB2_12:
0x180: {  	p1 =	sne.s32 s29, $0xFE00;
	[tilespmem:s26+$0x2070] =	vst v0  }
0x181: {  	[tilespmem:s26+$0x2000] =	vst v0  }
0x182: {  	[tilespmem:s26+$0x2010] =	vst v0  }
.Ltmp8:
0x183: {  	[tilespmem:s26+$0x2020] =	vst v0;
	(pc) =	sbr.rel @p1 .LBB2_12-.Ltmp8, $4  }
0x184: {  	[tilespmem:s26+$0x2030] =	vst v0  }
0x185: {  	[tilespmem:s26+$0x2040] =	vst v0  }
0x186: {  	[tilespmem:s26+$0x2050] =	vst v0  }
0x187: {  	[tilespmem:s26+$0x2060] =	vst v0;
	s26 =	sshra.s32 s29, $0x2;
	s29 =	sadd.s32 $0x200, s29  }
0x188: {  	[tilespmem:s26+$0x2070] =	vst v0  }
0x189: {  	[tilespmem:s26+$0x2000] =	vst v0  }
0x18a: {  	[tilespmem:s26+$0x2010] =	vst v0  }
0x18b: {  	[tilespmem:s26+$0x2020] =	vst v0  }
0x18c: {  	[tilespmem:s26+$0x2030] =	vst v0  }
0x18d: {  	[tilespmem:s26+$0x2040] =	vst v0  }
0x18e: {  	[tilespmem:s26+$0x2050] =	vst v0  }
0x18f: {  	[tilespmem:s26+$0x2060] =	vst v0  }
0x190: {  	[spmem:s20] =	stream.linear.scatter [tilespmem:s4], [sflag:$0x3], $0x4000, $0x38;
	[tilespmem:$0x1DC00] =	vst v63  }
0x191: {  	_ =	swait.ge [sflag:s5], $0x4000  }
0x192: {  	[sflag:s5] =	ssyncset.done $0x0  }
0x193: {  	s15 =	rddreg [dreg:$0x13];
	[sflag:s5] =	ssyncadd.s32 $0xFFFFC000  }
0x194: {  	[spmem:s15] =	stream.linear.scatter [tilespmem:s4], [sflag:$0x3], $0x4000, $0x38;
	[tilespmem:$0x1DC00] =	vst v63  }
0x195: {  	_ =	swait.ge [sflag:s5], $0x4000  }
0x196: {  	[sflag:s5] =	ssyncset.done $0x0  }
0x197: {  	[sflag:s5] =	ssyncadd.s32 $0xFFFFC000  }
0x198: {  	[spmem:s0] =	stream.linear.scatter [tilespmem:s4], [sflag:$0x3], $0x4000, $0x38;
	[tilespmem:$0x1DC00] =	vst v63  }
0x199: {  	_ =	swait.ge [sflag:s5], $0x4000  }
0x19a: {  	[sflag:s5] =	ssyncset.done $0x0  }
0x19b: {  	[sflag:s5] =	ssyncadd.s32 $0xFFFFC000  }
0x19c: {  	[spmem:s2] =	stream.linear.scatter [tilespmem:s4], [sflag:$0x3], $0x4000, $0x38;
	[tilespmem:$0x1DC00] =	vst v63  }
0x19d: {  	_ =	swait.ge [sflag:s5], $0x4000  }
0x19e: {  	[sflag:s5] =	ssyncset.done $0x0  }
0x19f: {  	[sflag:s5] =	ssyncadd.s32 $0xFFFFC000  }
0x1a0: {  	[spmem:s3] =	stream.linear.scatter [tilespmem:s4], [sflag:$0x3], $0x3C00, $0x38;
	[tilespmem:$0x1DC00] =	vst v63  }
0x1a1: {  	_ =	swait.ge [sflag:s5], $0x3C00  }
0x1a2: {  	[sflag:s5] =	ssyncset.done $0x0  }
0x1a3: {  	[sflag:s5] =	ssyncadd.s32 $0xFFFFC400  }
0x1a4: {  	[bflag:$0x0] =	sbarrier.arrive $0xFFFF  }
0x1a5: {  	s26 =	simm.s32 $0x0;
	s29 =	rddreg [dreg:$0x4]  }
0x1a6: {  	[tilespmem:s26], [sflag:$0x3] =	stream.linear.gather [hbm4b:s29+s26], $0x1000, $0x38;
	[tilespmem:$0x1DC00] =	vst v63  }
0x1a7: {  	_ =	swait.ge [sflag:s5], $0x1000  }
0x1a8: {  	[sflag:s5] =	ssyncset.done $0x0  }
0x1a9: {  	s29 =	rddreg [dreg:$0x5];
	[sflag:s5] =	ssyncadd.s32 $0xFFFFF000  }
0x1aa: {  	[tilespmem:s6], [sflag:$0x3] =	stream.linear.gather [hbm4b:s29+s26], $0x1000, $0x38;
	[tilespmem:$0x1DC00] =	vst v63  }
0x1ab: {  	_ =	swait.ge [sflag:s5], $0x1000  }
0x1ac: {  	[sflag:s5] =	ssyncset.done $0x0  }
0x1ad: {  	[sflag:s5] =	ssyncadd.s32 $0xFFFFF000  }
0x1ae: {  	[tilespmem:s4], [sflag:$0x1] =	stream.indirect.gather [hbm4b:s19+s7], $0x80, s26, s7, $0xb8;
	[tilespmem:$0x1DC00] =	vst v63  }
0x1af: {  	_ =	swait.ge [sflag:s8], $0x4000  }
0x1b0: {  	[sflag:s8] =	ssyncset.done $0x0  }
0x1b1: {  	s26 =	simm.s32 $0x80;
	[sflag:s8] =	ssyncadd.s32 $0xFFFFC000  }
0x1b2: {  	[tilespmem:s9], [sflag:$0x2] =	stream.indirect.gather [hbm4b:s19+s7], $0x80, s26, s7, $0xb8;
	[tilespmem:$0x1DC00] =	vst v63  }
0x1b3: {  	s29 =	simm.s32 $0x1000  }
0x1b4: {  	[spmem:s18] =	stream.indirect.scatter.add.f32 [tilespmem:s4], [sflag:$0x3], $0x80, s29, s7, $0xb8;
	[tilespmem:$0x1DC00] =	vst v63  }
0x1b5: {  	_ =	swait.ge [sflag:s5], $0x4000  }
0x1b6: {  	[sflag:s5] =	ssyncset.done $0x0  }
0x1b7: {  	[sflag:s5] =	ssyncadd.s32 $0xFFFFC000  }
0x1b8: {  	_ =	swait.ge [sflag:s10], $0x4000  }
0x1b9: {  	[sflag:s10] =	ssyncset.done $0x0  }
0x1ba: {  	s26 =	simm.s32 $0x100;
	[sflag:s10] =	ssyncadd.s32 $0xFFFFC000  }
0x1bb: {  	[tilespmem:s4], [sflag:$0x1] =	stream.indirect.gather [hbm4b:s19+s7], $0x80, s26, s7, $0xb8;
	[tilespmem:$0x1DC00] =	vst v63  }
0x1bc: {  	s29 =	simm.s32 $0x1080  }
0x1bd: {  	[spmem:s18] =	stream.indirect.scatter.add.f32 [tilespmem:s9], [sflag:$0x3], $0x80, s29, s7, $0xb8;
	[tilespmem:$0x1DC00] =	vst v63  }
0x1be: {  	_ =	swait.ge [sflag:s5], $0x4000  }
0x1bf: {  	s26 =	simm.s32 $0x400;
	[sflag:s5] =	ssyncset.done $0x0  }
.LBB2_14:
0x1c0: {  	p1 =	sne.s32 s26, $0x3800  }
0x1c1: {  	[sflag:s5] =	ssyncadd.s32 $0xFFFFC000;
	s15 =	smov.u32 s26;
	s26 =	sadd.s32 $0x400, s26  }
0x1c2: {  	_ = 	snop  }
0x1c3: {  	_ =	swait.ge [sflag:s8], $0x4000  }
0x1c4: {  	s15 =	sshra.s32 s15, $0x2;
	[sflag:s8] =	ssyncset.done $0x0  }
0x1c5: {  	s29 =	sadd.s32 $0x80, s15;
	[sflag:s8] =	ssyncadd.s32 $0xFFFFC000  }
0x1c6: {  	[tilespmem:s9], [sflag:$0x2] =	stream.indirect.gather [hbm4b:s19+s7], $0x80, s29, s7, $0xb8;
	[tilespmem:$0x1DC00] =	vst v63  }
0x1c7: {  	s29 =	sadd.s32 $0x1000, s15  }
0x1c8: {  	[spmem:s18] =	stream.indirect.scatter.add.f32 [tilespmem:s4], [sflag:$0x3], $0x80, s29, s7, $0xb8;
	[tilespmem:$0x1DC00] =	vst v63  }
0x1c9: {  	_ =	swait.ge [sflag:s5], $0x4000  }
0x1ca: {  	[sflag:s5] =	ssyncset.done $0x0  }
0x1cb: {  	[sflag:s5] =	ssyncadd.s32 $0xFFFFC000  }
0x1cc: {  	_ =	swait.ge [sflag:s10], $0x4000  }
0x1cd: {  	[sflag:s10] =	ssyncset.done $0x0  }
0x1ce: {  	s29 =	sadd.s32 $0x100, s15;
	[sflag:s10] =	ssyncadd.s32 $0xFFFFC000  }
0x1cf: {  	[tilespmem:s4], [sflag:$0x1] =	stream.indirect.gather [hbm4b:s19+s7], $0x80, s29, s7, $0xb8;
	[tilespmem:$0x1DC00] =	vst v63  }
.Ltmp9:
0x1d0: {  	_ = 	snop;
	(pc) =	sbr.rel @p1 .LBB2_14-.Ltmp9, $4  }
0x1d1: {  	s15 =	sadd.s32 $0x1080, s15  }
0x1d2: {  	[spmem:s18] =	stream.indirect.scatter.add.f32 [tilespmem:s9], [sflag:$0x3], $0x80, s15, s7, $0xb8;
	[tilespmem:$0x1DC00] =	vst v63  }
0x1d3: {  	_ =	swait.ge [sflag:s5], $0x4000  }
0x1d4: {  	[sflag:s5] =	ssyncset.done $0x0  }
.Ltmp10:
0x1d5: {  	_ = 	snop;
	(pc) =	sbr.rel .LBB2_15-.Ltmp10, $1  }
0x1d6: {  	_ =	sdelay $0x3  }
.LBB2_17:
0x1d7: {  	_ =	sfence.sel $0x180000  }
0x1d8: {  	[bflag:$0x0] =	sbarrier.arrive $0xFFFF  }
0x1d9: {  	_ =	strace $0x90000047  }
0x1da: {  	s0 =	stileid.u32;
	[bflag:$0x2] =	sbarrier.arrive $0xFFFF  }
0x1db: {  	p0 =	sne.s32 s0, $0x0;
	s0 =	rddreg [dreg:$0x3]  }
0x1dc: {  	s0 =	sadd.s32 @!p0 $0x100000, s0  }
0x1dd: {  	[sflag:s0] =	ssyncadd.tile.s32 @!p0 $0x1;
	_ =	shalt  }
.Lfunc_end2:
_tile_overlayer_lowered:
.L_overlay_start_2:
0x1de: {  	(tag) =	ssettag $0x2  }
0x1df: {  	s0 =	rddreg [dreg:$0x0];
	s2 =	stileid.u32  }
0x1e0: {  	s1 =	rddreg [dreg:$0x1];
	p0 =	sne.s32 s2, $0x0  }
0x1e1: {  	s3 =	rddreg [dreg:$0x2];
	[bflag:$0x3] =	sbarrier.arrive $0xFFFF;
	s2 =	simm.s32 @!p0 $0x1C03  }
0x1e2: {  	[timem:s3], [sflag:s2] =	dma.local @!p0 [hbm:s0], s1  }
0x1e3: {  	s0 =	simm.s32 @!p0 $0x3  }
0x1e4: {  	_ =	swait.ge @!p0 [sflag:s0], s1  }
0x1e5: {  	s1 =	ssub.s32 @!p0 $0x0, s1;
	[sflag:s0] =	ssyncset.done @!p0 $0x0  }
0x1e6: {  	[sflag:s0] =	ssyncadd.s32 @!p0 s1  }
0x1e7: {  	[bflag:$0x3] =	sbarrier.arrive $0xFFFF  }
0x1e8: {  	_ =	shalt  }

</sc_bundles>
